<compile_context>
chip_gen: v7x
topology: tpu7x:2x2x1
jax: 0.10.2.dev20260603
libtpu: 0.0.44.dev20260713+nightly
codegen_flags: <defaults>
</compile_context>

<pallas_src>
import functools

import jax
import jax.numpy as jnp
from jax import lax
from jax.experimental import pallas as pl
from jax.experimental.pallas import tpu as pltpu
from jax.experimental.pallas import tpu_sc as plsc

N_NODES = 10000
N_EDGES = 320000
D = 128

NC = 2
NS = 16
NW = NC * NS
E_PER_W = N_EDGES // NW
CHUNK = 125
NCHUNK = E_PER_W // CHUNK
NBUF = 2
PHASE_A = 40
N_ACC = N_NODES
RPT = 624
TAIL = N_NODES - RPT * NS
TAIL_OFF = RPT * NS


def _sc_aggregate(h, src2, dst2, zeros):
    mesh = plsc.VectorSubcoreMesh(core_axis_name="c", subcore_axis_name="s")

    @functools.partial(
        pl.kernel,
        out_type=jax.ShapeDtypeStruct((NC, N_NODES, D), jnp.float32),
        mesh=mesh,
        scratch_types=[
            pltpu.VMEM((PHASE_A + 4, CHUNK), jnp.int32),
            pltpu.VMEM((PHASE_A + 4, CHUNK), jnp.int32),
            pltpu.VMEM((CHUNK, D), jnp.float32),
            pltpu.VMEM((CHUNK, D), jnp.float32),
            pltpu.VMEM_SHARED((N_ACC, D), jnp.float32),
            pltpu.SemaphoreType.DMA((NBUF,)),
            pltpu.SemaphoreType.DMA((NBUF,)),
        ],
    )
    def body(h_hbm, src_hbm, dst_hbm, z_hbm, out_hbm, src_v, dst_v, rows0, rows1,
             acc, gsem, ssem):
        rows = (rows0, rows1)
        cid = lax.axis_index("c")
        sid = lax.axis_index("s")
        wid = sid * NC + cid
        pltpu.sync_copy(z_hbm.at[pl.ds(sid * RPT, RPT)],
                        acc.at[pl.ds(sid * RPT, RPT)])

        @pl.when(sid == NS - 1)
        def _():
            pltpu.sync_copy(z_hbm.at[pl.ds(TAIL_OFF, TAIL)],
                            acc.at[pl.ds(TAIL_OFF, TAIL)])
        plsc.subcore_barrier()

        def g_start(r, b):
            pltpu.async_copy(h_hbm.at[src_v.at[r]], rows[b], gsem.at[b])

        def g_wait(r, b):
            pltpu.make_async_copy(h_hbm.at[src_v.at[r]], rows[b],
                                  gsem.at[b]).wait()

        def s_start(r, b):
            pltpu.async_copy(rows[b], acc.at[dst_v.at[r]], ssem.at[b],
                             add=True)

        def s_wait(r, b):
            pltpu.make_async_copy(rows[b], acc.at[dst_v.at[r]],
                                  ssem.at[b]).wait()

        def uslot(r, b):
            s_wait(r - 1, 1 - b)
            g_start(r + 1, 1 - b)
            g_wait(r, b)
            s_start(r, b)

        def phase(c0, n):
            pltpu.sync_copy(src_hbm.at[wid, pl.ds(c0, n)], src_v.at[pl.ds(0, n)])
            pltpu.sync_copy(dst_hbm.at[wid, pl.ds(c0, n)], dst_v.at[pl.ds(0, n)])
            g_start(0, 0)
            g_start(1, 1)
            g_wait(0, 0)
            s_start(0, 0)
            uslot(1, 1)

            def steady(i, carry):
                for k in (0, 1):
                    uslot(2 * i + 2 + k, k)
                return carry

            lax.fori_loop(0, (n - 4) // 2, steady, 0)
            uslot(n - 2, (n - 2) % 2)
            g_wait(n - 1, (n - 1) % 2)
            s_start(n - 1, (n - 1) % 2)
            s_wait(n - 2, (n - 2) % 2)
            s_wait(n - 1, (n - 1) % 2)

        phase(0, PHASE_A)
        phase(PHASE_A, NCHUNK - PHASE_A)
        plsc.subcore_barrier()
        pltpu.sync_copy(acc.at[pl.ds(sid * RPT, RPT)],
                        out_hbm.at[cid, pl.ds(sid * RPT, RPT)])

        @pl.when(sid == NS - 1)
        def _():
            pltpu.sync_copy(acc.at[pl.ds(TAIL_OFF, TAIL)],
                            out_hbm.at[cid, pl.ds(TAIL_OFF, TAIL)])

    return body(h, src2, dst2, zeros)


def _tc_layer(h, agg2, w_root, w_neigh, bias, do_relu):
    blk = 2000
    grid = N_NODES // blk

    def body(h_ref, a_ref, wr_ref, wn_ref, b_ref, o_ref):
        agg = a_ref[0] + a_ref[1]
        acc = jnp.dot(h_ref[...], wr_ref[...], preferred_element_type=jnp.float32)
        acc += jnp.dot(agg, wn_ref[...], preferred_element_type=jnp.float32)
        acc += b_ref[...]
        if do_relu:
            acc = jnp.maximum(acc, 0.0)
        o_ref[...] = acc

    return pl.pallas_call(
        body,
        out_shape=jax.ShapeDtypeStruct((N_NODES, D), jnp.float32),
        grid=(grid,),
        in_specs=[
            pl.BlockSpec((blk, D), lambda i: (i, 0)),
            pl.BlockSpec((NC, blk, D), lambda i: (0, i, 0)),
            pl.BlockSpec((D, D), lambda i: (0, 0)),
            pl.BlockSpec((D, D), lambda i: (0, 0)),
            pl.BlockSpec((1, D), lambda i: (0, 0)),
        ],
        out_specs=pl.BlockSpec((blk, D), lambda i: (i, 0)),
    )(h, agg2, w_root, w_neigh, bias)


def kernel(x, edge_index, W_root1, W_neigh1, b1, W_root2, W_neigh2, b2):
    src2 = edge_index[0].reshape(NW, NCHUNK, CHUNK)
    dst2 = edge_index[1].reshape(NW, NCHUNK, CHUNK)
    zeros = jnp.zeros((N_NODES, D), jnp.float32)
    b1r = b1.reshape(1, D)
    b2r = b2.reshape(1, D)

    agg1 = _sc_aggregate(x, src2, dst2, zeros)
    h1 = _tc_layer(x, agg1, W_root1, W_neigh1, b1r, True)
    agg2 = _sc_aggregate(h1, src2, dst2, zeros)
    return _tc_layer(h1, agg2, W_root2, W_neigh2, b2r, False)

# --- scband reference (transcript-rebuilt; emitter-appended) ---
"""Pipeline reference for scband-base-gnn-28174985461956 (READ-ONLY COPY).

The authoritative reference and input builder live on the scoring server;
editing this copy changes nothing except your own understanding.
"""

import jax, jax.numpy as jnp
import numpy as np

N_NODES = 10000
N_EDGES = 320000
D_FEAT = 128


def setup_inputs(seed: int = 0) -> dict:
    key = jax.random.key(seed)
    ks = jax.random.split(key, 9)
    x = jax.random.normal(ks[0], (N_NODES, D_FEAT), dtype=jnp.float32)
    edge_index = jax.random.randint(ks[1], (2, N_EDGES), 0, N_NODES, dtype=jnp.int32)
    scale = 1.0 / np.sqrt(D_FEAT)
    W_root1 = jax.random.normal(ks[2], (D_FEAT, D_FEAT), dtype=jnp.float32) * scale
    W_neigh1 = jax.random.normal(ks[3], (D_FEAT, D_FEAT), dtype=jnp.float32) * scale
    b1 = jnp.zeros((D_FEAT,), dtype=jnp.float32)
    W_root2 = jax.random.normal(ks[4], (D_FEAT, D_FEAT), dtype=jnp.float32) * scale
    W_neigh2 = jax.random.normal(ks[5], (D_FEAT, D_FEAT), dtype=jnp.float32) * scale
    b2 = jnp.zeros((D_FEAT,), dtype=jnp.float32)
    return {"x": x, "edge_index": edge_index, "W_root1": W_root1, "W_neigh1": W_neigh1, "b1": b1, "W_root2": W_root2, "W_neigh2": W_neigh2, "b2": b2}


def _graph_conv(h, src, dst, W_root, W_neigh, b):
    # message passing: gather source features, scatter-add to destination nodes
    msg = jnp.take(h, src, axis=0)
    agg = jax.ops.segment_sum(msg, dst, num_segments=h.shape[0])
    return h @ W_root + agg @ W_neigh + b


def reference(x, edge_index, W_root1, W_neigh1, b1, W_root2, W_neigh2, b2):
    # BaseGNN.forward: for conv in convs[:-1]: x = relu(conv(x, ei)); dropout(p=0.0)
    #                  x = convs[-1](x, ei)
    src = edge_index[0]
    dst = edge_index[1]
    h = _graph_conv(x, src, dst, W_root1, W_neigh1, b1)
    h = jax.nn.relu(h)
    # dropout with p=0.0 is the identity
    h = _graph_conv(h, src, dst, W_root2, W_neigh2, b2)
    return h

if __name__ == "__main__":
    import jax
    _d = setup_inputs()
    print(jax.jit(kernel)(*tuple(_d.values())))

</pallas_src>

<mosaic_0001>
#map = affine_map<(d0, d1) -> (0, 0)>
#map1 = affine_map<(d0, d1) -> (0, 0, 0)>
module attributes {stable_mosaic.version = 14 : i64} {
  func.func @body(%arg0: i32, %arg1: i32, %arg2: memref<10000x128xf32, #tpu.memory_space<hbm>>, %arg3: memref<32x80x125xi32, #tpu.memory_space<hbm>>, %arg4: memref<32x80x125xi32, #tpu.memory_space<hbm>>, %arg5: memref<10000x128xf32, #tpu.memory_space<hbm>>, %arg6: memref<2x10000x128xf32, #tpu.memory_space<hbm>>, %arg7: memref<44x125xi32, #tpu.memory_space<vmem>>, %arg8: memref<44x125xi32, #tpu.memory_space<vmem>>, %arg9: memref<125x128xf32, #tpu.memory_space<vmem>>, %arg10: memref<125x128xf32, #tpu.memory_space<vmem>>, %arg11: memref<10000x128xf32, #tpu.memory_space<vmem_shared>>, %arg12: memref<2x!tpu.dma_semaphore, #tpu.memory_space<semaphore_mem>>, %arg13: memref<2x!tpu.dma_semaphore, #tpu.memory_space<semaphore_mem>>) attributes {dimension_semantics = [#tpu.dimension_semantics<core_parallel>, #tpu.dimension_semantics<subcore_parallel>], iteration_bounds = array<i64: 2, 16>, scalar_prefetch = 0 : i64, scratch_operands = 7 : i64, tpu.core_type = #tpu.core_type<sc_vector_subcore>, window_params = [{transform_indices = #map}, {transform_indices = #map1}, {transform_indices = #map1}, {transform_indices = #map}, {transform_indices = #map1}]} {
    %mul3A = arith.constant 2 : i32
    %mul3A_0 = arith.muli %arg1, %mul3A : i32
    %add3A = arith.addi %mul3A_0, %arg0 : i32
    %mul3A_1 = arith.constant 624 : i32
    %mul3A_2 = arith.muli %arg1, %mul3A_1 : i32
    %mul3A_3 = arith.constant 624 : i32
    %mul3A_4 = arith.muli %arg1, %mul3A_3 : i32
    "tpu.region"() ({
      %run_scoped3A = tpu.sem_alloc : memref<!tpu.dma_semaphore, #tpu.memory_space<semaphore_mem>>
      %dma_start3A_346 = arith.constant 0 : i32
      %dma_start3A_347 = tpu.memref_slice %arg11[%mul3A_4, %dma_start3A_346] : memref<10000x128xf32, #tpu.memory_space<vmem_shared>> -> memref<624x128xf32, #tpu.memory_space<vmem_shared>>
      %dma_start3A_348 = arith.constant 0 : i32
      %dma_start3A_349 = tpu.memref_slice %arg5[%mul3A_2, %dma_start3A_348] : memref<10000x128xf32, #tpu.memory_space<hbm>> -> memref<624x128xf32, #tpu.memory_space<hbm>>
      tpu.enqueue_dma source(%dma_start3A_349 : memref<624x128xf32, #tpu.memory_space<hbm>>) target(%dma_start3A_347 : memref<624x128xf32, #tpu.memory_space<vmem_shared>>) target_semaphore(%run_scoped3A : memref<!tpu.dma_semaphore, #tpu.memory_space<semaphore_mem>>)
      %dma_wait3A_350 = arith.constant 0 : i32
      %dma_wait3A_351 = tpu.memref_slice %arg11[%mul3A_4, %dma_wait3A_350] : memref<10000x128xf32, #tpu.memory_space<vmem_shared>> -> memref<624x128xf32, #tpu.memory_space<vmem_shared>>
      %dma_wait3A_352 = arith.constant 0 : i32
      %dma_wait3A_353 = tpu.memref_slice %arg5[%mul3A_2, %dma_wait3A_352] : memref<10000x128xf32, #tpu.memory_space<hbm>> -> memref<624x128xf32, #tpu.memory_space<hbm>>
      tpu.wait_dma2 semaphore(%run_scoped3A : memref<!tpu.dma_semaphore, #tpu.memory_space<semaphore_mem>>) src(%dma_wait3A_353 : memref<624x128xf32, #tpu.memory_space<hbm>>) dst(%dma_wait3A_351 : memref<624x128xf32, #tpu.memory_space<vmem_shared>>)
      tpu.yield
    }) : () -> ()
    %eq3A = arith.constant 15 : i32
    %eq3A_5 = arith.cmpi eq, %arg1, %eq3A : i32
    %convert_element_type3A = arith.extui %eq3A_5 : i1 to i32
    %cond3A = arith.constant 0 : i32
    %cond3A_6 = arith.cmpi ne, %convert_element_type3A, %cond3A : i32
    scf.if %cond3A_6 {
      "tpu.region"() ({
        %run_scoped3A = tpu.sem_alloc : memref<!tpu.dma_semaphore, #tpu.memory_space<semaphore_mem>>
        %dma_start3A_346 = arith.constant 9984 : i32
        %dma_start3A_347 = arith.constant 0 : i32
        %dma_start3A_348 = tpu.memref_slice %arg11[%dma_start3A_346, %dma_start3A_347] : memref<10000x128xf32, #tpu.memory_space<vmem_shared>> -> memref<16x128xf32, #tpu.memory_space<vmem_shared>>
        %dma_start3A_349 = arith.constant 9984 : i32
        %dma_start3A_350 = arith.constant 0 : i32
        %dma_start3A_351 = tpu.memref_slice %arg5[%dma_start3A_349, %dma_start3A_350] : memref<10000x128xf32, #tpu.memory_space<hbm>> -> memref<16x128xf32, #tpu.memory_space<hbm>>
        tpu.enqueue_dma source(%dma_start3A_351 : memref<16x128xf32, #tpu.memory_space<hbm>>) target(%dma_start3A_348 : memref<16x128xf32, #tpu.memory_space<vmem_shared>>) target_semaphore(%run_scoped3A : memref<!tpu.dma_semaphore, #tpu.memory_space<semaphore_mem>>)
        %dma_wait3A_352 = arith.constant 9984 : i32
        %dma_wait3A_353 = arith.constant 0 : i32
        %dma_wait3A_354 = tpu.memref_slice %arg11[%dma_wait3A_352, %dma_wait3A_353] : memref<10000x128xf32, #tpu.memory_space<vmem_shared>> -> memref<16x128xf32, #tpu.memory_space<vmem_shared>>
        %dma_wait3A_355 = arith.constant 9984 : i32
        %dma_wait3A_356 = arith.constant 0 : i32
        %dma_wait3A_357 = tpu.memref_slice %arg5[%dma_wait3A_355, %dma_wait3A_356] : memref<10000x128xf32, #tpu.memory_space<hbm>> -> memref<16x128xf32, #tpu.memory_space<hbm>>
        tpu.wait_dma2 semaphore(%run_scoped3A : memref<!tpu.dma_semaphore, #tpu.memory_space<semaphore_mem>>) src(%dma_wait3A_357 : memref<16x128xf32, #tpu.memory_space<hbm>>) dst(%dma_wait3A_354 : memref<16x128xf32, #tpu.memory_space<vmem_shared>>)
        tpu.yield
      }) : () -> ()
    } else {
    }
    %barrier3A = arith.constant 0 : index
    tpu.barrier barrier_id(%barrier3A)
    "tpu.region"() ({
      %run_scoped3A = tpu.sem_alloc : memref<!tpu.dma_semaphore, #tpu.memory_space<semaphore_mem>>
      %dma_start3A_346 = arith.constant 0 : i32
      %dma_start3A_347 = arith.constant 0 : i32
      %dma_start3A_348 = tpu.memref_slice %arg7[%dma_start3A_346, %dma_start3A_347] : memref<44x125xi32, #tpu.memory_space<vmem>> -> memref<40x125xi32, #tpu.memory_space<vmem>>
      %dma_start3A_349 = arith.constant 0 : i32
      %dma_start3A_350 = arith.constant 0 : i32
      %dma_start3A_351 = tpu.memref_slice %arg3[%add3A, %dma_start3A_349, %dma_start3A_350] : memref<32x80x125xi32, #tpu.memory_space<hbm>> -> memref<1x40x125xi32, #tpu.memory_space<hbm>>
      %dma_start3A_352 = tpu.memref_squeeze %dma_start3A_351 : memref<1x40x125xi32, #tpu.memory_space<hbm>> -> memref<40x125xi32, #tpu.memory_space<hbm>>
      %dma_start3A_353 = arith.constant 0 : i32
      %dma_start3A_354 = arith.constant 0 : i32
      %dma_start3A_355 = tpu.memref_slice %arg7[%dma_start3A_353, %dma_start3A_354] : memref<44x125xi32, #tpu.memory_space<vmem>> -> memref<40x125xi32, #tpu.memory_space<vmem>>
      %dma_start3A_356 = arith.constant 0 : i32
      %dma_start3A_357 = arith.constant 0 : i32
      %dma_start3A_358 = tpu.memref_slice %arg3[%add3A, %dma_start3A_356, %dma_start3A_357] : memref<32x80x125xi32, #tpu.memory_space<hbm>> -> memref<1x40x125xi32, #tpu.memory_space<hbm>>
      %dma_start3A_359 = tpu.memref_squeeze %dma_start3A_358 : memref<1x40x125xi32, #tpu.memory_space<hbm>> -> memref<40x125xi32, #tpu.memory_space<hbm>>
      tpu.enqueue_dma source(%dma_start3A_359 : memref<40x125xi32, #tpu.memory_space<hbm>>) target(%dma_start3A_355 : memref<40x125xi32, #tpu.memory_space<vmem>>) target_semaphore(%run_scoped3A : memref<!tpu.dma_semaphore, #tpu.memory_space<semaphore_mem>>)
      %dma_wait3A_360 = arith.constant 0 : i32
      %dma_wait3A_361 = arith.constant 0 : i32
      %dma_wait3A_362 = tpu.memref_slice %arg7[%dma_wait3A_360, %dma_wait3A_361] : memref<44x125xi32, #tpu.memory_space<vmem>> -> memref<40x125xi32, #tpu.memory_space<vmem>>
      %dma_wait3A_363 = arith.constant 0 : i32
      %dma_wait3A_364 = arith.constant 0 : i32
      %dma_wait3A_365 = tpu.memref_slice %arg3[%add3A, %dma_wait3A_363, %dma_wait3A_364] : memref<32x80x125xi32, #tpu.memory_space<hbm>> -> memref<1x40x125xi32, #tpu.memory_space<hbm>>
      %dma_wait3A_366 = tpu.memref_squeeze %dma_wait3A_365 : memref<1x40x125xi32, #tpu.memory_space<hbm>> -> memref<40x125xi32, #tpu.memory_space<hbm>>
      %dma_wait3A_367 = arith.constant 0 : i32
      %dma_wait3A_368 = arith.constant 0 : i32
      %dma_wait3A_369 = tpu.memref_slice %arg7[%dma_wait3A_367, %dma_wait3A_368] : memref<44x125xi32, #tpu.memory_space<vmem>> -> memref<40x125xi32, #tpu.memory_space<vmem>>
      %dma_wait3A_370 = arith.constant 0 : i32
      %dma_wait3A_371 = arith.constant 0 : i32
      %dma_wait3A_372 = tpu.memref_slice %arg3[%add3A, %dma_wait3A_370, %dma_wait3A_371] : memref<32x80x125xi32, #tpu.memory_space<hbm>> -> memref<1x40x125xi32, #tpu.memory_space<hbm>>
      %dma_wait3A_373 = tpu.memref_squeeze %dma_wait3A_372 : memref<1x40x125xi32, #tpu.memory_space<hbm>> -> memref<40x125xi32, #tpu.memory_space<hbm>>
      tpu.wait_dma2 semaphore(%run_scoped3A : memref<!tpu.dma_semaphore, #tpu.memory_space<semaphore_mem>>) src(%dma_wait3A_373 : memref<40x125xi32, #tpu.memory_space<hbm>>) dst(%dma_wait3A_369 : memref<40x125xi32, #tpu.memory_space<vmem>>)
      tpu.yield
    }) : () -> ()
    "tpu.region"() ({
      %run_scoped3A = tpu.sem_alloc : memref<!tpu.dma_semaphore, #tpu.memory_space<semaphore_mem>>
      %dma_start3A_346 = arith.constant 0 : i32
      %dma_start3A_347 = arith.constant 0 : i32
      %dma_start3A_348 = tpu.memref_slice %arg8[%dma_start3A_346, %dma_start3A_347] : memref<44x125xi32, #tpu.memory_space<vmem>> -> memref<40x125xi32, #tpu.memory_space<vmem>>
      %dma_start3A_349 = arith.constant 0 : i32
      %dma_start3A_350 = arith.constant 0 : i32
      %dma_start3A_351 = tpu.memref_slice %arg4[%add3A, %dma_start3A_349, %dma_start3A_350] : memref<32x80x125xi32, #tpu.memory_space<hbm>> -> memref<1x40x125xi32, #tpu.memory_space<hbm>>
      %dma_start3A_352 = tpu.memref_squeeze %dma_start3A_351 : memref<1x40x125xi32, #tpu.memory_space<hbm>> -> memref<40x125xi32, #tpu.memory_space<hbm>>
      %dma_start3A_353 = arith.constant 0 : i32
      %dma_start3A_354 = arith.constant 0 : i32
      %dma_start3A_355 = tpu.memref_slice %arg8[%dma_start3A_353, %dma_start3A_354] : memref<44x125xi32, #tpu.memory_space<vmem>> -> memref<40x125xi32, #tpu.memory_space<vmem>>
      %dma_start3A_356 = arith.constant 0 : i32
      %dma_start3A_357 = arith.constant 0 : i32
      %dma_start3A_358 = tpu.memref_slice %arg4[%add3A, %dma_start3A_356, %dma_start3A_357] : memref<32x80x125xi32, #tpu.memory_space<hbm>> -> memref<1x40x125xi32, #tpu.memory_space<hbm>>
      %dma_start3A_359 = tpu.memref_squeeze %dma_start3A_358 : memref<1x40x125xi32, #tpu.memory_space<hbm>> -> memref<40x125xi32, #tpu.memory_space<hbm>>
      tpu.enqueue_dma source(%dma_start3A_359 : memref<40x125xi32, #tpu.memory_space<hbm>>) target(%dma_start3A_355 : memref<40x125xi32, #tpu.memory_space<vmem>>) target_semaphore(%run_scoped3A : memref<!tpu.dma_semaphore, #tpu.memory_space<semaphore_mem>>)
      %dma_wait3A_360 = arith.constant 0 : i32
      %dma_wait3A_361 = arith.constant 0 : i32
      %dma_wait3A_362 = tpu.memref_slice %arg8[%dma_wait3A_360, %dma_wait3A_361] : memref<44x125xi32, #tpu.memory_space<vmem>> -> memref<40x125xi32, #tpu.memory_space<vmem>>
      %dma_wait3A_363 = arith.constant 0 : i32
      %dma_wait3A_364 = arith.constant 0 : i32
      %dma_wait3A_365 = tpu.memref_slice %arg4[%add3A, %dma_wait3A_363, %dma_wait3A_364] : memref<32x80x125xi32, #tpu.memory_space<hbm>> -> memref<1x40x125xi32, #tpu.memory_space<hbm>>
      %dma_wait3A_366 = tpu.memref_squeeze %dma_wait3A_365 : memref<1x40x125xi32, #tpu.memory_space<hbm>> -> memref<40x125xi32, #tpu.memory_space<hbm>>
      %dma_wait3A_367 = arith.constant 0 : i32
      %dma_wait3A_368 = arith.constant 0 : i32
      %dma_wait3A_369 = tpu.memref_slice %arg8[%dma_wait3A_367, %dma_wait3A_368] : memref<44x125xi32, #tpu.memory_space<vmem>> -> memref<40x125xi32, #tpu.memory_space<vmem>>
      %dma_wait3A_370 = arith.constant 0 : i32
      %dma_wait3A_371 = arith.constant 0 : i32
      %dma_wait3A_372 = tpu.memref_slice %arg4[%add3A, %dma_wait3A_370, %dma_wait3A_371] : memref<32x80x125xi32, #tpu.memory_space<hbm>> -> memref<1x40x125xi32, #tpu.memory_space<hbm>>
      %dma_wait3A_373 = tpu.memref_squeeze %dma_wait3A_372 : memref<1x40x125xi32, #tpu.memory_space<hbm>> -> memref<40x125xi32, #tpu.memory_space<hbm>>
      tpu.wait_dma2 semaphore(%run_scoped3A : memref<!tpu.dma_semaphore, #tpu.memory_space<semaphore_mem>>) src(%dma_wait3A_373 : memref<40x125xi32, #tpu.memory_space<hbm>>) dst(%dma_wait3A_369 : memref<40x125xi32, #tpu.memory_space<vmem>>)
      tpu.yield
    }) : () -> ()
    %dma_start3A = arith.constant 0 : i32
    %dma_start3A_7 = arith.constant 0 : i32
    %dma_start3A_8 = arith.constant 0 : i32
    %dma_start3A_9 = tpu.memref_slice %arg7[%dma_start3A, %dma_start3A_8] : memref<44x125xi32, #tpu.memory_space<vmem>> -> memref<1x125xi32, #tpu.memory_space<vmem>>
    %dma_start3A_10 = tpu.memref_squeeze %dma_start3A_9 : memref<1x125xi32, #tpu.memory_space<vmem>> -> memref<125xi32, #tpu.memory_space<vmem>>
    %dma_start3A_11 = arith.constant 0 : i32
    %dma_start3A_12 = arith.constant 0 : i32
    %dma_start3A_13 = tpu.memref_slice %arg2[%dma_start3A_11, %dma_start3A_12] : memref<10000x128xf32, #tpu.memory_space<hbm>> -> memref<10000x128xf32, #tpu.memory_space<hbm>>
    %dma_start3A_14 = tpu.memref_slice %arg12[%dma_start3A_7] : memref<2x!tpu.dma_semaphore, #tpu.memory_space<semaphore_mem>> -> memref<1x!tpu.dma_semaphore, #tpu.memory_space<semaphore_mem>>
    %dma_start3A_15 = tpu.memref_squeeze %dma_start3A_14 : memref<1x!tpu.dma_semaphore, #tpu.memory_space<semaphore_mem>> -> memref<!tpu.dma_semaphore, #tpu.memory_space<semaphore_mem>>
    tpu.enqueue_indirect_dma source(%dma_start3A_13 : memref<10000x128xf32, #tpu.memory_space<hbm>>) target(%arg9 : memref<125x128xf32, #tpu.memory_space<vmem>>) offsets(%dma_start3A_10 : memref<125xi32, #tpu.memory_space<vmem>>) semaphore(%dma_start3A_15 : memref<!tpu.dma_semaphore, #tpu.memory_space<semaphore_mem>>)
    %dma_start3A_16 = arith.constant 1 : i32
    %dma_start3A_17 = arith.constant 1 : i32
    %dma_start3A_18 = arith.constant 0 : i32
    %dma_start3A_19 = tpu.memref_slice %arg7[%dma_start3A_16, %dma_start3A_18] : memref<44x125xi32, #tpu.memory_space<vmem>> -> memref<1x125xi32, #tpu.memory_space<vmem>>
    %dma_start3A_20 = tpu.memref_squeeze %dma_start3A_19 : memref<1x125xi32, #tpu.memory_space<vmem>> -> memref<125xi32, #tpu.memory_space<vmem>>
    %dma_start3A_21 = arith.constant 0 : i32
    %dma_start3A_22 = arith.constant 0 : i32
    %dma_start3A_23 = tpu.memref_slice %arg2[%dma_start3A_21, %dma_start3A_22] : memref<10000x128xf32, #tpu.memory_space<hbm>> -> memref<10000x128xf32, #tpu.memory_space<hbm>>
    %dma_start3A_24 = tpu.memref_slice %arg12[%dma_start3A_17] : memref<2x!tpu.dma_semaphore, #tpu.memory_space<semaphore_mem>> -> memref<1x!tpu.dma_semaphore, #tpu.memory_space<semaphore_mem>>
    %dma_start3A_25 = tpu.memref_squeeze %dma_start3A_24 : memref<1x!tpu.dma_semaphore, #tpu.memory_space<semaphore_mem>> -> memref<!tpu.dma_semaphore, #tpu.memory_space<semaphore_mem>>
    tpu.enqueue_indirect_dma source(%dma_start3A_23 : memref<10000x128xf32, #tpu.memory_space<hbm>>) target(%arg10 : memref<125x128xf32, #tpu.memory_space<vmem>>) offsets(%dma_start3A_20 : memref<125xi32, #tpu.memory_space<vmem>>) semaphore(%dma_start3A_25 : memref<!tpu.dma_semaphore, #tpu.memory_space<semaphore_mem>>)
    %dma_wait3A = arith.constant 0 : i32
    %dma_wait3A_26 = arith.constant 0 : i32
    %dma_wait3A_27 = arith.constant 0 : i32
    %dma_wait3A_28 = tpu.memref_slice %arg7[%dma_wait3A, %dma_wait3A_27] : memref<44x125xi32, #tpu.memory_space<vmem>> -> memref<1x125xi32, #tpu.memory_space<vmem>>
    %dma_wait3A_29 = tpu.memref_squeeze %dma_wait3A_28 : memref<1x125xi32, #tpu.memory_space<vmem>> -> memref<125xi32, #tpu.memory_space<vmem>>
    %dma_wait3A_30 = arith.constant 0 : i32
    %dma_wait3A_31 = arith.constant 0 : i32
    %dma_wait3A_32 = tpu.memref_slice %arg2[%dma_wait3A_30, %dma_wait3A_31] : memref<10000x128xf32, #tpu.memory_space<hbm>> -> memref<10000x128xf32, #tpu.memory_space<hbm>>
    %dma_wait3A_33 = tpu.memref_slice %arg12[%dma_wait3A_26] : memref<2x!tpu.dma_semaphore, #tpu.memory_space<semaphore_mem>> -> memref<1x!tpu.dma_semaphore, #tpu.memory_space<semaphore_mem>>
    %dma_wait3A_34 = tpu.memref_squeeze %dma_wait3A_33 : memref<1x!tpu.dma_semaphore, #tpu.memory_space<semaphore_mem>> -> memref<!tpu.dma_semaphore, #tpu.memory_space<semaphore_mem>>
    tpu.wait_indirect_dma semaphore(%dma_wait3A_34 : memref<!tpu.dma_semaphore, #tpu.memory_space<semaphore_mem>>) src(%dma_wait3A_32 : memref<10000x128xf32, #tpu.memory_space<hbm>>) dst(%arg9 : memref<125x128xf32, #tpu.memory_space<vmem>>)
    %dma_start3A_35 = arith.constant 0 : i32
    %dma_start3A_36 = arith.constant 0 : i32
    %dma_start3A_37 = arith.constant 0 : i32
    %dma_start3A_38 = tpu.memref_slice %arg8[%dma_start3A_35, %dma_start3A_37] : memref<44x125xi32, #tpu.memory_space<vmem>> -> memref<1x125xi32, #tpu.memory_space<vmem>>
    %dma_start3A_39 = tpu.memref_squeeze %dma_start3A_38 : memref<1x125xi32, #tpu.memory_space<vmem>> -> memref<125xi32, #tpu.memory_space<vmem>>
    %dma_start3A_40 = arith.constant 0 : i32
    %dma_start3A_41 = arith.constant 0 : i32
    %dma_start3A_42 = tpu.memref_slice %arg11[%dma_start3A_40, %dma_start3A_41] : memref<10000x128xf32, #tpu.memory_space<vmem_shared>> -> memref<10000x128xf32, #tpu.memory_space<vmem_shared>>
    %dma_start3A_43 = tpu.memref_slice %arg13[%dma_start3A_36] : memref<2x!tpu.dma_semaphore, #tpu.memory_space<semaphore_mem>> -> memref<1x!tpu.dma_semaphore, #tpu.memory_space<semaphore_mem>>
    %dma_start3A_44 = tpu.memref_squeeze %dma_start3A_43 : memref<1x!tpu.dma_semaphore, #tpu.memory_space<semaphore_mem>> -> memref<!tpu.dma_semaphore, #tpu.memory_space<semaphore_mem>>
    tpu.enqueue_indirect_dma source(%arg9 : memref<125x128xf32, #tpu.memory_space<vmem>>) target(%dma_start3A_42 : memref<10000x128xf32, #tpu.memory_space<vmem_shared>>) offsets(%dma_start3A_39 : memref<125xi32, #tpu.memory_space<vmem>>) semaphore(%dma_start3A_44 : memref<!tpu.dma_semaphore, #tpu.memory_space<semaphore_mem>>) {add = true}
    %dma_wait3A_45 = arith.constant 0 : i32
    %dma_wait3A_46 = arith.constant 0 : i32
    %dma_wait3A_47 = arith.constant 0 : i32
    %dma_wait3A_48 = tpu.memref_slice %arg8[%dma_wait3A_45, %dma_wait3A_47] : memref<44x125xi32, #tpu.memory_space<vmem>> -> memref<1x125xi32, #tpu.memory_space<vmem>>
    %dma_wait3A_49 = tpu.memref_squeeze %dma_wait3A_48 : memref<1x125xi32, #tpu.memory_space<vmem>> -> memref<125xi32, #tpu.memory_space<vmem>>
    %dma_wait3A_50 = arith.constant 0 : i32
    %dma_wait3A_51 = arith.constant 0 : i32
    %dma_wait3A_52 = tpu.memref_slice %arg11[%dma_wait3A_50, %dma_wait3A_51] : memref<10000x128xf32, #tpu.memory_space<vmem_shared>> -> memref<10000x128xf32, #tpu.memory_space<vmem_shared>>
    %dma_wait3A_53 = tpu.memref_slice %arg13[%dma_wait3A_46] : memref<2x!tpu.dma_semaphore, #tpu.memory_space<semaphore_mem>> -> memref<1x!tpu.dma_semaphore, #tpu.memory_space<semaphore_mem>>
    %dma_wait3A_54 = tpu.memref_squeeze %dma_wait3A_53 : memref<1x!tpu.dma_semaphore, #tpu.memory_space<semaphore_mem>> -> memref<!tpu.dma_semaphore, #tpu.memory_space<semaphore_mem>>
    tpu.wait_indirect_dma semaphore(%dma_wait3A_54 : memref<!tpu.dma_semaphore, #tpu.memory_space<semaphore_mem>>) src(%arg9 : memref<125x128xf32, #tpu.memory_space<vmem>>) dst(%dma_wait3A_52 : memref<10000x128xf32, #tpu.memory_space<vmem_shared>>)
    %dma_start3A_55 = arith.constant 2 : i32
    %dma_start3A_56 = arith.constant 0 : i32
    %dma_start3A_57 = arith.constant 0 : i32
    %dma_start3A_58 = tpu.memref_slice %arg7[%dma_start3A_55, %dma_start3A_57] : memref<44x125xi32, #tpu.memory_space<vmem>> -> memref<1x125xi32, #tpu.memory_space<vmem>>
    %dma_start3A_59 = tpu.memref_squeeze %dma_start3A_58 : memref<1x125xi32, #tpu.memory_space<vmem>> -> memref<125xi32, #tpu.memory_space<vmem>>
    %dma_start3A_60 = arith.constant 0 : i32
    %dma_start3A_61 = arith.constant 0 : i32
    %dma_start3A_62 = tpu.memref_slice %arg2[%dma_start3A_60, %dma_start3A_61] : memref<10000x128xf32, #tpu.memory_space<hbm>> -> memref<10000x128xf32, #tpu.memory_space<hbm>>
    %dma_start3A_63 = tpu.memref_slice %arg12[%dma_start3A_56] : memref<2x!tpu.dma_semaphore, #tpu.memory_space<semaphore_mem>> -> memref<1x!tpu.dma_semaphore, #tpu.memory_space<semaphore_mem>>
    %dma_start3A_64 = tpu.memref_squeeze %dma_start3A_63 : memref<1x!tpu.dma_semaphore, #tpu.memory_space<semaphore_mem>> -> memref<!tpu.dma_semaphore, #tpu.memory_space<semaphore_mem>>
    tpu.enqueue_indirect_dma source(%dma_start3A_62 : memref<10000x128xf32, #tpu.memory_space<hbm>>) target(%arg9 : memref<125x128xf32, #tpu.memory_space<vmem>>) offsets(%dma_start3A_59 : memref<125xi32, #tpu.memory_space<vmem>>) semaphore(%dma_start3A_64 : memref<!tpu.dma_semaphore, #tpu.memory_space<semaphore_mem>>)
    %dma_wait3A_65 = arith.constant 1 : i32
    %dma_wait3A_66 = arith.constant 1 : i32
    %dma_wait3A_67 = arith.constant 0 : i32
    %dma_wait3A_68 = tpu.memref_slice %arg7[%dma_wait3A_65, %dma_wait3A_67] : memref<44x125xi32, #tpu.memory_space<vmem>> -> memref<1x125xi32, #tpu.memory_space<vmem>>
    %dma_wait3A_69 = tpu.memref_squeeze %dma_wait3A_68 : memref<1x125xi32, #tpu.memory_space<vmem>> -> memref<125xi32, #tpu.memory_space<vmem>>
    %dma_wait3A_70 = arith.constant 0 : i32
    %dma_wait3A_71 = arith.constant 0 : i32
    %dma_wait3A_72 = tpu.memref_slice %arg2[%dma_wait3A_70, %dma_wait3A_71] : memref<10000x128xf32, #tpu.memory_space<hbm>> -> memref<10000x128xf32, #tpu.memory_space<hbm>>
    %dma_wait3A_73 = tpu.memref_slice %arg12[%dma_wait3A_66] : memref<2x!tpu.dma_semaphore, #tpu.memory_space<semaphore_mem>> -> memref<1x!tpu.dma_semaphore, #tpu.memory_space<semaphore_mem>>
    %dma_wait3A_74 = tpu.memref_squeeze %dma_wait3A_73 : memref<1x!tpu.dma_semaphore, #tpu.memory_space<semaphore_mem>> -> memref<!tpu.dma_semaphore, #tpu.memory_space<semaphore_mem>>
    tpu.wait_indirect_dma semaphore(%dma_wait3A_74 : memref<!tpu.dma_semaphore, #tpu.memory_space<semaphore_mem>>) src(%dma_wait3A_72 : memref<10000x128xf32, #tpu.memory_space<hbm>>) dst(%arg10 : memref<125x128xf32, #tpu.memory_space<vmem>>)
    %dma_start3A_75 = arith.constant 1 : i32
    %dma_start3A_76 = arith.constant 1 : i32
    %dma_start3A_77 = arith.constant 0 : i32
    %dma_start3A_78 = tpu.memref_slice %arg8[%dma_start3A_75, %dma_start3A_77] : memref<44x125xi32, #tpu.memory_space<vmem>> -> memref<1x125xi32, #tpu.memory_space<vmem>>
    %dma_start3A_79 = tpu.memref_squeeze %dma_start3A_78 : memref<1x125xi32, #tpu.memory_space<vmem>> -> memref<125xi32, #tpu.memory_space<vmem>>
    %dma_start3A_80 = arith.constant 0 : i32
    %dma_start3A_81 = arith.constant 0 : i32
    %dma_start3A_82 = tpu.memref_slice %arg11[%dma_start3A_80, %dma_start3A_81] : memref<10000x128xf32, #tpu.memory_space<vmem_shared>> -> memref<10000x128xf32, #tpu.memory_space<vmem_shared>>
    %dma_start3A_83 = tpu.memref_slice %arg13[%dma_start3A_76] : memref<2x!tpu.dma_semaphore, #tpu.memory_space<semaphore_mem>> -> memref<1x!tpu.dma_semaphore, #tpu.memory_space<semaphore_mem>>
    %dma_start3A_84 = tpu.memref_squeeze %dma_start3A_83 : memref<1x!tpu.dma_semaphore, #tpu.memory_space<semaphore_mem>> -> memref<!tpu.dma_semaphore, #tpu.memory_space<semaphore_mem>>
    tpu.enqueue_indirect_dma source(%arg10 : memref<125x128xf32, #tpu.memory_space<vmem>>) target(%dma_start3A_82 : memref<10000x128xf32, #tpu.memory_space<vmem_shared>>) offsets(%dma_start3A_79 : memref<125xi32, #tpu.memory_space<vmem>>) semaphore(%dma_start3A_84 : memref<!tpu.dma_semaphore, #tpu.memory_space<semaphore_mem>>) {add = true}
    %scan3A = arith.constant 0 : i32
    %scan3A_85 = arith.constant 0 : i32
    %scan3A_86 = arith.constant 18 : i32
    %scan3A_87 = arith.addi %scan3A_85, %scan3A_86 : i32
    %scan3A_88 = arith.constant 1 : i32
    scf.for %scan3A_346 = %scan3A_85 to %scan3A_87 step %scan3A_88  : i32 {
      %mul3A_347 = arith.constant 2 : i32
      %mul3A_348 = arith.muli %mul3A_347, %scan3A_346 : i32
      %add3A_349 = arith.constant 2 : i32
      %add3A_350 = arith.addi %mul3A_348, %add3A_349 : i32
      %add3A_351 = arith.constant 0 : i32
      %add3A_352 = arith.addi %add3A_350, %add3A_351 : i32
      %sub3A = arith.constant 1 : i32
      %sub3A_353 = arith.subi %add3A_352, %sub3A : i32
      %dma_wait3A_354 = arith.constant 1 : i32
      %dma_wait3A_355 = arith.constant 0 : i32
      %dma_wait3A_356 = tpu.memref_slice %arg8[%sub3A_353, %dma_wait3A_355] : memref<44x125xi32, #tpu.memory_space<vmem>> -> memref<1x125xi32, #tpu.memory_space<vmem>>
      %dma_wait3A_357 = tpu.memref_squeeze %dma_wait3A_356 : memref<1x125xi32, #tpu.memory_space<vmem>> -> memref<125xi32, #tpu.memory_space<vmem>>
      %dma_wait3A_358 = arith.constant 0 : i32
      %dma_wait3A_359 = arith.constant 0 : i32
      %dma_wait3A_360 = tpu.memref_slice %arg11[%dma_wait3A_358, %dma_wait3A_359] : memref<10000x128xf32, #tpu.memory_space<vmem_shared>> -> memref<10000x128xf32, #tpu.memory_space<vmem_shared>>
      %dma_wait3A_361 = tpu.memref_slice %arg13[%dma_wait3A_354] : memref<2x!tpu.dma_semaphore, #tpu.memory_space<semaphore_mem>> -> memref<1x!tpu.dma_semaphore, #tpu.memory_space<semaphore_mem>>
      %dma_wait3A_362 = tpu.memref_squeeze %dma_wait3A_361 : memref<1x!tpu.dma_semaphore, #tpu.memory_space<semaphore_mem>> -> memref<!tpu.dma_semaphore, #tpu.memory_space<semaphore_mem>>
      tpu.wait_indirect_dma semaphore(%dma_wait3A_362 : memref<!tpu.dma_semaphore, #tpu.memory_space<semaphore_mem>>) src(%arg10 : memref<125x128xf32, #tpu.memory_space<vmem>>) dst(%dma_wait3A_360 : memref<10000x128xf32, #tpu.memory_space<vmem_shared>>)
      %add3A_363 = arith.constant 1 : i32
      %add3A_364 = arith.addi %add3A_352, %add3A_363 : i32
      %dma_start3A_365 = arith.constant 1 : i32
      %dma_start3A_366 = arith.constant 0 : i32
      %dma_start3A_367 = tpu.memref_slice %arg7[%add3A_364, %dma_start3A_366] : memref<44x125xi32, #tpu.memory_space<vmem>> -> memref<1x125xi32, #tpu.memory_space<vmem>>
      %dma_start3A_368 = tpu.memref_squeeze %dma_start3A_367 : memref<1x125xi32, #tpu.memory_space<vmem>> -> memref<125xi32, #tpu.memory_space<vmem>>
      %dma_start3A_369 = arith.constant 0 : i32
      %dma_start3A_370 = arith.constant 0 : i32
      %dma_start3A_371 = tpu.memref_slice %arg2[%dma_start3A_369, %dma_start3A_370] : memref<10000x128xf32, #tpu.memory_space<hbm>> -> memref<10000x128xf32, #tpu.memory_space<hbm>>
      %dma_start3A_372 = tpu.memref_slice %arg12[%dma_start3A_365] : memref<2x!tpu.dma_semaphore, #tpu.memory_space<semaphore_mem>> -> memref<1x!tpu.dma_semaphore, #tpu.memory_space<semaphore_mem>>
      %dma_start3A_373 = tpu.memref_squeeze %dma_start3A_372 : memref<1x!tpu.dma_semaphore, #tpu.memory_space<semaphore_mem>> -> memref<!tpu.dma_semaphore, #tpu.memory_space<semaphore_mem>>
      tpu.enqueue_indirect_dma source(%dma_start3A_371 : memref<10000x128xf32, #tpu.memory_space<hbm>>) target(%arg10 : memref<125x128xf32, #tpu.memory_space<vmem>>) offsets(%dma_start3A_368 : memref<125xi32, #tpu.memory_space<vmem>>) semaphore(%dma_start3A_373 : memref<!tpu.dma_semaphore, #tpu.memory_space<semaphore_mem>>)
      %dma_wait3A_374 = arith.constant 0 : i32
      %dma_wait3A_375 = arith.constant 0 : i32
      %dma_wait3A_376 = tpu.memref_slice %arg7[%add3A_352, %dma_wait3A_375] : memref<44x125xi32, #tpu.memory_space<vmem>> -> memref<1x125xi32, #tpu.memory_space<vmem>>
      %dma_wait3A_377 = tpu.memref_squeeze %dma_wait3A_376 : memref<1x125xi32, #tpu.memory_space<vmem>> -> memref<125xi32, #tpu.memory_space<vmem>>
      %dma_wait3A_378 = arith.constant 0 : i32
      %dma_wait3A_379 = arith.constant 0 : i32
      %dma_wait3A_380 = tpu.memref_slice %arg2[%dma_wait3A_378, %dma_wait3A_379] : memref<10000x128xf32, #tpu.memory_space<hbm>> -> memref<10000x128xf32, #tpu.memory_space<hbm>>
      %dma_wait3A_381 = tpu.memref_slice %arg12[%dma_wait3A_374] : memref<2x!tpu.dma_semaphore, #tpu.memory_space<semaphore_mem>> -> memref<1x!tpu.dma_semaphore, #tpu.memory_space<semaphore_mem>>
      %dma_wait3A_382 = tpu.memref_squeeze %dma_wait3A_381 : memref<1x!tpu.dma_semaphore, #tpu.memory_space<semaphore_mem>> -> memref<!tpu.dma_semaphore, #tpu.memory_space<semaphore_mem>>
      tpu.wait_indirect_dma semaphore(%dma_wait3A_382 : memref<!tpu.dma_semaphore, #tpu.memory_space<semaphore_mem>>) src(%dma_wait3A_380 : memref<10000x128xf32, #tpu.memory_space<hbm>>) dst(%arg9 : memref<125x128xf32, #tpu.memory_space<vmem>>)
      %dma_start3A_383 = arith.constant 0 : i32
      %dma_start3A_384 = arith.constant 0 : i32
      %dma_start3A_385 = tpu.memref_slice %arg8[%add3A_352, %dma_start3A_384] : memref<44x125xi32, #tpu.memory_space<vmem>> -> memref<1x125xi32, #tpu.memory_space<vmem>>
      %dma_start3A_386 = tpu.memref_squeeze %dma_start3A_385 : memref<1x125xi32, #tpu.memory_space<vmem>> -> memref<125xi32, #tpu.memory_space<vmem>>
      %dma_start3A_387 = arith.constant 0 : i32
      %dma_start3A_388 = arith.constant 0 : i32
      %dma_start3A_389 = tpu.memref_slice %arg11[%dma_start3A_387, %dma_start3A_388] : memref<10000x128xf32, #tpu.memory_space<vmem_shared>> -> memref<10000x128xf32, #tpu.memory_space<vmem_shared>>
      %dma_start3A_390 = tpu.memref_slice %arg13[%dma_start3A_383] : memref<2x!tpu.dma_semaphore, #tpu.memory_space<semaphore_mem>> -> memref<1x!tpu.dma_semaphore, #tpu.memory_space<semaphore_mem>>
      %dma_start3A_391 = tpu.memref_squeeze %dma_start3A_390 : memref<1x!tpu.dma_semaphore, #tpu.memory_space<semaphore_mem>> -> memref<!tpu.dma_semaphore, #tpu.memory_space<semaphore_mem>>
      tpu.enqueue_indirect_dma source(%arg9 : memref<125x128xf32, #tpu.memory_space<vmem>>) target(%dma_start3A_389 : memref<10000x128xf32, #tpu.memory_space<vmem_shared>>) offsets(%dma_start3A_386 : memref<125xi32, #tpu.memory_space<vmem>>) semaphore(%dma_start3A_391 : memref<!tpu.dma_semaphore, #tpu.memory_space<semaphore_mem>>) {add = true}
      %mul3A_392 = arith.constant 2 : i32
      %mul3A_393 = arith.muli %mul3A_392, %scan3A_346 : i32
      %add3A_394 = arith.constant 2 : i32
      %add3A_395 = arith.addi %mul3A_393, %add3A_394 : i32
      %add3A_396 = arith.constant 1 : i32
      %add3A_397 = arith.addi %add3A_395, %add3A_396 : i32
      %sub3A_398 = arith.constant 1 : i32
      %sub3A_399 = arith.subi %add3A_397, %sub3A_398 : i32
      %dma_wait3A_400 = arith.constant 0 : i32
      %dma_wait3A_401 = arith.constant 0 : i32
      %dma_wait3A_402 = tpu.memref_slice %arg8[%sub3A_399, %dma_wait3A_401] : memref<44x125xi32, #tpu.memory_space<vmem>> -> memref<1x125xi32, #tpu.memory_space<vmem>>
      %dma_wait3A_403 = tpu.memref_squeeze %dma_wait3A_402 : memref<1x125xi32, #tpu.memory_space<vmem>> -> memref<125xi32, #tpu.memory_space<vmem>>
      %dma_wait3A_404 = arith.constant 0 : i32
      %dma_wait3A_405 = arith.constant 0 : i32
      %dma_wait3A_406 = tpu.memref_slice %arg11[%dma_wait3A_404, %dma_wait3A_405] : memref<10000x128xf32, #tpu.memory_space<vmem_shared>> -> memref<10000x128xf32, #tpu.memory_space<vmem_shared>>
      %dma_wait3A_407 = tpu.memref_slice %arg13[%dma_wait3A_400] : memref<2x!tpu.dma_semaphore, #tpu.memory_space<semaphore_mem>> -> memref<1x!tpu.dma_semaphore, #tpu.memory_space<semaphore_mem>>
      %dma_wait3A_408 = tpu.memref_squeeze %dma_wait3A_407 : memref<1x!tpu.dma_semaphore, #tpu.memory_space<semaphore_mem>> -> memref<!tpu.dma_semaphore, #tpu.memory_space<semaphore_mem>>
      tpu.wait_indirect_dma semaphore(%dma_wait3A_408 : memref<!tpu.dma_semaphore, #tpu.memory_space<semaphore_mem>>) src(%arg9 : memref<125x128xf32, #tpu.memory_space<vmem>>) dst(%dma_wait3A_406 : memref<10000x128xf32, #tpu.memory_space<vmem_shared>>)
      %add3A_409 = arith.constant 1 : i32
      %add3A_410 = arith.addi %add3A_397, %add3A_409 : i32
      %dma_start3A_411 = arith.constant 0 : i32
      %dma_start3A_412 = arith.constant 0 : i32
      %dma_start3A_413 = tpu.memref_slice %arg7[%add3A_410, %dma_start3A_412] : memref<44x125xi32, #tpu.memory_space<vmem>> -> memref<1x125xi32, #tpu.memory_space<vmem>>
      %dma_start3A_414 = tpu.memref_squeeze %dma_start3A_413 : memref<1x125xi32, #tpu.memory_space<vmem>> -> memref<125xi32, #tpu.memory_space<vmem>>
      %dma_start3A_415 = arith.constant 0 : i32
      %dma_start3A_416 = arith.constant 0 : i32
      %dma_start3A_417 = tpu.memref_slice %arg2[%dma_start3A_415, %dma_start3A_416] : memref<10000x128xf32, #tpu.memory_space<hbm>> -> memref<10000x128xf32, #tpu.memory_space<hbm>>
      %dma_start3A_418 = tpu.memref_slice %arg12[%dma_start3A_411] : memref<2x!tpu.dma_semaphore, #tpu.memory_space<semaphore_mem>> -> memref<1x!tpu.dma_semaphore, #tpu.memory_space<semaphore_mem>>
      %dma_start3A_419 = tpu.memref_squeeze %dma_start3A_418 : memref<1x!tpu.dma_semaphore, #tpu.memory_space<semaphore_mem>> -> memref<!tpu.dma_semaphore, #tpu.memory_space<semaphore_mem>>
      tpu.enqueue_indirect_dma source(%dma_start3A_417 : memref<10000x128xf32, #tpu.memory_space<hbm>>) target(%arg9 : memref<125x128xf32, #tpu.memory_space<vmem>>) offsets(%dma_start3A_414 : memref<125xi32, #tpu.memory_space<vmem>>) semaphore(%dma_start3A_419 : memref<!tpu.dma_semaphore, #tpu.memory_space<semaphore_mem>>)
      %dma_wait3A_420 = arith.constant 1 : i32
      %dma_wait3A_421 = arith.constant 0 : i32
      %dma_wait3A_422 = tpu.memref_slice %arg7[%add3A_397, %dma_wait3A_421] : memref<44x125xi32, #tpu.memory_space<vmem>> -> memref<1x125xi32, #tpu.memory_space<vmem>>
      %dma_wait3A_423 = tpu.memref_squeeze %dma_wait3A_422 : memref<1x125xi32, #tpu.memory_space<vmem>> -> memref<125xi32, #tpu.memory_space<vmem>>
      %dma_wait3A_424 = arith.constant 0 : i32
      %dma_wait3A_425 = arith.constant 0 : i32
      %dma_wait3A_426 = tpu.memref_slice %arg2[%dma_wait3A_424, %dma_wait3A_425] : memref<10000x128xf32, #tpu.memory_space<hbm>> -> memref<10000x128xf32, #tpu.memory_space<hbm>>
      %dma_wait3A_427 = tpu.memref_slice %arg12[%dma_wait3A_420] : memref<2x!tpu.dma_semaphore, #tpu.memory_space<semaphore_mem>> -> memref<1x!tpu.dma_semaphore, #tpu.memory_space<semaphore_mem>>
      %dma_wait3A_428 = tpu.memref_squeeze %dma_wait3A_427 : memref<1x!tpu.dma_semaphore, #tpu.memory_space<semaphore_mem>> -> memref<!tpu.dma_semaphore, #tpu.memory_space<semaphore_mem>>
      tpu.wait_indirect_dma semaphore(%dma_wait3A_428 : memref<!tpu.dma_semaphore, #tpu.memory_space<semaphore_mem>>) src(%dma_wait3A_426 : memref<10000x128xf32, #tpu.memory_space<hbm>>) dst(%arg10 : memref<125x128xf32, #tpu.memory_space<vmem>>)
      %dma_start3A_429 = arith.constant 1 : i32
      %dma_start3A_430 = arith.constant 0 : i32
      %dma_start3A_431 = tpu.memref_slice %arg8[%add3A_397, %dma_start3A_430] : memref<44x125xi32, #tpu.memory_space<vmem>> -> memref<1x125xi32, #tpu.memory_space<vmem>>
      %dma_start3A_432 = tpu.memref_squeeze %dma_start3A_431 : memref<1x125xi32, #tpu.memory_space<vmem>> -> memref<125xi32, #tpu.memory_space<vmem>>
      %dma_start3A_433 = arith.constant 0 : i32
      %dma_start3A_434 = arith.constant 0 : i32
      %dma_start3A_435 = tpu.memref_slice %arg11[%dma_start3A_433, %dma_start3A_434] : memref<10000x128xf32, #tpu.memory_space<vmem_shared>> -> memref<10000x128xf32, #tpu.memory_space<vmem_shared>>
      %dma_start3A_436 = tpu.memref_slice %arg13[%dma_start3A_429] : memref<2x!tpu.dma_semaphore, #tpu.memory_space<semaphore_mem>> -> memref<1x!tpu.dma_semaphore, #tpu.memory_space<semaphore_mem>>
      %dma_start3A_437 = tpu.memref_squeeze %dma_start3A_436 : memref<1x!tpu.dma_semaphore, #tpu.memory_space<semaphore_mem>> -> memref<!tpu.dma_semaphore, #tpu.memory_space<semaphore_mem>>
      tpu.enqueue_indirect_dma source(%arg10 : memref<125x128xf32, #tpu.memory_space<vmem>>) target(%dma_start3A_435 : memref<10000x128xf32, #tpu.memory_space<vmem_shared>>) offsets(%dma_start3A_432 : memref<125xi32, #tpu.memory_space<vmem>>) semaphore(%dma_start3A_437 : memref<!tpu.dma_semaphore, #tpu.memory_space<semaphore_mem>>) {add = true}
    }
    %scan3A_89 = arith.constant 18 : i32
    %dma_wait3A_90 = arith.constant 37 : i32
    %dma_wait3A_91 = arith.constant 1 : i32
    %dma_wait3A_92 = arith.constant 0 : i32
    %dma_wait3A_93 = tpu.memref_slice %arg8[%dma_wait3A_90, %dma_wait3A_92] : memref<44x125xi32, #tpu.memory_space<vmem>> -> memref<1x125xi32, #tpu.memory_space<vmem>>
    %dma_wait3A_94 = tpu.memref_squeeze %dma_wait3A_93 : memref<1x125xi32, #tpu.memory_space<vmem>> -> memref<125xi32, #tpu.memory_space<vmem>>
    %dma_wait3A_95 = arith.constant 0 : i32
    %dma_wait3A_96 = arith.constant 0 : i32
    %dma_wait3A_97 = tpu.memref_slice %arg11[%dma_wait3A_95, %dma_wait3A_96] : memref<10000x128xf32, #tpu.memory_space<vmem_shared>> -> memref<10000x128xf32, #tpu.memory_space<vmem_shared>>
    %dma_wait3A_98 = tpu.memref_slice %arg13[%dma_wait3A_91] : memref<2x!tpu.dma_semaphore, #tpu.memory_space<semaphore_mem>> -> memref<1x!tpu.dma_semaphore, #tpu.memory_space<semaphore_mem>>
    %dma_wait3A_99 = tpu.memref_squeeze %dma_wait3A_98 : memref<1x!tpu.dma_semaphore, #tpu.memory_space<semaphore_mem>> -> memref<!tpu.dma_semaphore, #tpu.memory_space<semaphore_mem>>
    tpu.wait_indirect_dma semaphore(%dma_wait3A_99 : memref<!tpu.dma_semaphore, #tpu.memory_space<semaphore_mem>>) src(%arg10 : memref<125x128xf32, #tpu.memory_space<vmem>>) dst(%dma_wait3A_97 : memref<10000x128xf32, #tpu.memory_space<vmem_shared>>)
    %dma_start3A_100 = arith.constant 39 : i32
    %dma_start3A_101 = arith.constant 1 : i32
    %dma_start3A_102 = arith.constant 0 : i32
    %dma_start3A_103 = tpu.memref_slice %arg7[%dma_start3A_100, %dma_start3A_102] : memref<44x125xi32, #tpu.memory_space<vmem>> -> memref<1x125xi32, #tpu.memory_space<vmem>>
    %dma_start3A_104 = tpu.memref_squeeze %dma_start3A_103 : memref<1x125xi32, #tpu.memory_space<vmem>> -> memref<125xi32, #tpu.memory_space<vmem>>
    %dma_start3A_105 = arith.constant 0 : i32
    %dma_start3A_106 = arith.constant 0 : i32
    %dma_start3A_107 = tpu.memref_slice %arg2[%dma_start3A_105, %dma_start3A_106] : memref<10000x128xf32, #tpu.memory_space<hbm>> -> memref<10000x128xf32, #tpu.memory_space<hbm>>
    %dma_start3A_108 = tpu.memref_slice %arg12[%dma_start3A_101] : memref<2x!tpu.dma_semaphore, #tpu.memory_space<semaphore_mem>> -> memref<1x!tpu.dma_semaphore, #tpu.memory_space<semaphore_mem>>
    %dma_start3A_109 = tpu.memref_squeeze %dma_start3A_108 : memref<1x!tpu.dma_semaphore, #tpu.memory_space<semaphore_mem>> -> memref<!tpu.dma_semaphore, #tpu.memory_space<semaphore_mem>>
    tpu.enqueue_indirect_dma source(%dma_start3A_107 : memref<10000x128xf32, #tpu.memory_space<hbm>>) target(%arg10 : memref<125x128xf32, #tpu.memory_space<vmem>>) offsets(%dma_start3A_104 : memref<125xi32, #tpu.memory_space<vmem>>) semaphore(%dma_start3A_109 : memref<!tpu.dma_semaphore, #tpu.memory_space<semaphore_mem>>)
    %dma_wait3A_110 = arith.constant 38 : i32
    %dma_wait3A_111 = arith.constant 0 : i32
    %dma_wait3A_112 = arith.constant 0 : i32
    %dma_wait3A_113 = tpu.memref_slice %arg7[%dma_wait3A_110, %dma_wait3A_112] : memref<44x125xi32, #tpu.memory_space<vmem>> -> memref<1x125xi32, #tpu.memory_space<vmem>>
    %dma_wait3A_114 = tpu.memref_squeeze %dma_wait3A_113 : memref<1x125xi32, #tpu.memory_space<vmem>> -> memref<125xi32, #tpu.memory_space<vmem>>
    %dma_wait3A_115 = arith.constant 0 : i32
    %dma_wait3A_116 = arith.constant 0 : i32
    %dma_wait3A_117 = tpu.memref_slice %arg2[%dma_wait3A_115, %dma_wait3A_116] : memref<10000x128xf32, #tpu.memory_space<hbm>> -> memref<10000x128xf32, #tpu.memory_space<hbm>>
    %dma_wait3A_118 = tpu.memref_slice %arg12[%dma_wait3A_111] : memref<2x!tpu.dma_semaphore, #tpu.memory_space<semaphore_mem>> -> memref<1x!tpu.dma_semaphore, #tpu.memory_space<semaphore_mem>>
    %dma_wait3A_119 = tpu.memref_squeeze %dma_wait3A_118 : memref<1x!tpu.dma_semaphore, #tpu.memory_space<semaphore_mem>> -> memref<!tpu.dma_semaphore, #tpu.memory_space<semaphore_mem>>
    tpu.wait_indirect_dma semaphore(%dma_wait3A_119 : memref<!tpu.dma_semaphore, #tpu.memory_space<semaphore_mem>>) src(%dma_wait3A_117 : memref<10000x128xf32, #tpu.memory_space<hbm>>) dst(%arg9 : memref<125x128xf32, #tpu.memory_space<vmem>>)
    %dma_start3A_120 = arith.constant 38 : i32
    %dma_start3A_121 = arith.constant 0 : i32
    %dma_start3A_122 = arith.constant 0 : i32
    %dma_start3A_123 = tpu.memref_slice %arg8[%dma_start3A_120, %dma_start3A_122] : memref<44x125xi32, #tpu.memory_space<vmem>> -> memref<1x125xi32, #tpu.memory_space<vmem>>
    %dma_start3A_124 = tpu.memref_squeeze %dma_start3A_123 : memref<1x125xi32, #tpu.memory_space<vmem>> -> memref<125xi32, #tpu.memory_space<vmem>>
    %dma_start3A_125 = arith.constant 0 : i32
    %dma_start3A_126 = arith.constant 0 : i32
    %dma_start3A_127 = tpu.memref_slice %arg11[%dma_start3A_125, %dma_start3A_126] : memref<10000x128xf32, #tpu.memory_space<vmem_shared>> -> memref<10000x128xf32, #tpu.memory_space<vmem_shared>>
    %dma_start3A_128 = tpu.memref_slice %arg13[%dma_start3A_121] : memref<2x!tpu.dma_semaphore, #tpu.memory_space<semaphore_mem>> -> memref<1x!tpu.dma_semaphore, #tpu.memory_space<semaphore_mem>>
    %dma_start3A_129 = tpu.memref_squeeze %dma_start3A_128 : memref<1x!tpu.dma_semaphore, #tpu.memory_space<semaphore_mem>> -> memref<!tpu.dma_semaphore, #tpu.memory_space<semaphore_mem>>
    tpu.enqueue_indirect_dma source(%arg9 : memref<125x128xf32, #tpu.memory_space<vmem>>) target(%dma_start3A_127 : memref<10000x128xf32, #tpu.memory_space<vmem_shared>>) offsets(%dma_start3A_124 : memref<125xi32, #tpu.memory_space<vmem>>) semaphore(%dma_start3A_129 : memref<!tpu.dma_semaphore, #tpu.memory_space<semaphore_mem>>) {add = true}
    %dma_wait3A_130 = arith.constant 39 : i32
    %dma_wait3A_131 = arith.constant 1 : i32
    %dma_wait3A_132 = arith.constant 0 : i32
    %dma_wait3A_133 = tpu.memref_slice %arg7[%dma_wait3A_130, %dma_wait3A_132] : memref<44x125xi32, #tpu.memory_space<vmem>> -> memref<1x125xi32, #tpu.memory_space<vmem>>
    %dma_wait3A_134 = tpu.memref_squeeze %dma_wait3A_133 : memref<1x125xi32, #tpu.memory_space<vmem>> -> memref<125xi32, #tpu.memory_space<vmem>>
    %dma_wait3A_135 = arith.constant 0 : i32
    %dma_wait3A_136 = arith.constant 0 : i32
    %dma_wait3A_137 = tpu.memref_slice %arg2[%dma_wait3A_135, %dma_wait3A_136] : memref<10000x128xf32, #tpu.memory_space<hbm>> -> memref<10000x128xf32, #tpu.memory_space<hbm>>
    %dma_wait3A_138 = tpu.memref_slice %arg12[%dma_wait3A_131] : memref<2x!tpu.dma_semaphore, #tpu.memory_space<semaphore_mem>> -> memref<1x!tpu.dma_semaphore, #tpu.memory_space<semaphore_mem>>
    %dma_wait3A_139 = tpu.memref_squeeze %dma_wait3A_138 : memref<1x!tpu.dma_semaphore, #tpu.memory_space<semaphore_mem>> -> memref<!tpu.dma_semaphore, #tpu.memory_space<semaphore_mem>>
    tpu.wait_indirect_dma semaphore(%dma_wait3A_139 : memref<!tpu.dma_semaphore, #tpu.memory_space<semaphore_mem>>) src(%dma_wait3A_137 : memref<10000x128xf32, #tpu.memory_space<hbm>>) dst(%arg10 : memref<125x128xf32, #tpu.memory_space<vmem>>)
    %dma_start3A_140 = arith.constant 39 : i32
    %dma_start3A_141 = arith.constant 1 : i32
    %dma_start3A_142 = arith.constant 0 : i32
    %dma_start3A_143 = tpu.memref_slice %arg8[%dma_start3A_140, %dma_start3A_142] : memref<44x125xi32, #tpu.memory_space<vmem>> -> memref<1x125xi32, #tpu.memory_space<vmem>>
    %dma_start3A_144 = tpu.memref_squeeze %dma_start3A_143 : memref<1x125xi32, #tpu.memory_space<vmem>> -> memref<125xi32, #tpu.memory_space<vmem>>
    %dma_start3A_145 = arith.constant 0 : i32
    %dma_start3A_146 = arith.constant 0 : i32
    %dma_start3A_147 = tpu.memref_slice %arg11[%dma_start3A_145, %dma_start3A_146] : memref<10000x128xf32, #tpu.memory_space<vmem_shared>> -> memref<10000x128xf32, #tpu.memory_space<vmem_shared>>
    %dma_start3A_148 = tpu.memref_slice %arg13[%dma_start3A_141] : memref<2x!tpu.dma_semaphore, #tpu.memory_space<semaphore_mem>> -> memref<1x!tpu.dma_semaphore, #tpu.memory_space<semaphore_mem>>
    %dma_start3A_149 = tpu.memref_squeeze %dma_start3A_148 : memref<1x!tpu.dma_semaphore, #tpu.memory_space<semaphore_mem>> -> memref<!tpu.dma_semaphore, #tpu.memory_space<semaphore_mem>>
    tpu.enqueue_indirect_dma source(%arg10 : memref<125x128xf32, #tpu.memory_space<vmem>>) target(%dma_start3A_147 : memref<10000x128xf32, #tpu.memory_space<vmem_shared>>) offsets(%dma_start3A_144 : memref<125xi32, #tpu.memory_space<vmem>>) semaphore(%dma_start3A_149 : memref<!tpu.dma_semaphore, #tpu.memory_space<semaphore_mem>>) {add = true}
    %dma_wait3A_150 = arith.constant 38 : i32
    %dma_wait3A_151 = arith.constant 0 : i32
    %dma_wait3A_152 = arith.constant 0 : i32
    %dma_wait3A_153 = tpu.memref_slice %arg8[%dma_wait3A_150, %dma_wait3A_152] : memref<44x125xi32, #tpu.memory_space<vmem>> -> memref<1x125xi32, #tpu.memory_space<vmem>>
    %dma_wait3A_154 = tpu.memref_squeeze %dma_wait3A_153 : memref<1x125xi32, #tpu.memory_space<vmem>> -> memref<125xi32, #tpu.memory_space<vmem>>
    %dma_wait3A_155 = arith.constant 0 : i32
    %dma_wait3A_156 = arith.constant 0 : i32
    %dma_wait3A_157 = tpu.memref_slice %arg11[%dma_wait3A_155, %dma_wait3A_156] : memref<10000x128xf32, #tpu.memory_space<vmem_shared>> -> memref<10000x128xf32, #tpu.memory_space<vmem_shared>>
    %dma_wait3A_158 = tpu.memref_slice %arg13[%dma_wait3A_151] : memref<2x!tpu.dma_semaphore, #tpu.memory_space<semaphore_mem>> -> memref<1x!tpu.dma_semaphore, #tpu.memory_space<semaphore_mem>>
    %dma_wait3A_159 = tpu.memref_squeeze %dma_wait3A_158 : memref<1x!tpu.dma_semaphore, #tpu.memory_space<semaphore_mem>> -> memref<!tpu.dma_semaphore, #tpu.memory_space<semaphore_mem>>
    tpu.wait_indirect_dma semaphore(%dma_wait3A_159 : memref<!tpu.dma_semaphore, #tpu.memory_space<semaphore_mem>>) src(%arg9 : memref<125x128xf32, #tpu.memory_space<vmem>>) dst(%dma_wait3A_157 : memref<10000x128xf32, #tpu.memory_space<vmem_shared>>)
    %dma_wait3A_160 = arith.constant 39 : i32
    %dma_wait3A_161 = arith.constant 1 : i32
    %dma_wait3A_162 = arith.constant 0 : i32
    %dma_wait3A_163 = tpu.memref_slice %arg8[%dma_wait3A_160, %dma_wait3A_162] : memref<44x125xi32, #tpu.memory_space<vmem>> -> memref<1x125xi32, #tpu.memory_space<vmem>>
    %dma_wait3A_164 = tpu.memref_squeeze %dma_wait3A_163 : memref<1x125xi32, #tpu.memory_space<vmem>> -> memref<125xi32, #tpu.memory_space<vmem>>
    %dma_wait3A_165 = arith.constant 0 : i32
    %dma_wait3A_166 = arith.constant 0 : i32
    %dma_wait3A_167 = tpu.memref_slice %arg11[%dma_wait3A_165, %dma_wait3A_166] : memref<10000x128xf32, #tpu.memory_space<vmem_shared>> -> memref<10000x128xf32, #tpu.memory_space<vmem_shared>>
    %dma_wait3A_168 = tpu.memref_slice %arg13[%dma_wait3A_161] : memref<2x!tpu.dma_semaphore, #tpu.memory_space<semaphore_mem>> -> memref<1x!tpu.dma_semaphore, #tpu.memory_space<semaphore_mem>>
    %dma_wait3A_169 = tpu.memref_squeeze %dma_wait3A_168 : memref<1x!tpu.dma_semaphore, #tpu.memory_space<semaphore_mem>> -> memref<!tpu.dma_semaphore, #tpu.memory_space<semaphore_mem>>
    tpu.wait_indirect_dma semaphore(%dma_wait3A_169 : memref<!tpu.dma_semaphore, #tpu.memory_space<semaphore_mem>>) src(%arg10 : memref<125x128xf32, #tpu.memory_space<vmem>>) dst(%dma_wait3A_167 : memref<10000x128xf32, #tpu.memory_space<vmem_shared>>)
    "tpu.region"() ({
      %run_scoped3A = tpu.sem_alloc : memref<!tpu.dma_semaphore, #tpu.memory_space<semaphore_mem>>
      %dma_start3A_346 = arith.constant 0 : i32
      %dma_start3A_347 = arith.constant 0 : i32
      %dma_start3A_348 = tpu.memref_slice %arg7[%dma_start3A_346, %dma_start3A_347] : memref<44x125xi32, #tpu.memory_space<vmem>> -> memref<40x125xi32, #tpu.memory_space<vmem>>
      %dma_start3A_349 = arith.constant 40 : i32
      %dma_start3A_350 = arith.constant 0 : i32
      %dma_start3A_351 = tpu.memref_slice %arg3[%add3A, %dma_start3A_349, %dma_start3A_350] : memref<32x80x125xi32, #tpu.memory_space<hbm>> -> memref<1x40x125xi32, #tpu.memory_space<hbm>>
      %dma_start3A_352 = tpu.memref_squeeze %dma_start3A_351 : memref<1x40x125xi32, #tpu.memory_space<hbm>> -> memref<40x125xi32, #tpu.memory_space<hbm>>
      %dma_start3A_353 = arith.constant 0 : i32
      %dma_start3A_354 = arith.constant 0 : i32
      %dma_start3A_355 = tpu.memref_slice %arg7[%dma_start3A_353, %dma_start3A_354] : memref<44x125xi32, #tpu.memory_space<vmem>> -> memref<40x125xi32, #tpu.memory_space<vmem>>
      %dma_start3A_356 = arith.constant 40 : i32
      %dma_start3A_357 = arith.constant 0 : i32
      %dma_start3A_358 = tpu.memref_slice %arg3[%add3A, %dma_start3A_356, %dma_start3A_357] : memref<32x80x125xi32, #tpu.memory_space<hbm>> -> memref<1x40x125xi32, #tpu.memory_space<hbm>>
      %dma_start3A_359 = tpu.memref_squeeze %dma_start3A_358 : memref<1x40x125xi32, #tpu.memory_space<hbm>> -> memref<40x125xi32, #tpu.memory_space<hbm>>
      tpu.enqueue_dma source(%dma_start3A_359 : memref<40x125xi32, #tpu.memory_space<hbm>>) target(%dma_start3A_355 : memref<40x125xi32, #tpu.memory_space<vmem>>) target_semaphore(%run_scoped3A : memref<!tpu.dma_semaphore, #tpu.memory_space<semaphore_mem>>)
      %dma_wait3A_360 = arith.constant 0 : i32
      %dma_wait3A_361 = arith.constant 0 : i32
      %dma_wait3A_362 = tpu.memref_slice %arg7[%dma_wait3A_360, %dma_wait3A_361] : memref<44x125xi32, #tpu.memory_space<vmem>> -> memref<40x125xi32, #tpu.memory_space<vmem>>
      %dma_wait3A_363 = arith.constant 40 : i32
      %dma_wait3A_364 = arith.constant 0 : i32
      %dma_wait3A_365 = tpu.memref_slice %arg3[%add3A, %dma_wait3A_363, %dma_wait3A_364] : memref<32x80x125xi32, #tpu.memory_space<hbm>> -> memref<1x40x125xi32, #tpu.memory_space<hbm>>
      %dma_wait3A_366 = tpu.memref_squeeze %dma_wait3A_365 : memref<1x40x125xi32, #tpu.memory_space<hbm>> -> memref<40x125xi32, #tpu.memory_space<hbm>>
      %dma_wait3A_367 = arith.constant 0 : i32
      %dma_wait3A_368 = arith.constant 0 : i32
      %dma_wait3A_369 = tpu.memref_slice %arg7[%dma_wait3A_367, %dma_wait3A_368] : memref<44x125xi32, #tpu.memory_space<vmem>> -> memref<40x125xi32, #tpu.memory_space<vmem>>
      %dma_wait3A_370 = arith.constant 40 : i32
      %dma_wait3A_371 = arith.constant 0 : i32
      %dma_wait3A_372 = tpu.memref_slice %arg3[%add3A, %dma_wait3A_370, %dma_wait3A_371] : memref<32x80x125xi32, #tpu.memory_space<hbm>> -> memref<1x40x125xi32, #tpu.memory_space<hbm>>
      %dma_wait3A_373 = tpu.memref_squeeze %dma_wait3A_372 : memref<1x40x125xi32, #tpu.memory_space<hbm>> -> memref<40x125xi32, #tpu.memory_space<hbm>>
      tpu.wait_dma2 semaphore(%run_scoped3A : memref<!tpu.dma_semaphore, #tpu.memory_space<semaphore_mem>>) src(%dma_wait3A_373 : memref<40x125xi32, #tpu.memory_space<hbm>>) dst(%dma_wait3A_369 : memref<40x125xi32, #tpu.memory_space<vmem>>)
      tpu.yield
    }) : () -> ()
    "tpu.region"() ({
      %run_scoped3A = tpu.sem_alloc : memref<!tpu.dma_semaphore, #tpu.memory_space<semaphore_mem>>
      %dma_start3A_346 = arith.constant 0 : i32
      %dma_start3A_347 = arith.constant 0 : i32
      %dma_start3A_348 = tpu.memref_slice %arg8[%dma_start3A_346, %dma_start3A_347] : memref<44x125xi32, #tpu.memory_space<vmem>> -> memref<40x125xi32, #tpu.memory_space<vmem>>
      %dma_start3A_349 = arith.constant 40 : i32
      %dma_start3A_350 = arith.constant 0 : i32
      %dma_start3A_351 = tpu.memref_slice %arg4[%add3A, %dma_start3A_349, %dma_start3A_350] : memref<32x80x125xi32, #tpu.memory_space<hbm>> -> memref<1x40x125xi32, #tpu.memory_space<hbm>>
      %dma_start3A_352 = tpu.memref_squeeze %dma_start3A_351 : memref<1x40x125xi32, #tpu.memory_space<hbm>> -> memref<40x125xi32, #tpu.memory_space<hbm>>
      %dma_start3A_353 = arith.constant 0 : i32
      %dma_start3A_354 = arith.constant 0 : i32
      %dma_start3A_355 = tpu.memref_slice %arg8[%dma_start3A_353, %dma_start3A_354] : memref<44x125xi32, #tpu.memory_space<vmem>> -> memref<40x125xi32, #tpu.memory_space<vmem>>
      %dma_start3A_356 = arith.constant 40 : i32
      %dma_start3A_357 = arith.constant 0 : i32
      %dma_start3A_358 = tpu.memref_slice %arg4[%add3A, %dma_start3A_356, %dma_start3A_357] : memref<32x80x125xi32, #tpu.memory_space<hbm>> -> memref<1x40x125xi32, #tpu.memory_space<hbm>>
      %dma_start3A_359 = tpu.memref_squeeze %dma_start3A_358 : memref<1x40x125xi32, #tpu.memory_space<hbm>> -> memref<40x125xi32, #tpu.memory_space<hbm>>
      tpu.enqueue_dma source(%dma_start3A_359 : memref<40x125xi32, #tpu.memory_space<hbm>>) target(%dma_start3A_355 : memref<40x125xi32, #tpu.memory_space<vmem>>) target_semaphore(%run_scoped3A : memref<!tpu.dma_semaphore, #tpu.memory_space<semaphore_mem>>)
      %dma_wait3A_360 = arith.constant 0 : i32
      %dma_wait3A_361 = arith.constant 0 : i32
      %dma_wait3A_362 = tpu.memref_slice %arg8[%dma_wait3A_360, %dma_wait3A_361] : memref<44x125xi32, #tpu.memory_space<vmem>> -> memref<40x125xi32, #tpu.memory_space<vmem>>
      %dma_wait3A_363 = arith.constant 40 : i32
      %dma_wait3A_364 = arith.constant 0 : i32
      %dma_wait3A_365 = tpu.memref_slice %arg4[%add3A, %dma_wait3A_363, %dma_wait3A_364] : memref<32x80x125xi32, #tpu.memory_space<hbm>> -> memref<1x40x125xi32, #tpu.memory_space<hbm>>
      %dma_wait3A_366 = tpu.memref_squeeze %dma_wait3A_365 : memref<1x40x125xi32, #tpu.memory_space<hbm>> -> memref<40x125xi32, #tpu.memory_space<hbm>>
      %dma_wait3A_367 = arith.constant 0 : i32
      %dma_wait3A_368 = arith.constant 0 : i32
      %dma_wait3A_369 = tpu.memref_slice %arg8[%dma_wait3A_367, %dma_wait3A_368] : memref<44x125xi32, #tpu.memory_space<vmem>> -> memref<40x125xi32, #tpu.memory_space<vmem>>
      %dma_wait3A_370 = arith.constant 40 : i32
      %dma_wait3A_371 = arith.constant 0 : i32
      %dma_wait3A_372 = tpu.memref_slice %arg4[%add3A, %dma_wait3A_370, %dma_wait3A_371] : memref<32x80x125xi32, #tpu.memory_space<hbm>> -> memref<1x40x125xi32, #tpu.memory_space<hbm>>
      %dma_wait3A_373 = tpu.memref_squeeze %dma_wait3A_372 : memref<1x40x125xi32, #tpu.memory_space<hbm>> -> memref<40x125xi32, #tpu.memory_space<hbm>>
      tpu.wait_dma2 semaphore(%run_scoped3A : memref<!tpu.dma_semaphore, #tpu.memory_space<semaphore_mem>>) src(%dma_wait3A_373 : memref<40x125xi32, #tpu.memory_space<hbm>>) dst(%dma_wait3A_369 : memref<40x125xi32, #tpu.memory_space<vmem>>)
      tpu.yield
    }) : () -> ()
    %dma_start3A_170 = arith.constant 0 : i32
    %dma_start3A_171 = arith.constant 0 : i32
    %dma_start3A_172 = arith.constant 0 : i32
    %dma_start3A_173 = tpu.memref_slice %arg7[%dma_start3A_170, %dma_start3A_172] : memref<44x125xi32, #tpu.memory_space<vmem>> -> memref<1x125xi32, #tpu.memory_space<vmem>>
    %dma_start3A_174 = tpu.memref_squeeze %dma_start3A_173 : memref<1x125xi32, #tpu.memory_space<vmem>> -> memref<125xi32, #tpu.memory_space<vmem>>
    %dma_start3A_175 = arith.constant 0 : i32
    %dma_start3A_176 = arith.constant 0 : i32
    %dma_start3A_177 = tpu.memref_slice %arg2[%dma_start3A_175, %dma_start3A_176] : memref<10000x128xf32, #tpu.memory_space<hbm>> -> memref<10000x128xf32, #tpu.memory_space<hbm>>
    %dma_start3A_178 = tpu.memref_slice %arg12[%dma_start3A_171] : memref<2x!tpu.dma_semaphore, #tpu.memory_space<semaphore_mem>> -> memref<1x!tpu.dma_semaphore, #tpu.memory_space<semaphore_mem>>
    %dma_start3A_179 = tpu.memref_squeeze %dma_start3A_178 : memref<1x!tpu.dma_semaphore, #tpu.memory_space<semaphore_mem>> -> memref<!tpu.dma_semaphore, #tpu.memory_space<semaphore_mem>>
    tpu.enqueue_indirect_dma source(%dma_start3A_177 : memref<10000x128xf32, #tpu.memory_space<hbm>>) target(%arg9 : memref<125x128xf32, #tpu.memory_space<vmem>>) offsets(%dma_start3A_174 : memref<125xi32, #tpu.memory_space<vmem>>) semaphore(%dma_start3A_179 : memref<!tpu.dma_semaphore, #tpu.memory_space<semaphore_mem>>)
    %dma_start3A_180 = arith.constant 1 : i32
    %dma_start3A_181 = arith.constant 1 : i32
    %dma_start3A_182 = arith.constant 0 : i32
    %dma_start3A_183 = tpu.memref_slice %arg7[%dma_start3A_180, %dma_start3A_182] : memref<44x125xi32, #tpu.memory_space<vmem>> -> memref<1x125xi32, #tpu.memory_space<vmem>>
    %dma_start3A_184 = tpu.memref_squeeze %dma_start3A_183 : memref<1x125xi32, #tpu.memory_space<vmem>> -> memref<125xi32, #tpu.memory_space<vmem>>
    %dma_start3A_185 = arith.constant 0 : i32
    %dma_start3A_186 = arith.constant 0 : i32
    %dma_start3A_187 = tpu.memref_slice %arg2[%dma_start3A_185, %dma_start3A_186] : memref<10000x128xf32, #tpu.memory_space<hbm>> -> memref<10000x128xf32, #tpu.memory_space<hbm>>
    %dma_start3A_188 = tpu.memref_slice %arg12[%dma_start3A_181] : memref<2x!tpu.dma_semaphore, #tpu.memory_space<semaphore_mem>> -> memref<1x!tpu.dma_semaphore, #tpu.memory_space<semaphore_mem>>
    %dma_start3A_189 = tpu.memref_squeeze %dma_start3A_188 : memref<1x!tpu.dma_semaphore, #tpu.memory_space<semaphore_mem>> -> memref<!tpu.dma_semaphore, #tpu.memory_space<semaphore_mem>>
    tpu.enqueue_indirect_dma source(%dma_start3A_187 : memref<10000x128xf32, #tpu.memory_space<hbm>>) target(%arg10 : memref<125x128xf32, #tpu.memory_space<vmem>>) offsets(%dma_start3A_184 : memref<125xi32, #tpu.memory_space<vmem>>) semaphore(%dma_start3A_189 : memref<!tpu.dma_semaphore, #tpu.memory_space<semaphore_mem>>)
    %dma_wait3A_190 = arith.constant 0 : i32
    %dma_wait3A_191 = arith.constant 0 : i32
    %dma_wait3A_192 = arith.constant 0 : i32
    %dma_wait3A_193 = tpu.memref_slice %arg7[%dma_wait3A_190, %dma_wait3A_192] : memref<44x125xi32, #tpu.memory_space<vmem>> -> memref<1x125xi32, #tpu.memory_space<vmem>>
    %dma_wait3A_194 = tpu.memref_squeeze %dma_wait3A_193 : memref<1x125xi32, #tpu.memory_space<vmem>> -> memref<125xi32, #tpu.memory_space<vmem>>
    %dma_wait3A_195 = arith.constant 0 : i32
    %dma_wait3A_196 = arith.constant 0 : i32
    %dma_wait3A_197 = tpu.memref_slice %arg2[%dma_wait3A_195, %dma_wait3A_196] : memref<10000x128xf32, #tpu.memory_space<hbm>> -> memref<10000x128xf32, #tpu.memory_space<hbm>>
    %dma_wait3A_198 = tpu.memref_slice %arg12[%dma_wait3A_191] : memref<2x!tpu.dma_semaphore, #tpu.memory_space<semaphore_mem>> -> memref<1x!tpu.dma_semaphore, #tpu.memory_space<semaphore_mem>>
    %dma_wait3A_199 = tpu.memref_squeeze %dma_wait3A_198 : memref<1x!tpu.dma_semaphore, #tpu.memory_space<semaphore_mem>> -> memref<!tpu.dma_semaphore, #tpu.memory_space<semaphore_mem>>
    tpu.wait_indirect_dma semaphore(%dma_wait3A_199 : memref<!tpu.dma_semaphore, #tpu.memory_space<semaphore_mem>>) src(%dma_wait3A_197 : memref<10000x128xf32, #tpu.memory_space<hbm>>) dst(%arg9 : memref<125x128xf32, #tpu.memory_space<vmem>>)
    %dma_start3A_200 = arith.constant 0 : i32
    %dma_start3A_201 = arith.constant 0 : i32
    %dma_start3A_202 = arith.constant 0 : i32
    %dma_start3A_203 = tpu.memref_slice %arg8[%dma_start3A_200, %dma_start3A_202] : memref<44x125xi32, #tpu.memory_space<vmem>> -> memref<1x125xi32, #tpu.memory_space<vmem>>
    %dma_start3A_204 = tpu.memref_squeeze %dma_start3A_203 : memref<1x125xi32, #tpu.memory_space<vmem>> -> memref<125xi32, #tpu.memory_space<vmem>>
    %dma_start3A_205 = arith.constant 0 : i32
    %dma_start3A_206 = arith.constant 0 : i32
    %dma_start3A_207 = tpu.memref_slice %arg11[%dma_start3A_205, %dma_start3A_206] : memref<10000x128xf32, #tpu.memory_space<vmem_shared>> -> memref<10000x128xf32, #tpu.memory_space<vmem_shared>>
    %dma_start3A_208 = tpu.memref_slice %arg13[%dma_start3A_201] : memref<2x!tpu.dma_semaphore, #tpu.memory_space<semaphore_mem>> -> memref<1x!tpu.dma_semaphore, #tpu.memory_space<semaphore_mem>>
    %dma_start3A_209 = tpu.memref_squeeze %dma_start3A_208 : memref<1x!tpu.dma_semaphore, #tpu.memory_space<semaphore_mem>> -> memref<!tpu.dma_semaphore, #tpu.memory_space<semaphore_mem>>
    tpu.enqueue_indirect_dma source(%arg9 : memref<125x128xf32, #tpu.memory_space<vmem>>) target(%dma_start3A_207 : memref<10000x128xf32, #tpu.memory_space<vmem_shared>>) offsets(%dma_start3A_204 : memref<125xi32, #tpu.memory_space<vmem>>) semaphore(%dma_start3A_209 : memref<!tpu.dma_semaphore, #tpu.memory_space<semaphore_mem>>) {add = true}
    %dma_wait3A_210 = arith.constant 0 : i32
    %dma_wait3A_211 = arith.constant 0 : i32
    %dma_wait3A_212 = arith.constant 0 : i32
    %dma_wait3A_213 = tpu.memref_slice %arg8[%dma_wait3A_210, %dma_wait3A_212] : memref<44x125xi32, #tpu.memory_space<vmem>> -> memref<1x125xi32, #tpu.memory_space<vmem>>
    %dma_wait3A_214 = tpu.memref_squeeze %dma_wait3A_213 : memref<1x125xi32, #tpu.memory_space<vmem>> -> memref<125xi32, #tpu.memory_space<vmem>>
    %dma_wait3A_215 = arith.constant 0 : i32
    %dma_wait3A_216 = arith.constant 0 : i32
    %dma_wait3A_217 = tpu.memref_slice %arg11[%dma_wait3A_215, %dma_wait3A_216] : memref<10000x128xf32, #tpu.memory_space<vmem_shared>> -> memref<10000x128xf32, #tpu.memory_space<vmem_shared>>
    %dma_wait3A_218 = tpu.memref_slice %arg13[%dma_wait3A_211] : memref<2x!tpu.dma_semaphore, #tpu.memory_space<semaphore_mem>> -> memref<1x!tpu.dma_semaphore, #tpu.memory_space<semaphore_mem>>
    %dma_wait3A_219 = tpu.memref_squeeze %dma_wait3A_218 : memref<1x!tpu.dma_semaphore, #tpu.memory_space<semaphore_mem>> -> memref<!tpu.dma_semaphore, #tpu.memory_space<semaphore_mem>>
    tpu.wait_indirect_dma semaphore(%dma_wait3A_219 : memref<!tpu.dma_semaphore, #tpu.memory_space<semaphore_mem>>) src(%arg9 : memref<125x128xf32, #tpu.memory_space<vmem>>) dst(%dma_wait3A_217 : memref<10000x128xf32, #tpu.memory_space<vmem_shared>>)
    %dma_start3A_220 = arith.constant 2 : i32
    %dma_start3A_221 = arith.constant 0 : i32
    %dma_start3A_222 = arith.constant 0 : i32
    %dma_start3A_223 = tpu.memref_slice %arg7[%dma_start3A_220, %dma_start3A_222] : memref<44x125xi32, #tpu.memory_space<vmem>> -> memref<1x125xi32, #tpu.memory_space<vmem>>
    %dma_start3A_224 = tpu.memref_squeeze %dma_start3A_223 : memref<1x125xi32, #tpu.memory_space<vmem>> -> memref<125xi32, #tpu.memory_space<vmem>>
    %dma_start3A_225 = arith.constant 0 : i32
    %dma_start3A_226 = arith.constant 0 : i32
    %dma_start3A_227 = tpu.memref_slice %arg2[%dma_start3A_225, %dma_start3A_226] : memref<10000x128xf32, #tpu.memory_space<hbm>> -> memref<10000x128xf32, #tpu.memory_space<hbm>>
    %dma_start3A_228 = tpu.memref_slice %arg12[%dma_start3A_221] : memref<2x!tpu.dma_semaphore, #tpu.memory_space<semaphore_mem>> -> memref<1x!tpu.dma_semaphore, #tpu.memory_space<semaphore_mem>>
    %dma_start3A_229 = tpu.memref_squeeze %dma_start3A_228 : memref<1x!tpu.dma_semaphore, #tpu.memory_space<semaphore_mem>> -> memref<!tpu.dma_semaphore, #tpu.memory_space<semaphore_mem>>
    tpu.enqueue_indirect_dma source(%dma_start3A_227 : memref<10000x128xf32, #tpu.memory_space<hbm>>) target(%arg9 : memref<125x128xf32, #tpu.memory_space<vmem>>) offsets(%dma_start3A_224 : memref<125xi32, #tpu.memory_space<vmem>>) semaphore(%dma_start3A_229 : memref<!tpu.dma_semaphore, #tpu.memory_space<semaphore_mem>>)
    %dma_wait3A_230 = arith.constant 1 : i32
    %dma_wait3A_231 = arith.constant 1 : i32
    %dma_wait3A_232 = arith.constant 0 : i32
    %dma_wait3A_233 = tpu.memref_slice %arg7[%dma_wait3A_230, %dma_wait3A_232] : memref<44x125xi32, #tpu.memory_space<vmem>> -> memref<1x125xi32, #tpu.memory_space<vmem>>
    %dma_wait3A_234 = tpu.memref_squeeze %dma_wait3A_233 : memref<1x125xi32, #tpu.memory_space<vmem>> -> memref<125xi32, #tpu.memory_space<vmem>>
    %dma_wait3A_235 = arith.constant 0 : i32
    %dma_wait3A_236 = arith.constant 0 : i32
    %dma_wait3A_237 = tpu.memref_slice %arg2[%dma_wait3A_235, %dma_wait3A_236] : memref<10000x128xf32, #tpu.memory_space<hbm>> -> memref<10000x128xf32, #tpu.memory_space<hbm>>
    %dma_wait3A_238 = tpu.memref_slice %arg12[%dma_wait3A_231] : memref<2x!tpu.dma_semaphore, #tpu.memory_space<semaphore_mem>> -> memref<1x!tpu.dma_semaphore, #tpu.memory_space<semaphore_mem>>
    %dma_wait3A_239 = tpu.memref_squeeze %dma_wait3A_238 : memref<1x!tpu.dma_semaphore, #tpu.memory_space<semaphore_mem>> -> memref<!tpu.dma_semaphore, #tpu.memory_space<semaphore_mem>>
    tpu.wait_indirect_dma semaphore(%dma_wait3A_239 : memref<!tpu.dma_semaphore, #tpu.memory_space<semaphore_mem>>) src(%dma_wait3A_237 : memref<10000x128xf32, #tpu.memory_space<hbm>>) dst(%arg10 : memref<125x128xf32, #tpu.memory_space<vmem>>)
    %dma_start3A_240 = arith.constant 1 : i32
    %dma_start3A_241 = arith.constant 1 : i32
    %dma_start3A_242 = arith.constant 0 : i32
    %dma_start3A_243 = tpu.memref_slice %arg8[%dma_start3A_240, %dma_start3A_242] : memref<44x125xi32, #tpu.memory_space<vmem>> -> memref<1x125xi32, #tpu.memory_space<vmem>>
    %dma_start3A_244 = tpu.memref_squeeze %dma_start3A_243 : memref<1x125xi32, #tpu.memory_space<vmem>> -> memref<125xi32, #tpu.memory_space<vmem>>
    %dma_start3A_245 = arith.constant 0 : i32
    %dma_start3A_246 = arith.constant 0 : i32
    %dma_start3A_247 = tpu.memref_slice %arg11[%dma_start3A_245, %dma_start3A_246] : memref<10000x128xf32, #tpu.memory_space<vmem_shared>> -> memref<10000x128xf32, #tpu.memory_space<vmem_shared>>
    %dma_start3A_248 = tpu.memref_slice %arg13[%dma_start3A_241] : memref<2x!tpu.dma_semaphore, #tpu.memory_space<semaphore_mem>> -> memref<1x!tpu.dma_semaphore, #tpu.memory_space<semaphore_mem>>
    %dma_start3A_249 = tpu.memref_squeeze %dma_start3A_248 : memref<1x!tpu.dma_semaphore, #tpu.memory_space<semaphore_mem>> -> memref<!tpu.dma_semaphore, #tpu.memory_space<semaphore_mem>>
    tpu.enqueue_indirect_dma source(%arg10 : memref<125x128xf32, #tpu.memory_space<vmem>>) target(%dma_start3A_247 : memref<10000x128xf32, #tpu.memory_space<vmem_shared>>) offsets(%dma_start3A_244 : memref<125xi32, #tpu.memory_space<vmem>>) semaphore(%dma_start3A_249 : memref<!tpu.dma_semaphore, #tpu.memory_space<semaphore_mem>>) {add = true}
    %scan3A_250 = arith.constant 0 : i32
    %scan3A_251 = arith.constant 0 : i32
    %scan3A_252 = arith.constant 18 : i32
    %scan3A_253 = arith.addi %scan3A_251, %scan3A_252 : i32
    %scan3A_254 = arith.constant 1 : i32
    scf.for %scan3A_346 = %scan3A_251 to %scan3A_253 step %scan3A_254  : i32 {
      %mul3A_347 = arith.constant 2 : i32
      %mul3A_348 = arith.muli %mul3A_347, %scan3A_346 : i32
      %add3A_349 = arith.constant 2 : i32
      %add3A_350 = arith.addi %mul3A_348, %add3A_349 : i32
      %add3A_351 = arith.constant 0 : i32
      %add3A_352 = arith.addi %add3A_350, %add3A_351 : i32
      %sub3A = arith.constant 1 : i32
      %sub3A_353 = arith.subi %add3A_352, %sub3A : i32
      %dma_wait3A_354 = arith.constant 1 : i32
      %dma_wait3A_355 = arith.constant 0 : i32
      %dma_wait3A_356 = tpu.memref_slice %arg8[%sub3A_353, %dma_wait3A_355] : memref<44x125xi32, #tpu.memory_space<vmem>> -> memref<1x125xi32, #tpu.memory_space<vmem>>
      %dma_wait3A_357 = tpu.memref_squeeze %dma_wait3A_356 : memref<1x125xi32, #tpu.memory_space<vmem>> -> memref<125xi32, #tpu.memory_space<vmem>>
      %dma_wait3A_358 = arith.constant 0 : i32
      %dma_wait3A_359 = arith.constant 0 : i32
      %dma_wait3A_360 = tpu.memref_slice %arg11[%dma_wait3A_358, %dma_wait3A_359] : memref<10000x128xf32, #tpu.memory_space<vmem_shared>> -> memref<10000x128xf32, #tpu.memory_space<vmem_shared>>
      %dma_wait3A_361 = tpu.memref_slice %arg13[%dma_wait3A_354] : memref<2x!tpu.dma_semaphore, #tpu.memory_space<semaphore_mem>> -> memref<1x!tpu.dma_semaphore, #tpu.memory_space<semaphore_mem>>
      %dma_wait3A_362 = tpu.memref_squeeze %dma_wait3A_361 : memref<1x!tpu.dma_semaphore, #tpu.memory_space<semaphore_mem>> -> memref<!tpu.dma_semaphore, #tpu.memory_space<semaphore_mem>>
      tpu.wait_indirect_dma semaphore(%dma_wait3A_362 : memref<!tpu.dma_semaphore, #tpu.memory_space<semaphore_mem>>) src(%arg10 : memref<125x128xf32, #tpu.memory_space<vmem>>) dst(%dma_wait3A_360 : memref<10000x128xf32, #tpu.memory_space<vmem_shared>>)
      %add3A_363 = arith.constant 1 : i32
      %add3A_364 = arith.addi %add3A_352, %add3A_363 : i32
      %dma_start3A_365 = arith.constant 1 : i32
      %dma_start3A_366 = arith.constant 0 : i32
      %dma_start3A_367 = tpu.memref_slice %arg7[%add3A_364, %dma_start3A_366] : memref<44x125xi32, #tpu.memory_space<vmem>> -> memref<1x125xi32, #tpu.memory_space<vmem>>
      %dma_start3A_368 = tpu.memref_squeeze %dma_start3A_367 : memref<1x125xi32, #tpu.memory_space<vmem>> -> memref<125xi32, #tpu.memory_space<vmem>>
      %dma_start3A_369 = arith.constant 0 : i32
      %dma_start3A_370 = arith.constant 0 : i32
      %dma_start3A_371 = tpu.memref_slice %arg2[%dma_start3A_369, %dma_start3A_370] : memref<10000x128xf32, #tpu.memory_space<hbm>> -> memref<10000x128xf32, #tpu.memory_space<hbm>>
      %dma_start3A_372 = tpu.memref_slice %arg12[%dma_start3A_365] : memref<2x!tpu.dma_semaphore, #tpu.memory_space<semaphore_mem>> -> memref<1x!tpu.dma_semaphore, #tpu.memory_space<semaphore_mem>>
      %dma_start3A_373 = tpu.memref_squeeze %dma_start3A_372 : memref<1x!tpu.dma_semaphore, #tpu.memory_space<semaphore_mem>> -> memref<!tpu.dma_semaphore, #tpu.memory_space<semaphore_mem>>
      tpu.enqueue_indirect_dma source(%dma_start3A_371 : memref<10000x128xf32, #tpu.memory_space<hbm>>) target(%arg10 : memref<125x128xf32, #tpu.memory_space<vmem>>) offsets(%dma_start3A_368 : memref<125xi32, #tpu.memory_space<vmem>>) semaphore(%dma_start3A_373 : memref<!tpu.dma_semaphore, #tpu.memory_space<semaphore_mem>>)
      %dma_wait3A_374 = arith.constant 0 : i32
      %dma_wait3A_375 = arith.constant 0 : i32
      %dma_wait3A_376 = tpu.memref_slice %arg7[%add3A_352, %dma_wait3A_375] : memref<44x125xi32, #tpu.memory_space<vmem>> -> memref<1x125xi32, #tpu.memory_space<vmem>>
      %dma_wait3A_377 = tpu.memref_squeeze %dma_wait3A_376 : memref<1x125xi32, #tpu.memory_space<vmem>> -> memref<125xi32, #tpu.memory_space<vmem>>
      %dma_wait3A_378 = arith.constant 0 : i32
      %dma_wait3A_379 = arith.constant 0 : i32
      %dma_wait3A_380 = tpu.memref_slice %arg2[%dma_wait3A_378, %dma_wait3A_379] : memref<10000x128xf32, #tpu.memory_space<hbm>> -> memref<10000x128xf32, #tpu.memory_space<hbm>>
      %dma_wait3A_381 = tpu.memref_slice %arg12[%dma_wait3A_374] : memref<2x!tpu.dma_semaphore, #tpu.memory_space<semaphore_mem>> -> memref<1x!tpu.dma_semaphore, #tpu.memory_space<semaphore_mem>>
      %dma_wait3A_382 = tpu.memref_squeeze %dma_wait3A_381 : memref<1x!tpu.dma_semaphore, #tpu.memory_space<semaphore_mem>> -> memref<!tpu.dma_semaphore, #tpu.memory_space<semaphore_mem>>
      tpu.wait_indirect_dma semaphore(%dma_wait3A_382 : memref<!tpu.dma_semaphore, #tpu.memory_space<semaphore_mem>>) src(%dma_wait3A_380 : memref<10000x128xf32, #tpu.memory_space<hbm>>) dst(%arg9 : memref<125x128xf32, #tpu.memory_space<vmem>>)
      %dma_start3A_383 = arith.constant 0 : i32
      %dma_start3A_384 = arith.constant 0 : i32
      %dma_start3A_385 = tpu.memref_slice %arg8[%add3A_352, %dma_start3A_384] : memref<44x125xi32, #tpu.memory_space<vmem>> -> memref<1x125xi32, #tpu.memory_space<vmem>>
      %dma_start3A_386 = tpu.memref_squeeze %dma_start3A_385 : memref<1x125xi32, #tpu.memory_space<vmem>> -> memref<125xi32, #tpu.memory_space<vmem>>
      %dma_start3A_387 = arith.constant 0 : i32
      %dma_start3A_388 = arith.constant 0 : i32
      %dma_start3A_389 = tpu.memref_slice %arg11[%dma_start3A_387, %dma_start3A_388] : memref<10000x128xf32, #tpu.memory_space<vmem_shared>> -> memref<10000x128xf32, #tpu.memory_space<vmem_shared>>
      %dma_start3A_390 = tpu.memref_slice %arg13[%dma_start3A_383] : memref<2x!tpu.dma_semaphore, #tpu.memory_space<semaphore_mem>> -> memref<1x!tpu.dma_semaphore, #tpu.memory_space<semaphore_mem>>
      %dma_start3A_391 = tpu.memref_squeeze %dma_start3A_390 : memref<1x!tpu.dma_semaphore, #tpu.memory_space<semaphore_mem>> -> memref<!tpu.dma_semaphore, #tpu.memory_space<semaphore_mem>>
      tpu.enqueue_indirect_dma source(%arg9 : memref<125x128xf32, #tpu.memory_space<vmem>>) target(%dma_start3A_389 : memref<10000x128xf32, #tpu.memory_space<vmem_shared>>) offsets(%dma_start3A_386 : memref<125xi32, #tpu.memory_space<vmem>>) semaphore(%dma_start3A_391 : memref<!tpu.dma_semaphore, #tpu.memory_space<semaphore_mem>>) {add = true}
      %mul3A_392 = arith.constant 2 : i32
      %mul3A_393 = arith.muli %mul3A_392, %scan3A_346 : i32
      %add3A_394 = arith.constant 2 : i32
      %add3A_395 = arith.addi %mul3A_393, %add3A_394 : i32
      %add3A_396 = arith.constant 1 : i32
      %add3A_397 = arith.addi %add3A_395, %add3A_396 : i32
      %sub3A_398 = arith.constant 1 : i32
      %sub3A_399 = arith.subi %add3A_397, %sub3A_398 : i32
      %dma_wait3A_400 = arith.constant 0 : i32
      %dma_wait3A_401 = arith.constant 0 : i32
      %dma_wait3A_402 = tpu.memref_slice %arg8[%sub3A_399, %dma_wait3A_401] : memref<44x125xi32, #tpu.memory_space<vmem>> -> memref<1x125xi32, #tpu.memory_space<vmem>>
      %dma_wait3A_403 = tpu.memref_squeeze %dma_wait3A_402 : memref<1x125xi32, #tpu.memory_space<vmem>> -> memref<125xi32, #tpu.memory_space<vmem>>
      %dma_wait3A_404 = arith.constant 0 : i32
      %dma_wait3A_405 = arith.constant 0 : i32
      %dma_wait3A_406 = tpu.memref_slice %arg11[%dma_wait3A_404, %dma_wait3A_405] : memref<10000x128xf32, #tpu.memory_space<vmem_shared>> -> memref<10000x128xf32, #tpu.memory_space<vmem_shared>>
      %dma_wait3A_407 = tpu.memref_slice %arg13[%dma_wait3A_400] : memref<2x!tpu.dma_semaphore, #tpu.memory_space<semaphore_mem>> -> memref<1x!tpu.dma_semaphore, #tpu.memory_space<semaphore_mem>>
      %dma_wait3A_408 = tpu.memref_squeeze %dma_wait3A_407 : memref<1x!tpu.dma_semaphore, #tpu.memory_space<semaphore_mem>> -> memref<!tpu.dma_semaphore, #tpu.memory_space<semaphore_mem>>
      tpu.wait_indirect_dma semaphore(%dma_wait3A_408 : memref<!tpu.dma_semaphore, #tpu.memory_space<semaphore_mem>>) src(%arg9 : memref<125x128xf32, #tpu.memory_space<vmem>>) dst(%dma_wait3A_406 : memref<10000x128xf32, #tpu.memory_space<vmem_shared>>)
      %add3A_409 = arith.constant 1 : i32
      %add3A_410 = arith.addi %add3A_397, %add3A_409 : i32
      %dma_start3A_411 = arith.constant 0 : i32
      %dma_start3A_412 = arith.constant 0 : i32
      %dma_start3A_413 = tpu.memref_slice %arg7[%add3A_410, %dma_start3A_412] : memref<44x125xi32, #tpu.memory_space<vmem>> -> memref<1x125xi32, #tpu.memory_space<vmem>>
      %dma_start3A_414 = tpu.memref_squeeze %dma_start3A_413 : memref<1x125xi32, #tpu.memory_space<vmem>> -> memref<125xi32, #tpu.memory_space<vmem>>
      %dma_start3A_415 = arith.constant 0 : i32
      %dma_start3A_416 = arith.constant 0 : i32
      %dma_start3A_417 = tpu.memref_slice %arg2[%dma_start3A_415, %dma_start3A_416] : memref<10000x128xf32, #tpu.memory_space<hbm>> -> memref<10000x128xf32, #tpu.memory_space<hbm>>
      %dma_start3A_418 = tpu.memref_slice %arg12[%dma_start3A_411] : memref<2x!tpu.dma_semaphore, #tpu.memory_space<semaphore_mem>> -> memref<1x!tpu.dma_semaphore, #tpu.memory_space<semaphore_mem>>
      %dma_start3A_419 = tpu.memref_squeeze %dma_start3A_418 : memref<1x!tpu.dma_semaphore, #tpu.memory_space<semaphore_mem>> -> memref<!tpu.dma_semaphore, #tpu.memory_space<semaphore_mem>>
      tpu.enqueue_indirect_dma source(%dma_start3A_417 : memref<10000x128xf32, #tpu.memory_space<hbm>>) target(%arg9 : memref<125x128xf32, #tpu.memory_space<vmem>>) offsets(%dma_start3A_414 : memref<125xi32, #tpu.memory_space<vmem>>) semaphore(%dma_start3A_419 : memref<!tpu.dma_semaphore, #tpu.memory_space<semaphore_mem>>)
      %dma_wait3A_420 = arith.constant 1 : i32
      %dma_wait3A_421 = arith.constant 0 : i32
      %dma_wait3A_422 = tpu.memref_slice %arg7[%add3A_397, %dma_wait3A_421] : memref<44x125xi32, #tpu.memory_space<vmem>> -> memref<1x125xi32, #tpu.memory_space<vmem>>
      %dma_wait3A_423 = tpu.memref_squeeze %dma_wait3A_422 : memref<1x125xi32, #tpu.memory_space<vmem>> -> memref<125xi32, #tpu.memory_space<vmem>>
      %dma_wait3A_424 = arith.constant 0 : i32
      %dma_wait3A_425 = arith.constant 0 : i32
      %dma_wait3A_426 = tpu.memref_slice %arg2[%dma_wait3A_424, %dma_wait3A_425] : memref<10000x128xf32, #tpu.memory_space<hbm>> -> memref<10000x128xf32, #tpu.memory_space<hbm>>
      %dma_wait3A_427 = tpu.memref_slice %arg12[%dma_wait3A_420] : memref<2x!tpu.dma_semaphore, #tpu.memory_space<semaphore_mem>> -> memref<1x!tpu.dma_semaphore, #tpu.memory_space<semaphore_mem>>
      %dma_wait3A_428 = tpu.memref_squeeze %dma_wait3A_427 : memref<1x!tpu.dma_semaphore, #tpu.memory_space<semaphore_mem>> -> memref<!tpu.dma_semaphore, #tpu.memory_space<semaphore_mem>>
      tpu.wait_indirect_dma semaphore(%dma_wait3A_428 : memref<!tpu.dma_semaphore, #tpu.memory_space<semaphore_mem>>) src(%dma_wait3A_426 : memref<10000x128xf32, #tpu.memory_space<hbm>>) dst(%arg10 : memref<125x128xf32, #tpu.memory_space<vmem>>)
      %dma_start3A_429 = arith.constant 1 : i32
      %dma_start3A_430 = arith.constant 0 : i32
      %dma_start3A_431 = tpu.memref_slice %arg8[%add3A_397, %dma_start3A_430] : memref<44x125xi32, #tpu.memory_space<vmem>> -> memref<1x125xi32, #tpu.memory_space<vmem>>
      %dma_start3A_432 = tpu.memref_squeeze %dma_start3A_431 : memref<1x125xi32, #tpu.memory_space<vmem>> -> memref<125xi32, #tpu.memory_space<vmem>>
      %dma_start3A_433 = arith.constant 0 : i32
      %dma_start3A_434 = arith.constant 0 : i32
      %dma_start3A_435 = tpu.memref_slice %arg11[%dma_start3A_433, %dma_start3A_434] : memref<10000x128xf32, #tpu.memory_space<vmem_shared>> -> memref<10000x128xf32, #tpu.memory_space<vmem_shared>>
      %dma_start3A_436 = tpu.memref_slice %arg13[%dma_start3A_429] : memref<2x!tpu.dma_semaphore, #tpu.memory_space<semaphore_mem>> -> memref<1x!tpu.dma_semaphore, #tpu.memory_space<semaphore_mem>>
      %dma_start3A_437 = tpu.memref_squeeze %dma_start3A_436 : memref<1x!tpu.dma_semaphore, #tpu.memory_space<semaphore_mem>> -> memref<!tpu.dma_semaphore, #tpu.memory_space<semaphore_mem>>
      tpu.enqueue_indirect_dma source(%arg10 : memref<125x128xf32, #tpu.memory_space<vmem>>) target(%dma_start3A_435 : memref<10000x128xf32, #tpu.memory_space<vmem_shared>>) offsets(%dma_start3A_432 : memref<125xi32, #tpu.memory_space<vmem>>) semaphore(%dma_start3A_437 : memref<!tpu.dma_semaphore, #tpu.memory_space<semaphore_mem>>) {add = true}
    }
    %scan3A_255 = arith.constant 18 : i32
    %dma_wait3A_256 = arith.constant 37 : i32
    %dma_wait3A_257 = arith.constant 1 : i32
    %dma_wait3A_258 = arith.constant 0 : i32
    %dma_wait3A_259 = tpu.memref_slice %arg8[%dma_wait3A_256, %dma_wait3A_258] : memref<44x125xi32, #tpu.memory_space<vmem>> -> memref<1x125xi32, #tpu.memory_space<vmem>>
    %dma_wait3A_260 = tpu.memref_squeeze %dma_wait3A_259 : memref<1x125xi32, #tpu.memory_space<vmem>> -> memref<125xi32, #tpu.memory_space<vmem>>
    %dma_wait3A_261 = arith.constant 0 : i32
    %dma_wait3A_262 = arith.constant 0 : i32
    %dma_wait3A_263 = tpu.memref_slice %arg11[%dma_wait3A_261, %dma_wait3A_262] : memref<10000x128xf32, #tpu.memory_space<vmem_shared>> -> memref<10000x128xf32, #tpu.memory_space<vmem_shared>>
    %dma_wait3A_264 = tpu.memref_slice %arg13[%dma_wait3A_257] : memref<2x!tpu.dma_semaphore, #tpu.memory_space<semaphore_mem>> -> memref<1x!tpu.dma_semaphore, #tpu.memory_space<semaphore_mem>>
    %dma_wait3A_265 = tpu.memref_squeeze %dma_wait3A_264 : memref<1x!tpu.dma_semaphore, #tpu.memory_space<semaphore_mem>> -> memref<!tpu.dma_semaphore, #tpu.memory_space<semaphore_mem>>
    tpu.wait_indirect_dma semaphore(%dma_wait3A_265 : memref<!tpu.dma_semaphore, #tpu.memory_space<semaphore_mem>>) src(%arg10 : memref<125x128xf32, #tpu.memory_space<vmem>>) dst(%dma_wait3A_263 : memref<10000x128xf32, #tpu.memory_space<vmem_shared>>)
    %dma_start3A_266 = arith.constant 39 : i32
    %dma_start3A_267 = arith.constant 1 : i32
    %dma_start3A_268 = arith.constant 0 : i32
    %dma_start3A_269 = tpu.memref_slice %arg7[%dma_start3A_266, %dma_start3A_268] : memref<44x125xi32, #tpu.memory_space<vmem>> -> memref<1x125xi32, #tpu.memory_space<vmem>>
    %dma_start3A_270 = tpu.memref_squeeze %dma_start3A_269 : memref<1x125xi32, #tpu.memory_space<vmem>> -> memref<125xi32, #tpu.memory_space<vmem>>
    %dma_start3A_271 = arith.constant 0 : i32
    %dma_start3A_272 = arith.constant 0 : i32
    %dma_start3A_273 = tpu.memref_slice %arg2[%dma_start3A_271, %dma_start3A_272] : memref<10000x128xf32, #tpu.memory_space<hbm>> -> memref<10000x128xf32, #tpu.memory_space<hbm>>
    %dma_start3A_274 = tpu.memref_slice %arg12[%dma_start3A_267] : memref<2x!tpu.dma_semaphore, #tpu.memory_space<semaphore_mem>> -> memref<1x!tpu.dma_semaphore, #tpu.memory_space<semaphore_mem>>
    %dma_start3A_275 = tpu.memref_squeeze %dma_start3A_274 : memref<1x!tpu.dma_semaphore, #tpu.memory_space<semaphore_mem>> -> memref<!tpu.dma_semaphore, #tpu.memory_space<semaphore_mem>>
    tpu.enqueue_indirect_dma source(%dma_start3A_273 : memref<10000x128xf32, #tpu.memory_space<hbm>>) target(%arg10 : memref<125x128xf32, #tpu.memory_space<vmem>>) offsets(%dma_start3A_270 : memref<125xi32, #tpu.memory_space<vmem>>) semaphore(%dma_start3A_275 : memref<!tpu.dma_semaphore, #tpu.memory_space<semaphore_mem>>)
    %dma_wait3A_276 = arith.constant 38 : i32
    %dma_wait3A_277 = arith.constant 0 : i32
    %dma_wait3A_278 = arith.constant 0 : i32
    %dma_wait3A_279 = tpu.memref_slice %arg7[%dma_wait3A_276, %dma_wait3A_278] : memref<44x125xi32, #tpu.memory_space<vmem>> -> memref<1x125xi32, #tpu.memory_space<vmem>>
    %dma_wait3A_280 = tpu.memref_squeeze %dma_wait3A_279 : memref<1x125xi32, #tpu.memory_space<vmem>> -> memref<125xi32, #tpu.memory_space<vmem>>
    %dma_wait3A_281 = arith.constant 0 : i32
    %dma_wait3A_282 = arith.constant 0 : i32
    %dma_wait3A_283 = tpu.memref_slice %arg2[%dma_wait3A_281, %dma_wait3A_282] : memref<10000x128xf32, #tpu.memory_space<hbm>> -> memref<10000x128xf32, #tpu.memory_space<hbm>>
    %dma_wait3A_284 = tpu.memref_slice %arg12[%dma_wait3A_277] : memref<2x!tpu.dma_semaphore, #tpu.memory_space<semaphore_mem>> -> memref<1x!tpu.dma_semaphore, #tpu.memory_space<semaphore_mem>>
    %dma_wait3A_285 = tpu.memref_squeeze %dma_wait3A_284 : memref<1x!tpu.dma_semaphore, #tpu.memory_space<semaphore_mem>> -> memref<!tpu.dma_semaphore, #tpu.memory_space<semaphore_mem>>
    tpu.wait_indirect_dma semaphore(%dma_wait3A_285 : memref<!tpu.dma_semaphore, #tpu.memory_space<semaphore_mem>>) src(%dma_wait3A_283 : memref<10000x128xf32, #tpu.memory_space<hbm>>) dst(%arg9 : memref<125x128xf32, #tpu.memory_space<vmem>>)
    %dma_start3A_286 = arith.constant 38 : i32
    %dma_start3A_287 = arith.constant 0 : i32
    %dma_start3A_288 = arith.constant 0 : i32
    %dma_start3A_289 = tpu.memref_slice %arg8[%dma_start3A_286, %dma_start3A_288] : memref<44x125xi32, #tpu.memory_space<vmem>> -> memref<1x125xi32, #tpu.memory_space<vmem>>
    %dma_start3A_290 = tpu.memref_squeeze %dma_start3A_289 : memref<1x125xi32, #tpu.memory_space<vmem>> -> memref<125xi32, #tpu.memory_space<vmem>>
    %dma_start3A_291 = arith.constant 0 : i32
    %dma_start3A_292 = arith.constant 0 : i32
    %dma_start3A_293 = tpu.memref_slice %arg11[%dma_start3A_291, %dma_start3A_292] : memref<10000x128xf32, #tpu.memory_space<vmem_shared>> -> memref<10000x128xf32, #tpu.memory_space<vmem_shared>>
    %dma_start3A_294 = tpu.memref_slice %arg13[%dma_start3A_287] : memref<2x!tpu.dma_semaphore, #tpu.memory_space<semaphore_mem>> -> memref<1x!tpu.dma_semaphore, #tpu.memory_space<semaphore_mem>>
    %dma_start3A_295 = tpu.memref_squeeze %dma_start3A_294 : memref<1x!tpu.dma_semaphore, #tpu.memory_space<semaphore_mem>> -> memref<!tpu.dma_semaphore, #tpu.memory_space<semaphore_mem>>
    tpu.enqueue_indirect_dma source(%arg9 : memref<125x128xf32, #tpu.memory_space<vmem>>) target(%dma_start3A_293 : memref<10000x128xf32, #tpu.memory_space<vmem_shared>>) offsets(%dma_start3A_290 : memref<125xi32, #tpu.memory_space<vmem>>) semaphore(%dma_start3A_295 : memref<!tpu.dma_semaphore, #tpu.memory_space<semaphore_mem>>) {add = true}
    %dma_wait3A_296 = arith.constant 39 : i32
    %dma_wait3A_297 = arith.constant 1 : i32
    %dma_wait3A_298 = arith.constant 0 : i32
    %dma_wait3A_299 = tpu.memref_slice %arg7[%dma_wait3A_296, %dma_wait3A_298] : memref<44x125xi32, #tpu.memory_space<vmem>> -> memref<1x125xi32, #tpu.memory_space<vmem>>
    %dma_wait3A_300 = tpu.memref_squeeze %dma_wait3A_299 : memref<1x125xi32, #tpu.memory_space<vmem>> -> memref<125xi32, #tpu.memory_space<vmem>>
    %dma_wait3A_301 = arith.constant 0 : i32
    %dma_wait3A_302 = arith.constant 0 : i32
    %dma_wait3A_303 = tpu.memref_slice %arg2[%dma_wait3A_301, %dma_wait3A_302] : memref<10000x128xf32, #tpu.memory_space<hbm>> -> memref<10000x128xf32, #tpu.memory_space<hbm>>
    %dma_wait3A_304 = tpu.memref_slice %arg12[%dma_wait3A_297] : memref<2x!tpu.dma_semaphore, #tpu.memory_space<semaphore_mem>> -> memref<1x!tpu.dma_semaphore, #tpu.memory_space<semaphore_mem>>
    %dma_wait3A_305 = tpu.memref_squeeze %dma_wait3A_304 : memref<1x!tpu.dma_semaphore, #tpu.memory_space<semaphore_mem>> -> memref<!tpu.dma_semaphore, #tpu.memory_space<semaphore_mem>>
    tpu.wait_indirect_dma semaphore(%dma_wait3A_305 : memref<!tpu.dma_semaphore, #tpu.memory_space<semaphore_mem>>) src(%dma_wait3A_303 : memref<10000x128xf32, #tpu.memory_space<hbm>>) dst(%arg10 : memref<125x128xf32, #tpu.memory_space<vmem>>)
    %dma_start3A_306 = arith.constant 39 : i32
    %dma_start3A_307 = arith.constant 1 : i32
    %dma_start3A_308 = arith.constant 0 : i32
    %dma_start3A_309 = tpu.memref_slice %arg8[%dma_start3A_306, %dma_start3A_308] : memref<44x125xi32, #tpu.memory_space<vmem>> -> memref<1x125xi32, #tpu.memory_space<vmem>>
    %dma_start3A_310 = tpu.memref_squeeze %dma_start3A_309 : memref<1x125xi32, #tpu.memory_space<vmem>> -> memref<125xi32, #tpu.memory_space<vmem>>
    %dma_start3A_311 = arith.constant 0 : i32
    %dma_start3A_312 = arith.constant 0 : i32
    %dma_start3A_313 = tpu.memref_slice %arg11[%dma_start3A_311, %dma_start3A_312] : memref<10000x128xf32, #tpu.memory_space<vmem_shared>> -> memref<10000x128xf32, #tpu.memory_space<vmem_shared>>
    %dma_start3A_314 = tpu.memref_slice %arg13[%dma_start3A_307] : memref<2x!tpu.dma_semaphore, #tpu.memory_space<semaphore_mem>> -> memref<1x!tpu.dma_semaphore, #tpu.memory_space<semaphore_mem>>
    %dma_start3A_315 = tpu.memref_squeeze %dma_start3A_314 : memref<1x!tpu.dma_semaphore, #tpu.memory_space<semaphore_mem>> -> memref<!tpu.dma_semaphore, #tpu.memory_space<semaphore_mem>>
    tpu.enqueue_indirect_dma source(%arg10 : memref<125x128xf32, #tpu.memory_space<vmem>>) target(%dma_start3A_313 : memref<10000x128xf32, #tpu.memory_space<vmem_shared>>) offsets(%dma_start3A_310 : memref<125xi32, #tpu.memory_space<vmem>>) semaphore(%dma_start3A_315 : memref<!tpu.dma_semaphore, #tpu.memory_space<semaphore_mem>>) {add = true}
    %dma_wait3A_316 = arith.constant 38 : i32
    %dma_wait3A_317 = arith.constant 0 : i32
    %dma_wait3A_318 = arith.constant 0 : i32
    %dma_wait3A_319 = tpu.memref_slice %arg8[%dma_wait3A_316, %dma_wait3A_318] : memref<44x125xi32, #tpu.memory_space<vmem>> -> memref<1x125xi32, #tpu.memory_space<vmem>>
    %dma_wait3A_320 = tpu.memref_squeeze %dma_wait3A_319 : memref<1x125xi32, #tpu.memory_space<vmem>> -> memref<125xi32, #tpu.memory_space<vmem>>
    %dma_wait3A_321 = arith.constant 0 : i32
    %dma_wait3A_322 = arith.constant 0 : i32
    %dma_wait3A_323 = tpu.memref_slice %arg11[%dma_wait3A_321, %dma_wait3A_322] : memref<10000x128xf32, #tpu.memory_space<vmem_shared>> -> memref<10000x128xf32, #tpu.memory_space<vmem_shared>>
    %dma_wait3A_324 = tpu.memref_slice %arg13[%dma_wait3A_317] : memref<2x!tpu.dma_semaphore, #tpu.memory_space<semaphore_mem>> -> memref<1x!tpu.dma_semaphore, #tpu.memory_space<semaphore_mem>>
    %dma_wait3A_325 = tpu.memref_squeeze %dma_wait3A_324 : memref<1x!tpu.dma_semaphore, #tpu.memory_space<semaphore_mem>> -> memref<!tpu.dma_semaphore, #tpu.memory_space<semaphore_mem>>
    tpu.wait_indirect_dma semaphore(%dma_wait3A_325 : memref<!tpu.dma_semaphore, #tpu.memory_space<semaphore_mem>>) src(%arg9 : memref<125x128xf32, #tpu.memory_space<vmem>>) dst(%dma_wait3A_323 : memref<10000x128xf32, #tpu.memory_space<vmem_shared>>)
    %dma_wait3A_326 = arith.constant 39 : i32
    %dma_wait3A_327 = arith.constant 1 : i32
    %dma_wait3A_328 = arith.constant 0 : i32
    %dma_wait3A_329 = tpu.memref_slice %arg8[%dma_wait3A_326, %dma_wait3A_328] : memref<44x125xi32, #tpu.memory_space<vmem>> -> memref<1x125xi32, #tpu.memory_space<vmem>>
    %dma_wait3A_330 = tpu.memref_squeeze %dma_wait3A_329 : memref<1x125xi32, #tpu.memory_space<vmem>> -> memref<125xi32, #tpu.memory_space<vmem>>
    %dma_wait3A_331 = arith.constant 0 : i32
    %dma_wait3A_332 = arith.constant 0 : i32
    %dma_wait3A_333 = tpu.memref_slice %arg11[%dma_wait3A_331, %dma_wait3A_332] : memref<10000x128xf32, #tpu.memory_space<vmem_shared>> -> memref<10000x128xf32, #tpu.memory_space<vmem_shared>>
    %dma_wait3A_334 = tpu.memref_slice %arg13[%dma_wait3A_327] : memref<2x!tpu.dma_semaphore, #tpu.memory_space<semaphore_mem>> -> memref<1x!tpu.dma_semaphore, #tpu.memory_space<semaphore_mem>>
    %dma_wait3A_335 = tpu.memref_squeeze %dma_wait3A_334 : memref<1x!tpu.dma_semaphore, #tpu.memory_space<semaphore_mem>> -> memref<!tpu.dma_semaphore, #tpu.memory_space<semaphore_mem>>
    tpu.wait_indirect_dma semaphore(%dma_wait3A_335 : memref<!tpu.dma_semaphore, #tpu.memory_space<semaphore_mem>>) src(%arg10 : memref<125x128xf32, #tpu.memory_space<vmem>>) dst(%dma_wait3A_333 : memref<10000x128xf32, #tpu.memory_space<vmem_shared>>)
    %barrier3A_336 = arith.constant 0 : index
    tpu.barrier barrier_id(%barrier3A_336)
    %mul3A_337 = arith.constant 624 : i32
    %mul3A_338 = arith.muli %arg1, %mul3A_337 : i32
    %mul3A_339 = arith.constant 624 : i32
    %mul3A_340 = arith.muli %arg1, %mul3A_339 : i32
    "tpu.region"() ({
      %run_scoped3A = tpu.sem_alloc : memref<!tpu.dma_semaphore, #tpu.memory_space<semaphore_mem>>
      %dma_start3A_346 = arith.constant 0 : i32
      %dma_start3A_347 = tpu.memref_slice %arg6[%arg0, %mul3A_340, %dma_start3A_346] : memref<2x10000x128xf32, #tpu.memory_space<hbm>> -> memref<1x624x128xf32, #tpu.memory_space<hbm>>
      %dma_start3A_348 = tpu.memref_squeeze %dma_start3A_347 : memref<1x624x128xf32, #tpu.memory_space<hbm>> -> memref<624x128xf32, #tpu.memory_space<hbm>>
      %dma_start3A_349 = arith.constant 0 : i32
      %dma_start3A_350 = tpu.memref_slice %arg11[%mul3A_338, %dma_start3A_349] : memref<10000x128xf32, #tpu.memory_space<vmem_shared>> -> memref<624x128xf32, #tpu.memory_space<vmem_shared>>
      tpu.enqueue_dma source(%dma_start3A_350 : memref<624x128xf32, #tpu.memory_space<vmem_shared>>) target(%dma_start3A_348 : memref<624x128xf32, #tpu.memory_space<hbm>>) target_semaphore(%run_scoped3A : memref<!tpu.dma_semaphore, #tpu.memory_space<semaphore_mem>>)
      %dma_wait3A_351 = arith.constant 0 : i32
      %dma_wait3A_352 = tpu.memref_slice %arg6[%arg0, %mul3A_340, %dma_wait3A_351] : memref<2x10000x128xf32, #tpu.memory_space<hbm>> -> memref<1x624x128xf32, #tpu.memory_space<hbm>>
      %dma_wait3A_353 = tpu.memref_squeeze %dma_wait3A_352 : memref<1x624x128xf32, #tpu.memory_space<hbm>> -> memref<624x128xf32, #tpu.memory_space<hbm>>
      %dma_wait3A_354 = arith.constant 0 : i32
      %dma_wait3A_355 = tpu.memref_slice %arg11[%mul3A_338, %dma_wait3A_354] : memref<10000x128xf32, #tpu.memory_space<vmem_shared>> -> memref<624x128xf32, #tpu.memory_space<vmem_shared>>
      tpu.wait_dma2 semaphore(%run_scoped3A : memref<!tpu.dma_semaphore, #tpu.memory_space<semaphore_mem>>) src(%dma_wait3A_355 : memref<624x128xf32, #tpu.memory_space<vmem_shared>>) dst(%dma_wait3A_353 : memref<624x128xf32, #tpu.memory_space<hbm>>)
      tpu.yield
    }) : () -> ()
    %eq3A_341 = arith.constant 15 : i32
    %eq3A_342 = arith.cmpi eq, %arg1, %eq3A_341 : i32
    %convert_element_type3A_343 = arith.extui %eq3A_342 : i1 to i32
    %cond3A_344 = arith.constant 0 : i32
    %cond3A_345 = arith.cmpi ne, %convert_element_type3A_343, %cond3A_344 : i32
    scf.if %cond3A_345 {
      "tpu.region"() ({
        %run_scoped3A = tpu.sem_alloc : memref<!tpu.dma_semaphore, #tpu.memory_space<semaphore_mem>>
        %dma_start3A_346 = arith.constant 9984 : i32
        %dma_start3A_347 = arith.constant 0 : i32
        %dma_start3A_348 = tpu.memref_slice %arg6[%arg0, %dma_start3A_346, %dma_start3A_347] : memref<2x10000x128xf32, #tpu.memory_space<hbm>> -> memref<1x16x128xf32, #tpu.memory_space<hbm>>
        %dma_start3A_349 = tpu.memref_squeeze %dma_start3A_348 : memref<1x16x128xf32, #tpu.memory_space<hbm>> -> memref<16x128xf32, #tpu.memory_space<hbm>>
        %dma_start3A_350 = arith.constant 9984 : i32
        %dma_start3A_351 = arith.constant 0 : i32
        %dma_start3A_352 = tpu.memref_slice %arg11[%dma_start3A_350, %dma_start3A_351] : memref<10000x128xf32, #tpu.memory_space<vmem_shared>> -> memref<16x128xf32, #tpu.memory_space<vmem_shared>>
        tpu.enqueue_dma source(%dma_start3A_352 : memref<16x128xf32, #tpu.memory_space<vmem_shared>>) target(%dma_start3A_349 : memref<16x128xf32, #tpu.memory_space<hbm>>) target_semaphore(%run_scoped3A : memref<!tpu.dma_semaphore, #tpu.memory_space<semaphore_mem>>)
        %dma_wait3A_353 = arith.constant 9984 : i32
        %dma_wait3A_354 = arith.constant 0 : i32
        %dma_wait3A_355 = tpu.memref_slice %arg6[%arg0, %dma_wait3A_353, %dma_wait3A_354] : memref<2x10000x128xf32, #tpu.memory_space<hbm>> -> memref<1x16x128xf32, #tpu.memory_space<hbm>>
        %dma_wait3A_356 = tpu.memref_squeeze %dma_wait3A_355 : memref<1x16x128xf32, #tpu.memory_space<hbm>> -> memref<16x128xf32, #tpu.memory_space<hbm>>
        %dma_wait3A_357 = arith.constant 9984 : i32
        %dma_wait3A_358 = arith.constant 0 : i32
        %dma_wait3A_359 = tpu.memref_slice %arg11[%dma_wait3A_357, %dma_wait3A_358] : memref<10000x128xf32, #tpu.memory_space<vmem_shared>> -> memref<16x128xf32, #tpu.memory_space<vmem_shared>>
        tpu.wait_dma2 semaphore(%run_scoped3A : memref<!tpu.dma_semaphore, #tpu.memory_space<semaphore_mem>>) src(%dma_wait3A_359 : memref<16x128xf32, #tpu.memory_space<vmem_shared>>) dst(%dma_wait3A_356 : memref<16x128xf32, #tpu.memory_space<hbm>>)
        tpu.yield
      }) : () -> ()
    } else {
    }
    return
  }
}

#map = affine_map<(d0, d1) -> (0, 0)>
#map1 = affine_map<(d0, d1) -> (0, 0, 0)>
module attributes {stable_mosaic.version = 14 : i64} {
  func.func @body(%arg0: i32, %arg1: i32, %arg2: memref<10000x128xf32, #tpu.memory_space<hbm>>, %arg3: memref<32x80x125xi32, #tpu.memory_space<hbm>>, %arg4: memref<32x80x125xi32, #tpu.memory_space<hbm>>, %arg5: memref<10000x128xf32, #tpu.memory_space<hbm>>, %arg6: memref<2x10000x128xf32, #tpu.memory_space<hbm>>, %arg7: memref<44x125xi32, #tpu.memory_space<vmem>>, %arg8: memref<44x125xi32, #tpu.memory_space<vmem>>, %arg9: memref<125x128xf32, #tpu.memory_space<vmem>>, %arg10: memref<125x128xf32, #tpu.memory_space<vmem>>, %arg11: memref<10000x128xf32, #tpu.memory_space<vmem_shared>>, %arg12: memref<2x!tpu.dma_semaphore, #tpu.memory_space<semaphore_mem>>, %arg13: memref<2x!tpu.dma_semaphore, #tpu.memory_space<semaphore_mem>>) attributes {dimension_semantics = [#tpu.dimension_semantics<core_parallel>, #tpu.dimension_semantics<subcore_parallel>], iteration_bounds = array<i64: 2, 16>, scalar_prefetch = 0 : i64, scratch_operands = 7 : i64, tpu.core_type = #tpu.core_type<sc_vector_subcore>, window_params = [{transform_indices = #map}, {transform_indices = #map1}, {transform_indices = #map1}, {transform_indices = #map}, {transform_indices = #map1}]} {
    %mul3A = arith.constant 2 : i32
    %mul3A_0 = arith.muli %arg1, %mul3A : i32
    %add3A = arith.addi %mul3A_0, %arg0 : i32
    %mul3A_1 = arith.constant 624 : i32
    %mul3A_2 = arith.muli %arg1, %mul3A_1 : i32
    %mul3A_3 = arith.constant 624 : i32
    %mul3A_4 = arith.muli %arg1, %mul3A_3 : i32
    "tpu.region"() ({
      %run_scoped3A = tpu.sem_alloc : memref<!tpu.dma_semaphore, #tpu.memory_space<semaphore_mem>>
      %dma_start3A_346 = arith.constant 0 : i32
      %dma_start3A_347 = tpu.memref_slice %arg11[%mul3A_4, %dma_start3A_346] : memref<10000x128xf32, #tpu.memory_space<vmem_shared>> -> memref<624x128xf32, #tpu.memory_space<vmem_shared>>
      %dma_start3A_348 = arith.constant 0 : i32
      %dma_start3A_349 = tpu.memref_slice %arg5[%mul3A_2, %dma_start3A_348] : memref<10000x128xf32, #tpu.memory_space<hbm>> -> memref<624x128xf32, #tpu.memory_space<hbm>>
      tpu.enqueue_dma source(%dma_start3A_349 : memref<624x128xf32, #tpu.memory_space<hbm>>) target(%dma_start3A_347 : memref<624x128xf32, #tpu.memory_space<vmem_shared>>) target_semaphore(%run_scoped3A : memref<!tpu.dma_semaphore, #tpu.memory_space<semaphore_mem>>)
      %dma_wait3A_350 = arith.constant 0 : i32
      %dma_wait3A_351 = tpu.memref_slice %arg11[%mul3A_4, %dma_wait3A_350] : memref<10000x128xf32, #tpu.memory_space<vmem_shared>> -> memref<624x128xf32, #tpu.memory_space<vmem_shared>>
      %dma_wait3A_352 = arith.constant 0 : i32
      %dma_wait3A_353 = tpu.memref_slice %arg5[%mul3A_2, %dma_wait3A_352] : memref<10000x128xf32, #tpu.memory_space<hbm>> -> memref<624x128xf32, #tpu.memory_space<hbm>>
      tpu.wait_dma2 semaphore(%run_scoped3A : memref<!tpu.dma_semaphore, #tpu.memory_space<semaphore_mem>>) src(%dma_wait3A_353 : memref<624x128xf32, #tpu.memory_space<hbm>>) dst(%dma_wait3A_351 : memref<624x128xf32, #tpu.memory_space<vmem_shared>>)
      tpu.yield
    }) : () -> ()
    %eq3A = arith.constant 15 : i32
    %eq3A_5 = arith.cmpi eq, %arg1, %eq3A : i32
    %convert_element_type3A = arith.extui %eq3A_5 : i1 to i32
    %cond3A = arith.constant 0 : i32
    %cond3A_6 = arith.cmpi ne, %convert_element_type3A, %cond3A : i32
    scf.if %cond3A_6 {
      "tpu.region"() ({
        %run_scoped3A = tpu.sem_alloc : memref<!tpu.dma_semaphore, #tpu.memory_space<semaphore_mem>>
        %dma_start3A_346 = arith.constant 9984 : i32
        %dma_start3A_347 = arith.constant 0 : i32
        %dma_start3A_348 = tpu.memref_slice %arg11[%dma_start3A_346, %dma_start3A_347] : memref<10000x128xf32, #tpu.memory_space<vmem_shared>> -> memref<16x128xf32, #tpu.memory_space<vmem_shared>>
        %dma_start3A_349 = arith.constant 9984 : i32
        %dma_start3A_350 = arith.constant 0 : i32
        %dma_start3A_351 = tpu.memref_slice %arg5[%dma_start3A_349, %dma_start3A_350] : memref<10000x128xf32, #tpu.memory_space<hbm>> -> memref<16x128xf32, #tpu.memory_space<hbm>>
        tpu.enqueue_dma source(%dma_start3A_351 : memref<16x128xf32, #tpu.memory_space<hbm>>) target(%dma_start3A_348 : memref<16x128xf32, #tpu.memory_space<vmem_shared>>) target_semaphore(%run_scoped3A : memref<!tpu.dma_semaphore, #tpu.memory_space<semaphore_mem>>)
        %dma_wait3A_352 = arith.constant 9984 : i32
        %dma_wait3A_353 = arith.constant 0 : i32
        %dma_wait3A_354 = tpu.memref_slice %arg11[%dma_wait3A_352, %dma_wait3A_353] : memref<10000x128xf32, #tpu.memory_space<vmem_shared>> -> memref<16x128xf32, #tpu.memory_space<vmem_shared>>
        %dma_wait3A_355 = arith.constant 9984 : i32
        %dma_wait3A_356 = arith.constant 0 : i32
        %dma_wait3A_357 = tpu.memref_slice %arg5[%dma_wait3A_355, %dma_wait3A_356] : memref<10000x128xf32, #tpu.memory_space<hbm>> -> memref<16x128xf32, #tpu.memory_space<hbm>>
        tpu.wait_dma2 semaphore(%run_scoped3A : memref<!tpu.dma_semaphore, #tpu.memory_space<semaphore_mem>>) src(%dma_wait3A_357 : memref<16x128xf32, #tpu.memory_space<hbm>>) dst(%dma_wait3A_354 : memref<16x128xf32, #tpu.memory_space<vmem_shared>>)
        tpu.yield
      }) : () -> ()
    } else {
    }
    %barrier3A = arith.constant 0 : index
    tpu.barrier barrier_id(%barrier3A)
    "tpu.region"() ({
      %run_scoped3A = tpu.sem_alloc : memref<!tpu.dma_semaphore, #tpu.memory_space<semaphore_mem>>
      %dma_start3A_346 = arith.constant 0 : i32
      %dma_start3A_347 = arith.constant 0 : i32
      %dma_start3A_348 = tpu.memref_slice %arg7[%dma_start3A_346, %dma_start3A_347] : memref<44x125xi32, #tpu.memory_space<vmem>> -> memref<40x125xi32, #tpu.memory_space<vmem>>
      %dma_start3A_349 = arith.constant 0 : i32
      %dma_start3A_350 = arith.constant 0 : i32
      %dma_start3A_351 = tpu.memref_slice %arg3[%add3A, %dma_start3A_349, %dma_start3A_350] : memref<32x80x125xi32, #tpu.memory_space<hbm>> -> memref<1x40x125xi32, #tpu.memory_space<hbm>>
      %dma_start3A_352 = tpu.memref_squeeze %dma_start3A_351 : memref<1x40x125xi32, #tpu.memory_space<hbm>> -> memref<40x125xi32, #tpu.memory_space<hbm>>
      %dma_start3A_353 = arith.constant 0 : i32
      %dma_start3A_354 = arith.constant 0 : i32
      %dma_start3A_355 = tpu.memref_slice %arg7[%dma_start3A_353, %dma_start3A_354] : memref<44x125xi32, #tpu.memory_space<vmem>> -> memref<40x125xi32, #tpu.memory_space<vmem>>
      %dma_start3A_356 = arith.constant 0 : i32
      %dma_start3A_357 = arith.constant 0 : i32
      %dma_start3A_358 = tpu.memref_slice %arg3[%add3A, %dma_start3A_356, %dma_start3A_357] : memref<32x80x125xi32, #tpu.memory_space<hbm>> -> memref<1x40x125xi32, #tpu.memory_space<hbm>>
      %dma_start3A_359 = tpu.memref_squeeze %dma_start3A_358 : memref<1x40x125xi32, #tpu.memory_space<hbm>> -> memref<40x125xi32, #tpu.memory_space<hbm>>
      tpu.enqueue_dma source(%dma_start3A_359 : memref<40x125xi32, #tpu.memory_space<hbm>>) target(%dma_start3A_355 : memref<40x125xi32, #tpu.memory_space<vmem>>) target_semaphore(%run_scoped3A : memref<!tpu.dma_semaphore, #tpu.memory_space<semaphore_mem>>)
      %dma_wait3A_360 = arith.constant 0 : i32
      %dma_wait3A_361 = arith.constant 0 : i32
      %dma_wait3A_362 = tpu.memref_slice %arg7[%dma_wait3A_360, %dma_wait3A_361] : memref<44x125xi32, #tpu.memory_space<vmem>> -> memref<40x125xi32, #tpu.memory_space<vmem>>
      %dma_wait3A_363 = arith.constant 0 : i32
      %dma_wait3A_364 = arith.constant 0 : i32
      %dma_wait3A_365 = tpu.memref_slice %arg3[%add3A, %dma_wait3A_363, %dma_wait3A_364] : memref<32x80x125xi32, #tpu.memory_space<hbm>> -> memref<1x40x125xi32, #tpu.memory_space<hbm>>
      %dma_wait3A_366 = tpu.memref_squeeze %dma_wait3A_365 : memref<1x40x125xi32, #tpu.memory_space<hbm>> -> memref<40x125xi32, #tpu.memory_space<hbm>>
      %dma_wait3A_367 = arith.constant 0 : i32
      %dma_wait3A_368 = arith.constant 0 : i32
      %dma_wait3A_369 = tpu.memref_slice %arg7[%dma_wait3A_367, %dma_wait3A_368] : memref<44x125xi32, #tpu.memory_space<vmem>> -> memref<40x125xi32, #tpu.memory_space<vmem>>
      %dma_wait3A_370 = arith.constant 0 : i32
      %dma_wait3A_371 = arith.constant 0 : i32
      %dma_wait3A_372 = tpu.memref_slice %arg3[%add3A, %dma_wait3A_370, %dma_wait3A_371] : memref<32x80x125xi32, #tpu.memory_space<hbm>> -> memref<1x40x125xi32, #tpu.memory_space<hbm>>
      %dma_wait3A_373 = tpu.memref_squeeze %dma_wait3A_372 : memref<1x40x125xi32, #tpu.memory_space<hbm>> -> memref<40x125xi32, #tpu.memory_space<hbm>>
      tpu.wait_dma2 semaphore(%run_scoped3A : memref<!tpu.dma_semaphore, #tpu.memory_space<semaphore_mem>>) src(%dma_wait3A_373 : memref<40x125xi32, #tpu.memory_space<hbm>>) dst(%dma_wait3A_369 : memref<40x125xi32, #tpu.memory_space<vmem>>)
      tpu.yield
    }) : () -> ()
    "tpu.region"() ({
      %run_scoped3A = tpu.sem_alloc : memref<!tpu.dma_semaphore, #tpu.memory_space<semaphore_mem>>
      %dma_start3A_346 = arith.constant 0 : i32
      %dma_start3A_347 = arith.constant 0 : i32
      %dma_start3A_348 = tpu.memref_slice %arg8[%dma_start3A_346, %dma_start3A_347] : memref<44x125xi32, #tpu.memory_space<vmem>> -> memref<40x125xi32, #tpu.memory_space<vmem>>
      %dma_start3A_349 = arith.constant 0 : i32
      %dma_start3A_350 = arith.constant 0 : i32
      %dma_start3A_351 = tpu.memref_slice %arg4[%add3A, %dma_start3A_349, %dma_start3A_350] : memref<32x80x125xi32, #tpu.memory_space<hbm>> -> memref<1x40x125xi32, #tpu.memory_space<hbm>>
      %dma_start3A_352 = tpu.memref_squeeze %dma_start3A_351 : memref<1x40x125xi32, #tpu.memory_space<hbm>> -> memref<40x125xi32, #tpu.memory_space<hbm>>
      %dma_start3A_353 = arith.constant 0 : i32
      %dma_start3A_354 = arith.constant 0 : i32
      %dma_start3A_355 = tpu.memref_slice %arg8[%dma_start3A_353, %dma_start3A_354] : memref<44x125xi32, #tpu.memory_space<vmem>> -> memref<40x125xi32, #tpu.memory_space<vmem>>
      %dma_start3A_356 = arith.constant 0 : i32
      %dma_start3A_357 = arith.constant 0 : i32
      %dma_start3A_358 = tpu.memref_slice %arg4[%add3A, %dma_start3A_356, %dma_start3A_357] : memref<32x80x125xi32, #tpu.memory_space<hbm>> -> memref<1x40x125xi32, #tpu.memory_space<hbm>>
      %dma_start3A_359 = tpu.memref_squeeze %dma_start3A_358 : memref<1x40x125xi32, #tpu.memory_space<hbm>> -> memref<40x125xi32, #tpu.memory_space<hbm>>
      tpu.enqueue_dma source(%dma_start3A_359 : memref<40x125xi32, #tpu.memory_space<hbm>>) target(%dma_start3A_355 : memref<40x125xi32, #tpu.memory_space<vmem>>) target_semaphore(%run_scoped3A : memref<!tpu.dma_semaphore, #tpu.memory_space<semaphore_mem>>)
      %dma_wait3A_360 = arith.constant 0 : i32
      %dma_wait3A_361 = arith.constant 0 : i32
      %dma_wait3A_362 = tpu.memref_slice %arg8[%dma_wait3A_360, %dma_wait3A_361] : memref<44x125xi32, #tpu.memory_space<vmem>> -> memref<40x125xi32, #tpu.memory_space<vmem>>
      %dma_wait3A_363 = arith.constant 0 : i32
      %dma_wait3A_364 = arith.constant 0 : i32
      %dma_wait3A_365 = tpu.memref_slice %arg4[%add3A, %dma_wait3A_363, %dma_wait3A_364] : memref<32x80x125xi32, #tpu.memory_space<hbm>> -> memref<1x40x125xi32, #tpu.memory_space<hbm>>
      %dma_wait3A_366 = tpu.memref_squeeze %dma_wait3A_365 : memref<1x40x125xi32, #tpu.memory_space<hbm>> -> memref<40x125xi32, #tpu.memory_space<hbm>>
      %dma_wait3A_367 = arith.constant 0 : i32
      %dma_wait3A_368 = arith.constant 0 : i32
      %dma_wait3A_369 = tpu.memref_slice %arg8[%dma_wait3A_367, %dma_wait3A_368] : memref<44x125xi32, #tpu.memory_space<vmem>> -> memref<40x125xi32, #tpu.memory_space<vmem>>
      %dma_wait3A_370 = arith.constant 0 : i32
      %dma_wait3A_371 = arith.constant 0 : i32
      %dma_wait3A_372 = tpu.memref_slice %arg4[%add3A, %dma_wait3A_370, %dma_wait3A_371] : memref<32x80x125xi32, #tpu.memory_space<hbm>> -> memref<1x40x125xi32, #tpu.memory_space<hbm>>
      %dma_wait3A_373 = tpu.memref_squeeze %dma_wait3A_372 : memref<1x40x125xi32, #tpu.memory_space<hbm>> -> memref<40x125xi32, #tpu.memory_space<hbm>>
      tpu.wait_dma2 semaphore(%run_scoped3A : memref<!tpu.dma_semaphore, #tpu.memory_space<semaphore_mem>>) src(%dma_wait3A_373 : memref<40x125xi32, #tpu.memory_space<hbm>>) dst(%dma_wait3A_369 : memref<40x125xi32, #tpu.memory_space<vmem>>)
      tpu.yield
    }) : () -> ()
    %dma_start3A = arith.constant 0 : i32
    %dma_start3A_7 = arith.constant 0 : i32
    %dma_start3A_8 = arith.constant 0 : i32
    %dma_start3A_9 = tpu.memref_slice %arg7[%dma_start3A, %dma_start3A_8] : memref<44x125xi32, #tpu.memory_space<vmem>> -> memref<1x125xi32, #tpu.memory_space<vmem>>
    %dma_start3A_10 = tpu.memref_squeeze %dma_start3A_9 : memref<1x125xi32, #tpu.memory_space<vmem>> -> memref<125xi32, #tpu.memory_space<vmem>>
    %dma_start3A_11 = arith.constant 0 : i32
    %dma_start3A_12 = arith.constant 0 : i32
    %dma_start3A_13 = tpu.memref_slice %arg2[%dma_start3A_11, %dma_start3A_12] : memref<10000x128xf32, #tpu.memory_space<hbm>> -> memref<10000x128xf32, #tpu.memory_space<hbm>>
    %dma_start3A_14 = tpu.memref_slice %arg12[%dma_start3A_7] : memref<2x!tpu.dma_semaphore, #tpu.memory_space<semaphore_mem>> -> memref<1x!tpu.dma_semaphore, #tpu.memory_space<semaphore_mem>>
    %dma_start3A_15 = tpu.memref_squeeze %dma_start3A_14 : memref<1x!tpu.dma_semaphore, #tpu.memory_space<semaphore_mem>> -> memref<!tpu.dma_semaphore, #tpu.memory_space<semaphore_mem>>
    tpu.enqueue_indirect_dma source(%dma_start3A_13 : memref<10000x128xf32, #tpu.memory_space<hbm>>) target(%arg9 : memref<125x128xf32, #tpu.memory_space<vmem>>) offsets(%dma_start3A_10 : memref<125xi32, #tpu.memory_space<vmem>>) semaphore(%dma_start3A_15 : memref<!tpu.dma_semaphore, #tpu.memory_space<semaphore_mem>>)
    %dma_start3A_16 = arith.constant 1 : i32
    %dma_start3A_17 = arith.constant 1 : i32
    %dma_start3A_18 = arith.constant 0 : i32
    %dma_start3A_19 = tpu.memref_slice %arg7[%dma_start3A_16, %dma_start3A_18] : memref<44x125xi32, #tpu.memory_space<vmem>> -> memref<1x125xi32, #tpu.memory_space<vmem>>
    %dma_start3A_20 = tpu.memref_squeeze %dma_start3A_19 : memref<1x125xi32, #tpu.memory_space<vmem>> -> memref<125xi32, #tpu.memory_space<vmem>>
    %dma_start3A_21 = arith.constant 0 : i32
    %dma_start3A_22 = arith.constant 0 : i32
    %dma_start3A_23 = tpu.memref_slice %arg2[%dma_start3A_21, %dma_start3A_22] : memref<10000x128xf32, #tpu.memory_space<hbm>> -> memref<10000x128xf32, #tpu.memory_space<hbm>>
    %dma_start3A_24 = tpu.memref_slice %arg12[%dma_start3A_17] : memref<2x!tpu.dma_semaphore, #tpu.memory_space<semaphore_mem>> -> memref<1x!tpu.dma_semaphore, #tpu.memory_space<semaphore_mem>>
    %dma_start3A_25 = tpu.memref_squeeze %dma_start3A_24 : memref<1x!tpu.dma_semaphore, #tpu.memory_space<semaphore_mem>> -> memref<!tpu.dma_semaphore, #tpu.memory_space<semaphore_mem>>
    tpu.enqueue_indirect_dma source(%dma_start3A_23 : memref<10000x128xf32, #tpu.memory_space<hbm>>) target(%arg10 : memref<125x128xf32, #tpu.memory_space<vmem>>) offsets(%dma_start3A_20 : memref<125xi32, #tpu.memory_space<vmem>>) semaphore(%dma_start3A_25 : memref<!tpu.dma_semaphore, #tpu.memory_space<semaphore_mem>>)
    %dma_wait3A = arith.constant 0 : i32
    %dma_wait3A_26 = arith.constant 0 : i32
    %dma_wait3A_27 = arith.constant 0 : i32
    %dma_wait3A_28 = tpu.memref_slice %arg7[%dma_wait3A, %dma_wait3A_27] : memref<44x125xi32, #tpu.memory_space<vmem>> -> memref<1x125xi32, #tpu.memory_space<vmem>>
    %dma_wait3A_29 = tpu.memref_squeeze %dma_wait3A_28 : memref<1x125xi32, #tpu.memory_space<vmem>> -> memref<125xi32, #tpu.memory_space<vmem>>
    %dma_wait3A_30 = arith.constant 0 : i32
    %dma_wait3A_31 = arith.constant 0 : i32
    %dma_wait3A_32 = tpu.memref_slice %arg2[%dma_wait3A_30, %dma_wait3A_31] : memref<10000x128xf32, #tpu.memory_space<hbm>> -> memref<10000x128xf32, #tpu.memory_space<hbm>>
    %dma_wait3A_33 = tpu.memref_slice %arg12[%dma_wait3A_26] : memref<2x!tpu.dma_semaphore, #tpu.memory_space<semaphore_mem>> -> memref<1x!tpu.dma_semaphore, #tpu.memory_space<semaphore_mem>>
    %dma_wait3A_34 = tpu.memref_squeeze %dma_wait3A_33 : memref<1x!tpu.dma_semaphore, #tpu.memory_space<semaphore_mem>> -> memref<!tpu.dma_semaphore, #tpu.memory_space<semaphore_mem>>
    tpu.wait_indirect_dma semaphore(%dma_wait3A_34 : memref<!tpu.dma_semaphore, #tpu.memory_space<semaphore_mem>>) src(%dma_wait3A_32 : memref<10000x128xf32, #tpu.memory_space<hbm>>) dst(%arg9 : memref<125x128xf32, #tpu.memory_space<vmem>>)
    %dma_start3A_35 = arith.constant 0 : i32
    %dma_start3A_36 = arith.constant 0 : i32
    %dma_start3A_37 = arith.constant 0 : i32
    %dma_start3A_38 = tpu.memref_slice %arg8[%dma_start3A_35, %dma_start3A_37] : memref<44x125xi32, #tpu.memory_space<vmem>> -> memref<1x125xi32, #tpu.memory_space<vmem>>
    %dma_start3A_39 = tpu.memref_squeeze %dma_start3A_38 : memref<1x125xi32, #tpu.memory_space<vmem>> -> memref<125xi32, #tpu.memory_space<vmem>>
    %dma_start3A_40 = arith.constant 0 : i32
    %dma_start3A_41 = arith.constant 0 : i32
    %dma_start3A_42 = tpu.memref_slice %arg11[%dma_start3A_40, %dma_start3A_41] : memref<10000x128xf32, #tpu.memory_space<vmem_shared>> -> memref<10000x128xf32, #tpu.memory_space<vmem_shared>>
    %dma_start3A_43 = tpu.memref_slice %arg13[%dma_start3A_36] : memref<2x!tpu.dma_semaphore, #tpu.memory_space<semaphore_mem>> -> memref<1x!tpu.dma_semaphore, #tpu.memory_space<semaphore_mem>>
    %dma_start3A_44 = tpu.memref_squeeze %dma_start3A_43 : memref<1x!tpu.dma_semaphore, #tpu.memory_space<semaphore_mem>> -> memref<!tpu.dma_semaphore, #tpu.memory_space<semaphore_mem>>
    tpu.enqueue_indirect_dma source(%arg9 : memref<125x128xf32, #tpu.memory_space<vmem>>) target(%dma_start3A_42 : memref<10000x128xf32, #tpu.memory_space<vmem_shared>>) offsets(%dma_start3A_39 : memref<125xi32, #tpu.memory_space<vmem>>) semaphore(%dma_start3A_44 : memref<!tpu.dma_semaphore, #tpu.memory_space<semaphore_mem>>) {add = true}
    %dma_wait3A_45 = arith.constant 0 : i32
    %dma_wait3A_46 = arith.constant 0 : i32
    %dma_wait3A_47 = arith.constant 0 : i32
    %dma_wait3A_48 = tpu.memref_slice %arg8[%dma_wait3A_45, %dma_wait3A_47] : memref<44x125xi32, #tpu.memory_space<vmem>> -> memref<1x125xi32, #tpu.memory_space<vmem>>
    %dma_wait3A_49 = tpu.memref_squeeze %dma_wait3A_48 : memref<1x125xi32, #tpu.memory_space<vmem>> -> memref<125xi32, #tpu.memory_space<vmem>>
    %dma_wait3A_50 = arith.constant 0 : i32
    %dma_wait3A_51 = arith.constant 0 : i32
    %dma_wait3A_52 = tpu.memref_slice %arg11[%dma_wait3A_50, %dma_wait3A_51] : memref<10000x128xf32, #tpu.memory_space<vmem_shared>> -> memref<10000x128xf32, #tpu.memory_space<vmem_shared>>
    %dma_wait3A_53 = tpu.memref_slice %arg13[%dma_wait3A_46] : memref<2x!tpu.dma_semaphore, #tpu.memory_space<semaphore_mem>> -> memref<1x!tpu.dma_semaphore, #tpu.memory_space<semaphore_mem>>
    %dma_wait3A_54 = tpu.memref_squeeze %dma_wait3A_53 : memref<1x!tpu.dma_semaphore, #tpu.memory_space<semaphore_mem>> -> memref<!tpu.dma_semaphore, #tpu.memory_space<semaphore_mem>>
    tpu.wait_indirect_dma semaphore(%dma_wait3A_54 : memref<!tpu.dma_semaphore, #tpu.memory_space<semaphore_mem>>) src(%arg9 : memref<125x128xf32, #tpu.memory_space<vmem>>) dst(%dma_wait3A_52 : memref<10000x128xf32, #tpu.memory_space<vmem_shared>>)
    %dma_start3A_55 = arith.constant 2 : i32
    %dma_start3A_56 = arith.constant 0 : i32
    %dma_start3A_57 = arith.constant 0 : i32
    %dma_start3A_58 = tpu.memref_slice %arg7[%dma_start3A_55, %dma_start3A_57] : memref<44x125xi32, #tpu.memory_space<vmem>> -> memref<1x125xi32, #tpu.memory_space<vmem>>
    %dma_start3A_59 = tpu.memref_squeeze %dma_start3A_58 : memref<1x125xi32, #tpu.memory_space<vmem>> -> memref<125xi32, #tpu.memory_space<vmem>>
    %dma_start3A_60 = arith.constant 0 : i32
    %dma_start3A_61 = arith.constant 0 : i32
    %dma_start3A_62 = tpu.memref_slice %arg2[%dma_start3A_60, %dma_start3A_61] : memref<10000x128xf32, #tpu.memory_space<hbm>> -> memref<10000x128xf32, #tpu.memory_space<hbm>>
    %dma_start3A_63 = tpu.memref_slice %arg12[%dma_start3A_56] : memref<2x!tpu.dma_semaphore, #tpu.memory_space<semaphore_mem>> -> memref<1x!tpu.dma_semaphore, #tpu.memory_space<semaphore_mem>>
    %dma_start3A_64 = tpu.memref_squeeze %dma_start3A_63 : memref<1x!tpu.dma_semaphore, #tpu.memory_space<semaphore_mem>> -> memref<!tpu.dma_semaphore, #tpu.memory_space<semaphore_mem>>
    tpu.enqueue_indirect_dma source(%dma_start3A_62 : memref<10000x128xf32, #tpu.memory_space<hbm>>) target(%arg9 : memref<125x128xf32, #tpu.memory_space<vmem>>) offsets(%dma_start3A_59 : memref<125xi32, #tpu.memory_space<vmem>>) semaphore(%dma_start3A_64 : memref<!tpu.dma_semaphore, #tpu.memory_space<semaphore_mem>>)
    %dma_wait3A_65 = arith.constant 1 : i32
    %dma_wait3A_66 = arith.constant 1 : i32
    %dma_wait3A_67 = arith.constant 0 : i32
    %dma_wait3A_68 = tpu.memref_slice %arg7[%dma_wait3A_65, %dma_wait3A_67] : memref<44x125xi32, #tpu.memory_space<vmem>> -> memref<1x125xi32, #tpu.memory_space<vmem>>
    %dma_wait3A_69 = tpu.memref_squeeze %dma_wait3A_68 : memref<1x125xi32, #tpu.memory_space<vmem>> -> memref<125xi32, #tpu.memory_space<vmem>>
    %dma_wait3A_70 = arith.constant 0 : i32
    %dma_wait3A_71 = arith.constant 0 : i32
    %dma_wait3A_72 = tpu.memref_slice %arg2[%dma_wait3A_70, %dma_wait3A_71] : memref<10000x128xf32, #tpu.memory_space<hbm>> -> memref<10000x128xf32, #tpu.memory_space<hbm>>
    %dma_wait3A_73 = tpu.memref_slice %arg12[%dma_wait3A_66] : memref<2x!tpu.dma_semaphore, #tpu.memory_space<semaphore_mem>> -> memref<1x!tpu.dma_semaphore, #tpu.memory_space<semaphore_mem>>
    %dma_wait3A_74 = tpu.memref_squeeze %dma_wait3A_73 : memref<1x!tpu.dma_semaphore, #tpu.memory_space<semaphore_mem>> -> memref<!tpu.dma_semaphore, #tpu.memory_space<semaphore_mem>>
    tpu.wait_indirect_dma semaphore(%dma_wait3A_74 : memref<!tpu.dma_semaphore, #tpu.memory_space<semaphore_mem>>) src(%dma_wait3A_72 : memref<10000x128xf32, #tpu.memory_space<hbm>>) dst(%arg10 : memref<125x128xf32, #tpu.memory_space<vmem>>)
    %dma_start3A_75 = arith.constant 1 : i32
    %dma_start3A_76 = arith.constant 1 : i32
    %dma_start3A_77 = arith.constant 0 : i32
    %dma_start3A_78 = tpu.memref_slice %arg8[%dma_start3A_75, %dma_start3A_77] : memref<44x125xi32, #tpu.memory_space<vmem>> -> memref<1x125xi32, #tpu.memory_space<vmem>>
    %dma_start3A_79 = tpu.memref_squeeze %dma_start3A_78 : memref<1x125xi32, #tpu.memory_space<vmem>> -> memref<125xi32, #tpu.memory_space<vmem>>
    %dma_start3A_80 = arith.constant 0 : i32
    %dma_start3A_81 = arith.constant 0 : i32
    %dma_start3A_82 = tpu.memref_slice %arg11[%dma_start3A_80, %dma_start3A_81] : memref<10000x128xf32, #tpu.memory_space<vmem_shared>> -> memref<10000x128xf32, #tpu.memory_space<vmem_shared>>
    %dma_start3A_83 = tpu.memref_slice %arg13[%dma_start3A_76] : memref<2x!tpu.dma_semaphore, #tpu.memory_space<semaphore_mem>> -> memref<1x!tpu.dma_semaphore, #tpu.memory_space<semaphore_mem>>
    %dma_start3A_84 = tpu.memref_squeeze %dma_start3A_83 : memref<1x!tpu.dma_semaphore, #tpu.memory_space<semaphore_mem>> -> memref<!tpu.dma_semaphore, #tpu.memory_space<semaphore_mem>>
    tpu.enqueue_indirect_dma source(%arg10 : memref<125x128xf32, #tpu.memory_space<vmem>>) target(%dma_start3A_82 : memref<10000x128xf32, #tpu.memory_space<vmem_shared>>) offsets(%dma_start3A_79 : memref<125xi32, #tpu.memory_space<vmem>>) semaphore(%dma_start3A_84 : memref<!tpu.dma_semaphore, #tpu.memory_space<semaphore_mem>>) {add = true}
    %scan3A = arith.constant 0 : i32
    %scan3A_85 = arith.constant 0 : i32
    %scan3A_86 = arith.constant 18 : i32
    %scan3A_87 = arith.addi %scan3A_85, %scan3A_86 : i32
    %scan3A_88 = arith.constant 1 : i32
    scf.for %scan3A_346 = %scan3A_85 to %scan3A_87 step %scan3A_88  : i32 {
      %mul3A_347 = arith.constant 2 : i32
      %mul3A_348 = arith.muli %mul3A_347, %scan3A_346 : i32
      %add3A_349 = arith.constant 2 : i32
      %add3A_350 = arith.addi %mul3A_348, %add3A_349 : i32
      %add3A_351 = arith.constant 0 : i32
      %add3A_352 = arith.addi %add3A_350, %add3A_351 : i32
      %sub3A = arith.constant 1 : i32
      %sub3A_353 = arith.subi %add3A_352, %sub3A : i32
      %dma_wait3A_354 = arith.constant 1 : i32
      %dma_wait3A_355 = arith.constant 0 : i32
      %dma_wait3A_356 = tpu.memref_slice %arg8[%sub3A_353, %dma_wait3A_355] : memref<44x125xi32, #tpu.memory_space<vmem>> -> memref<1x125xi32, #tpu.memory_space<vmem>>
      %dma_wait3A_357 = tpu.memref_squeeze %dma_wait3A_356 : memref<1x125xi32, #tpu.memory_space<vmem>> -> memref<125xi32, #tpu.memory_space<vmem>>
      %dma_wait3A_358 = arith.constant 0 : i32
      %dma_wait3A_359 = arith.constant 0 : i32
      %dma_wait3A_360 = tpu.memref_slice %arg11[%dma_wait3A_358, %dma_wait3A_359] : memref<10000x128xf32, #tpu.memory_space<vmem_shared>> -> memref<10000x128xf32, #tpu.memory_space<vmem_shared>>
      %dma_wait3A_361 = tpu.memref_slice %arg13[%dma_wait3A_354] : memref<2x!tpu.dma_semaphore, #tpu.memory_space<semaphore_mem>> -> memref<1x!tpu.dma_semaphore, #tpu.memory_space<semaphore_mem>>
      %dma_wait3A_362 = tpu.memref_squeeze %dma_wait3A_361 : memref<1x!tpu.dma_semaphore, #tpu.memory_space<semaphore_mem>> -> memref<!tpu.dma_semaphore, #tpu.memory_space<semaphore_mem>>
      tpu.wait_indirect_dma semaphore(%dma_wait3A_362 : memref<!tpu.dma_semaphore, #tpu.memory_space<semaphore_mem>>) src(%arg10 : memref<125x128xf32, #tpu.memory_space<vmem>>) dst(%dma_wait3A_360 : memref<10000x128xf32, #tpu.memory_space<vmem_shared>>)
      %add3A_363 = arith.constant 1 : i32
      %add3A_364 = arith.addi %add3A_352, %add3A_363 : i32
      %dma_start3A_365 = arith.constant 1 : i32
      %dma_start3A_366 = arith.constant 0 : i32
      %dma_start3A_367 = tpu.memref_slice %arg7[%add3A_364, %dma_start3A_366] : memref<44x125xi32, #tpu.memory_space<vmem>> -> memref<1x125xi32, #tpu.memory_space<vmem>>
      %dma_start3A_368 = tpu.memref_squeeze %dma_start3A_367 : memref<1x125xi32, #tpu.memory_space<vmem>> -> memref<125xi32, #tpu.memory_space<vmem>>
      %dma_start3A_369 = arith.constant 0 : i32
      %dma_start3A_370 = arith.constant 0 : i32
      %dma_start3A_371 = tpu.memref_slice %arg2[%dma_start3A_369, %dma_start3A_370] : memref<10000x128xf32, #tpu.memory_space<hbm>> -> memref<10000x128xf32, #tpu.memory_space<hbm>>
      %dma_start3A_372 = tpu.memref_slice %arg12[%dma_start3A_365] : memref<2x!tpu.dma_semaphore, #tpu.memory_space<semaphore_mem>> -> memref<1x!tpu.dma_semaphore, #tpu.memory_space<semaphore_mem>>
      %dma_start3A_373 = tpu.memref_squeeze %dma_start3A_372 : memref<1x!tpu.dma_semaphore, #tpu.memory_space<semaphore_mem>> -> memref<!tpu.dma_semaphore, #tpu.memory_space<semaphore_mem>>
      tpu.enqueue_indirect_dma source(%dma_start3A_371 : memref<10000x128xf32, #tpu.memory_space<hbm>>) target(%arg10 : memref<125x128xf32, #tpu.memory_space<vmem>>) offsets(%dma_start3A_368 : memref<125xi32, #tpu.memory_space<vmem>>) semaphore(%dma_start3A_373 : memref<!tpu.dma_semaphore, #tpu.memory_space<semaphore_mem>>)
      %dma_wait3A_374 = arith.constant 0 : i32
      %dma_wait3A_375 = arith.constant 0 : i32
      %dma_wait3A_376 = tpu.memref_slice %arg7[%add3A_352, %dma_wait3A_375] : memref<44x125xi32, #tpu.memory_space<vmem>> -> memref<1x125xi32, #tpu.memory_space<vmem>>
      %dma_wait3A_377 = tpu.memref_squeeze %dma_wait3A_376 : memref<1x125xi32, #tpu.memory_space<vmem>> -> memref<125xi32, #tpu.memory_space<vmem>>
      %dma_wait3A_378 = arith.constant 0 : i32
      %dma_wait3A_379 = arith.constant 0 : i32
      %dma_wait3A_380 = tpu.memref_slice %arg2[%dma_wait3A_378, %dma_wait3A_379] : memref<10000x128xf32, #tpu.memory_space<hbm>> -> memref<10000x128xf32, #tpu.memory_space<hbm>>
      %dma_wait3A_381 = tpu.memref_slice %arg12[%dma_wait3A_374] : memref<2x!tpu.dma_semaphore, #tpu.memory_space<semaphore_mem>> -> memref<1x!tpu.dma_semaphore, #tpu.memory_space<semaphore_mem>>
      %dma_wait3A_382 = tpu.memref_squeeze %dma_wait3A_381 : memref<1x!tpu.dma_semaphore, #tpu.memory_space<semaphore_mem>> -> memref<!tpu.dma_semaphore, #tpu.memory_space<semaphore_mem>>
      tpu.wait_indirect_dma semaphore(%dma_wait3A_382 : memref<!tpu.dma_semaphore, #tpu.memory_space<semaphore_mem>>) src(%dma_wait3A_380 : memref<10000x128xf32, #tpu.memory_space<hbm>>) dst(%arg9 : memref<125x128xf32, #tpu.memory_space<vmem>>)
      %dma_start3A_383 = arith.constant 0 : i32
      %dma_start3A_384 = arith.constant 0 : i32
      %dma_start3A_385 = tpu.memref_slice %arg8[%add3A_352, %dma_start3A_384] : memref<44x125xi32, #tpu.memory_space<vmem>> -> memref<1x125xi32, #tpu.memory_space<vmem>>
      %dma_start3A_386 = tpu.memref_squeeze %dma_start3A_385 : memref<1x125xi32, #tpu.memory_space<vmem>> -> memref<125xi32, #tpu.memory_space<vmem>>
      %dma_start3A_387 = arith.constant 0 : i32
      %dma_start3A_388 = arith.constant 0 : i32
      %dma_start3A_389 = tpu.memref_slice %arg11[%dma_start3A_387, %dma_start3A_388] : memref<10000x128xf32, #tpu.memory_space<vmem_shared>> -> memref<10000x128xf32, #tpu.memory_space<vmem_shared>>
      %dma_start3A_390 = tpu.memref_slice %arg13[%dma_start3A_383] : memref<2x!tpu.dma_semaphore, #tpu.memory_space<semaphore_mem>> -> memref<1x!tpu.dma_semaphore, #tpu.memory_space<semaphore_mem>>
      %dma_start3A_391 = tpu.memref_squeeze %dma_start3A_390 : memref<1x!tpu.dma_semaphore, #tpu.memory_space<semaphore_mem>> -> memref<!tpu.dma_semaphore, #tpu.memory_space<semaphore_mem>>
      tpu.enqueue_indirect_dma source(%arg9 : memref<125x128xf32, #tpu.memory_space<vmem>>) target(%dma_start3A_389 : memref<10000x128xf32, #tpu.memory_space<vmem_shared>>) offsets(%dma_start3A_386 : memref<125xi32, #tpu.memory_space<vmem>>) semaphore(%dma_start3A_391 : memref<!tpu.dma_semaphore, #tpu.memory_space<semaphore_mem>>) {add = true}
      %mul3A_392 = arith.constant 2 : i32
      %mul3A_393 = arith.muli %mul3A_392, %scan3A_346 : i32
      %add3A_394 = arith.constant 2 : i32
      %add3A_395 = arith.addi %mul3A_393, %add3A_394 : i32
      %add3A_396 = arith.constant 1 : i32
      %add3A_397 = arith.addi %add3A_395, %add3A_396 : i32
      %sub3A_398 = arith.constant 1 : i32
      %sub3A_399 = arith.subi %add3A_397, %sub3A_398 : i32
      %dma_wait3A_400 = arith.constant 0 : i32
      %dma_wait3A_401 = arith.constant 0 : i32
      %dma_wait3A_402 = tpu.memref_slice %arg8[%sub3A_399, %dma_wait3A_401] : memref<44x125xi32, #tpu.memory_space<vmem>> -> memref<1x125xi32, #tpu.memory_space<vmem>>
      %dma_wait3A_403 = tpu.memref_squeeze %dma_wait3A_402 : memref<1x125xi32, #tpu.memory_space<vmem>> -> memref<125xi32, #tpu.memory_space<vmem>>
      %dma_wait3A_404 = arith.constant 0 : i32
      %dma_wait3A_405 = arith.constant 0 : i32
      %dma_wait3A_406 = tpu.memref_slice %arg11[%dma_wait3A_404, %dma_wait3A_405] : memref<10000x128xf32, #tpu.memory_space<vmem_shared>> -> memref<10000x128xf32, #tpu.memory_space<vmem_shared>>
      %dma_wait3A_407 = tpu.memref_slice %arg13[%dma_wait3A_400] : memref<2x!tpu.dma_semaphore, #tpu.memory_space<semaphore_mem>> -> memref<1x!tpu.dma_semaphore, #tpu.memory_space<semaphore_mem>>
      %dma_wait3A_408 = tpu.memref_squeeze %dma_wait3A_407 : memref<1x!tpu.dma_semaphore, #tpu.memory_space<semaphore_mem>> -> memref<!tpu.dma_semaphore, #tpu.memory_space<semaphore_mem>>
      tpu.wait_indirect_dma semaphore(%dma_wait3A_408 : memref<!tpu.dma_semaphore, #tpu.memory_space<semaphore_mem>>) src(%arg9 : memref<125x128xf32, #tpu.memory_space<vmem>>) dst(%dma_wait3A_406 : memref<10000x128xf32, #tpu.memory_space<vmem_shared>>)
      %add3A_409 = arith.constant 1 : i32
      %add3A_410 = arith.addi %add3A_397, %add3A_409 : i32
      %dma_start3A_411 = arith.constant 0 : i32
      %dma_start3A_412 = arith.constant 0 : i32
      %dma_start3A_413 = tpu.memref_slice %arg7[%add3A_410, %dma_start3A_412] : memref<44x125xi32, #tpu.memory_space<vmem>> -> memref<1x125xi32, #tpu.memory_space<vmem>>
      %dma_start3A_414 = tpu.memref_squeeze %dma_start3A_413 : memref<1x125xi32, #tpu.memory_space<vmem>> -> memref<125xi32, #tpu.memory_space<vmem>>
      %dma_start3A_415 = arith.constant 0 : i32
      %dma_start3A_416 = arith.constant 0 : i32
      %dma_start3A_417 = tpu.memref_slice %arg2[%dma_start3A_415, %dma_start3A_416] : memref<10000x128xf32, #tpu.memory_space<hbm>> -> memref<10000x128xf32, #tpu.memory_space<hbm>>
      %dma_start3A_418 = tpu.memref_slice %arg12[%dma_start3A_411] : memref<2x!tpu.dma_semaphore, #tpu.memory_space<semaphore_mem>> -> memref<1x!tpu.dma_semaphore, #tpu.memory_space<semaphore_mem>>
      %dma_start3A_419 = tpu.memref_squeeze %dma_start3A_418 : memref<1x!tpu.dma_semaphore, #tpu.memory_space<semaphore_mem>> -> memref<!tpu.dma_semaphore, #tpu.memory_space<semaphore_mem>>
      tpu.enqueue_indirect_dma source(%dma_start3A_417 : memref<10000x128xf32, #tpu.memory_space<hbm>>) target(%arg9 : memref<125x128xf32, #tpu.memory_space<vmem>>) offsets(%dma_start3A_414 : memref<125xi32, #tpu.memory_space<vmem>>) semaphore(%dma_start3A_419 : memref<!tpu.dma_semaphore, #tpu.memory_space<semaphore_mem>>)
      %dma_wait3A_420 = arith.constant 1 : i32
      %dma_wait3A_421 = arith.constant 0 : i32
      %dma_wait3A_422 = tpu.memref_slice %arg7[%add3A_397, %dma_wait3A_421] : memref<44x125xi32, #tpu.memory_space<vmem>> -> memref<1x125xi32, #tpu.memory_space<vmem>>
      %dma_wait3A_423 = tpu.memref_squeeze %dma_wait3A_422 : memref<1x125xi32, #tpu.memory_space<vmem>> -> memref<125xi32, #tpu.memory_space<vmem>>
      %dma_wait3A_424 = arith.constant 0 : i32
      %dma_wait3A_425 = arith.constant 0 : i32
      %dma_wait3A_426 = tpu.memref_slice %arg2[%dma_wait3A_424, %dma_wait3A_425] : memref<10000x128xf32, #tpu.memory_space<hbm>> -> memref<10000x128xf32, #tpu.memory_space<hbm>>
      %dma_wait3A_427 = tpu.memref_slice %arg12[%dma_wait3A_420] : memref<2x!tpu.dma_semaphore, #tpu.memory_space<semaphore_mem>> -> memref<1x!tpu.dma_semaphore, #tpu.memory_space<semaphore_mem>>
      %dma_wait3A_428 = tpu.memref_squeeze %dma_wait3A_427 : memref<1x!tpu.dma_semaphore, #tpu.memory_space<semaphore_mem>> -> memref<!tpu.dma_semaphore, #tpu.memory_space<semaphore_mem>>
      tpu.wait_indirect_dma semaphore(%dma_wait3A_428 : memref<!tpu.dma_semaphore, #tpu.memory_space<semaphore_mem>>) src(%dma_wait3A_426 : memref<10000x128xf32, #tpu.memory_space<hbm>>) dst(%arg10 : memref<125x128xf32, #tpu.memory_space<vmem>>)
      %dma_start3A_429 = arith.constant 1 : i32
      %dma_start3A_430 = arith.constant 0 : i32
      %dma_start3A_431 = tpu.memref_slice %arg8[%add3A_397, %dma_start3A_430] : memref<44x125xi32, #tpu.memory_space<vmem>> -> memref<1x125xi32, #tpu.memory_space<vmem>>
      %dma_start3A_432 = tpu.memref_squeeze %dma_start3A_431 : memref<1x125xi32, #tpu.memory_space<vmem>> -> memref<125xi32, #tpu.memory_space<vmem>>
      %dma_start3A_433 = arith.constant 0 : i32
      %dma_start3A_434 = arith.constant 0 : i32
      %dma_start3A_435 = tpu.memref_slice %arg11[%dma_start3A_433, %dma_start3A_434] : memref<10000x128xf32, #tpu.memory_space<vmem_shared>> -> memref<10000x128xf32, #tpu.memory_space<vmem_shared>>
      %dma_start3A_436 = tpu.memref_slice %arg13[%dma_start3A_429] : memref<2x!tpu.dma_semaphore, #tpu.memory_space<semaphore_mem>> -> memref<1x!tpu.dma_semaphore, #tpu.memory_space<semaphore_mem>>
      %dma_start3A_437 = tpu.memref_squeeze %dma_start3A_436 : memref<1x!tpu.dma_semaphore, #tpu.memory_space<semaphore_mem>> -> memref<!tpu.dma_semaphore, #tpu.memory_space<semaphore_mem>>
      tpu.enqueue_indirect_dma source(%arg10 : memref<125x128xf32, #tpu.memory_space<vmem>>) target(%dma_start3A_435 : memref<10000x128xf32, #tpu.memory_space<vmem_shared>>) offsets(%dma_start3A_432 : memref<125xi32, #tpu.memory_space<vmem>>) semaphore(%dma_start3A_437 : memref<!tpu.dma_semaphore, #tpu.memory_space<semaphore_mem>>) {add = true}
    }
    %scan3A_89 = arith.constant 18 : i32
    %dma_wait3A_90 = arith.constant 37 : i32
    %dma_wait3A_91 = arith.constant 1 : i32
    %dma_wait3A_92 = arith.constant 0 : i32
    %dma_wait3A_93 = tpu.memref_slice %arg8[%dma_wait3A_90, %dma_wait3A_92] : memref<44x125xi32, #tpu.memory_space<vmem>> -> memref<1x125xi32, #tpu.memory_space<vmem>>
    %dma_wait3A_94 = tpu.memref_squeeze %dma_wait3A_93 : memref<1x125xi32, #tpu.memory_space<vmem>> -> memref<125xi32, #tpu.memory_space<vmem>>
    %dma_wait3A_95 = arith.constant 0 : i32
    %dma_wait3A_96 = arith.constant 0 : i32
    %dma_wait3A_97 = tpu.memref_slice %arg11[%dma_wait3A_95, %dma_wait3A_96] : memref<10000x128xf32, #tpu.memory_space<vmem_shared>> -> memref<10000x128xf32, #tpu.memory_space<vmem_shared>>
    %dma_wait3A_98 = tpu.memref_slice %arg13[%dma_wait3A_91] : memref<2x!tpu.dma_semaphore, #tpu.memory_space<semaphore_mem>> -> memref<1x!tpu.dma_semaphore, #tpu.memory_space<semaphore_mem>>
    %dma_wait3A_99 = tpu.memref_squeeze %dma_wait3A_98 : memref<1x!tpu.dma_semaphore, #tpu.memory_space<semaphore_mem>> -> memref<!tpu.dma_semaphore, #tpu.memory_space<semaphore_mem>>
    tpu.wait_indirect_dma semaphore(%dma_wait3A_99 : memref<!tpu.dma_semaphore, #tpu.memory_space<semaphore_mem>>) src(%arg10 : memref<125x128xf32, #tpu.memory_space<vmem>>) dst(%dma_wait3A_97 : memref<10000x128xf32, #tpu.memory_space<vmem_shared>>)
    %dma_start3A_100 = arith.constant 39 : i32
    %dma_start3A_101 = arith.constant 1 : i32
    %dma_start3A_102 = arith.constant 0 : i32
    %dma_start3A_103 = tpu.memref_slice %arg7[%dma_start3A_100, %dma_start3A_102] : memref<44x125xi32, #tpu.memory_space<vmem>> -> memref<1x125xi32, #tpu.memory_space<vmem>>
    %dma_start3A_104 = tpu.memref_squeeze %dma_start3A_103 : memref<1x125xi32, #tpu.memory_space<vmem>> -> memref<125xi32, #tpu.memory_space<vmem>>
    %dma_start3A_105 = arith.constant 0 : i32
    %dma_start3A_106 = arith.constant 0 : i32
    %dma_start3A_107 = tpu.memref_slice %arg2[%dma_start3A_105, %dma_start3A_106] : memref<10000x128xf32, #tpu.memory_space<hbm>> -> memref<10000x128xf32, #tpu.memory_space<hbm>>
    %dma_start3A_108 = tpu.memref_slice %arg12[%dma_start3A_101] : memref<2x!tpu.dma_semaphore, #tpu.memory_space<semaphore_mem>> -> memref<1x!tpu.dma_semaphore, #tpu.memory_space<semaphore_mem>>
    %dma_start3A_109 = tpu.memref_squeeze %dma_start3A_108 : memref<1x!tpu.dma_semaphore, #tpu.memory_space<semaphore_mem>> -> memref<!tpu.dma_semaphore, #tpu.memory_space<semaphore_mem>>
    tpu.enqueue_indirect_dma source(%dma_start3A_107 : memref<10000x128xf32, #tpu.memory_space<hbm>>) target(%arg10 : memref<125x128xf32, #tpu.memory_space<vmem>>) offsets(%dma_start3A_104 : memref<125xi32, #tpu.memory_space<vmem>>) semaphore(%dma_start3A_109 : memref<!tpu.dma_semaphore, #tpu.memory_space<semaphore_mem>>)
    %dma_wait3A_110 = arith.constant 38 : i32
    %dma_wait3A_111 = arith.constant 0 : i32
    %dma_wait3A_112 = arith.constant 0 : i32
    %dma_wait3A_113 = tpu.memref_slice %arg7[%dma_wait3A_110, %dma_wait3A_112] : memref<44x125xi32, #tpu.memory_space<vmem>> -> memref<1x125xi32, #tpu.memory_space<vmem>>
    %dma_wait3A_114 = tpu.memref_squeeze %dma_wait3A_113 : memref<1x125xi32, #tpu.memory_space<vmem>> -> memref<125xi32, #tpu.memory_space<vmem>>
    %dma_wait3A_115 = arith.constant 0 : i32
    %dma_wait3A_116 = arith.constant 0 : i32
    %dma_wait3A_117 = tpu.memref_slice %arg2[%dma_wait3A_115, %dma_wait3A_116] : memref<10000x128xf32, #tpu.memory_space<hbm>> -> memref<10000x128xf32, #tpu.memory_space<hbm>>
    %dma_wait3A_118 = tpu.memref_slice %arg12[%dma_wait3A_111] : memref<2x!tpu.dma_semaphore, #tpu.memory_space<semaphore_mem>> -> memref<1x!tpu.dma_semaphore, #tpu.memory_space<semaphore_mem>>
    %dma_wait3A_119 = tpu.memref_squeeze %dma_wait3A_118 : memref<1x!tpu.dma_semaphore, #tpu.memory_space<semaphore_mem>> -> memref<!tpu.dma_semaphore, #tpu.memory_space<semaphore_mem>>
    tpu.wait_indirect_dma semaphore(%dma_wait3A_119 : memref<!tpu.dma_semaphore, #tpu.memory_space<semaphore_mem>>) src(%dma_wait3A_117 : memref<10000x128xf32, #tpu.memory_space<hbm>>) dst(%arg9 : memref<125x128xf32, #tpu.memory_space<vmem>>)
    %dma_start3A_120 = arith.constant 38 : i32
    %dma_start3A_121 = arith.constant 0 : i32
    %dma_start3A_122 = arith.constant 0 : i32
    %dma_start3A_123 = tpu.memref_slice %arg8[%dma_start3A_120, %dma_start3A_122] : memref<44x125xi32, #tpu.memory_space<vmem>> -> memref<1x125xi32, #tpu.memory_space<vmem>>
    %dma_start3A_124 = tpu.memref_squeeze %dma_start3A_123 : memref<1x125xi32, #tpu.memory_space<vmem>> -> memref<125xi32, #tpu.memory_space<vmem>>
    %dma_start3A_125 = arith.constant 0 : i32
    %dma_start3A_126 = arith.constant 0 : i32
    %dma_start3A_127 = tpu.memref_slice %arg11[%dma_start3A_125, %dma_start3A_126] : memref<10000x128xf32, #tpu.memory_space<vmem_shared>> -> memref<10000x128xf32, #tpu.memory_space<vmem_shared>>
    %dma_start3A_128 = tpu.memref_slice %arg13[%dma_start3A_121] : memref<2x!tpu.dma_semaphore, #tpu.memory_space<semaphore_mem>> -> memref<1x!tpu.dma_semaphore, #tpu.memory_space<semaphore_mem>>
    %dma_start3A_129 = tpu.memref_squeeze %dma_start3A_128 : memref<1x!tpu.dma_semaphore, #tpu.memory_space<semaphore_mem>> -> memref<!tpu.dma_semaphore, #tpu.memory_space<semaphore_mem>>
    tpu.enqueue_indirect_dma source(%arg9 : memref<125x128xf32, #tpu.memory_space<vmem>>) target(%dma_start3A_127 : memref<10000x128xf32, #tpu.memory_space<vmem_shared>>) offsets(%dma_start3A_124 : memref<125xi32, #tpu.memory_space<vmem>>) semaphore(%dma_start3A_129 : memref<!tpu.dma_semaphore, #tpu.memory_space<semaphore_mem>>) {add = true}
    %dma_wait3A_130 = arith.constant 39 : i32
    %dma_wait3A_131 = arith.constant 1 : i32
    %dma_wait3A_132 = arith.constant 0 : i32
    %dma_wait3A_133 = tpu.memref_slice %arg7[%dma_wait3A_130, %dma_wait3A_132] : memref<44x125xi32, #tpu.memory_space<vmem>> -> memref<1x125xi32, #tpu.memory_space<vmem>>
    %dma_wait3A_134 = tpu.memref_squeeze %dma_wait3A_133 : memref<1x125xi32, #tpu.memory_space<vmem>> -> memref<125xi32, #tpu.memory_space<vmem>>
    %dma_wait3A_135 = arith.constant 0 : i32
    %dma_wait3A_136 = arith.constant 0 : i32
    %dma_wait3A_137 = tpu.memref_slice %arg2[%dma_wait3A_135, %dma_wait3A_136] : memref<10000x128xf32, #tpu.memory_space<hbm>> -> memref<10000x128xf32, #tpu.memory_space<hbm>>
    %dma_wait3A_138 = tpu.memref_slice %arg12[%dma_wait3A_131] : memref<2x!tpu.dma_semaphore, #tpu.memory_space<semaphore_mem>> -> memref<1x!tpu.dma_semaphore, #tpu.memory_space<semaphore_mem>>
    %dma_wait3A_139 = tpu.memref_squeeze %dma_wait3A_138 : memref<1x!tpu.dma_semaphore, #tpu.memory_space<semaphore_mem>> -> memref<!tpu.dma_semaphore, #tpu.memory_space<semaphore_mem>>
    tpu.wait_indirect_dma semaphore(%dma_wait3A_139 : memref<!tpu.dma_semaphore, #tpu.memory_space<semaphore_mem>>) src(%dma_wait3A_137 : memref<10000x128xf32, #tpu.memory_space<hbm>>) dst(%arg10 : memref<125x128xf32, #tpu.memory_space<vmem>>)
    %dma_start3A_140 = arith.constant 39 : i32
    %dma_start3A_141 = arith.constant 1 : i32
    %dma_start3A_142 = arith.constant 0 : i32
    %dma_start3A_143 = tpu.memref_slice %arg8[%dma_start3A_140, %dma_start3A_142] : memref<44x125xi32, #tpu.memory_space<vmem>> -> memref<1x125xi32, #tpu.memory_space<vmem>>
    %dma_start3A_144 = tpu.memref_squeeze %dma_start3A_143 : memref<1x125xi32, #tpu.memory_space<vmem>> -> memref<125xi32, #tpu.memory_space<vmem>>
    %dma_start3A_145 = arith.constant 0 : i32
    %dma_start3A_146 = arith.constant 0 : i32
    %dma_start3A_147 = tpu.memref_slice %arg11[%dma_start3A_145, %dma_start3A_146] : memref<10000x128xf32, #tpu.memory_space<vmem_shared>> -> memref<10000x128xf32, #tpu.memory_space<vmem_shared>>
    %dma_start3A_148 = tpu.memref_slice %arg13[%dma_start3A_141] : memref<2x!tpu.dma_semaphore, #tpu.memory_space<semaphore_mem>> -> memref<1x!tpu.dma_semaphore, #tpu.memory_space<semaphore_mem>>
    %dma_start3A_149 = tpu.memref_squeeze %dma_start3A_148 : memref<1x!tpu.dma_semaphore, #tpu.memory_space<semaphore_mem>> -> memref<!tpu.dma_semaphore, #tpu.memory_space<semaphore_mem>>
    tpu.enqueue_indirect_dma source(%arg10 : memref<125x128xf32, #tpu.memory_space<vmem>>) target(%dma_start3A_147 : memref<10000x128xf32, #tpu.memory_space<vmem_shared>>) offsets(%dma_start3A_144 : memref<125xi32, #tpu.memory_space<vmem>>) semaphore(%dma_start3A_149 : memref<!tpu.dma_semaphore, #tpu.memory_space<semaphore_mem>>) {add = true}
    %dma_wait3A_150 = arith.constant 38 : i32
    %dma_wait3A_151 = arith.constant 0 : i32
    %dma_wait3A_152 = arith.constant 0 : i32
    %dma_wait3A_153 = tpu.memref_slice %arg8[%dma_wait3A_150, %dma_wait3A_152] : memref<44x125xi32, #tpu.memory_space<vmem>> -> memref<1x125xi32, #tpu.memory_space<vmem>>
    %dma_wait3A_154 = tpu.memref_squeeze %dma_wait3A_153 : memref<1x125xi32, #tpu.memory_space<vmem>> -> memref<125xi32, #tpu.memory_space<vmem>>
    %dma_wait3A_155 = arith.constant 0 : i32
    %dma_wait3A_156 = arith.constant 0 : i32
    %dma_wait3A_157 = tpu.memref_slice %arg11[%dma_wait3A_155, %dma_wait3A_156] : memref<10000x128xf32, #tpu.memory_space<vmem_shared>> -> memref<10000x128xf32, #tpu.memory_space<vmem_shared>>
    %dma_wait3A_158 = tpu.memref_slice %arg13[%dma_wait3A_151] : memref<2x!tpu.dma_semaphore, #tpu.memory_space<semaphore_mem>> -> memref<1x!tpu.dma_semaphore, #tpu.memory_space<semaphore_mem>>
    %dma_wait3A_159 = tpu.memref_squeeze %dma_wait3A_158 : memref<1x!tpu.dma_semaphore, #tpu.memory_space<semaphore_mem>> -> memref<!tpu.dma_semaphore, #tpu.memory_space<semaphore_mem>>
    tpu.wait_indirect_dma semaphore(%dma_wait3A_159 : memref<!tpu.dma_semaphore, #tpu.memory_space<semaphore_mem>>) src(%arg9 : memref<125x128xf32, #tpu.memory_space<vmem>>) dst(%dma_wait3A_157 : memref<10000x128xf32, #tpu.memory_space<vmem_shared>>)
    %dma_wait3A_160 = arith.constant 39 : i32
    %dma_wait3A_161 = arith.constant 1 : i32
    %dma_wait3A_162 = arith.constant 0 : i32
    %dma_wait3A_163 = tpu.memref_slice %arg8[%dma_wait3A_160, %dma_wait3A_162] : memref<44x125xi32, #tpu.memory_space<vmem>> -> memref<1x125xi32, #tpu.memory_space<vmem>>
    %dma_wait3A_164 = tpu.memref_squeeze %dma_wait3A_163 : memref<1x125xi32, #tpu.memory_space<vmem>> -> memref<125xi32, #tpu.memory_space<vmem>>
    %dma_wait3A_165 = arith.constant 0 : i32
    %dma_wait3A_166 = arith.constant 0 : i32
    %dma_wait3A_167 = tpu.memref_slice %arg11[%dma_wait3A_165, %dma_wait3A_166] : memref<10000x128xf32, #tpu.memory_space<vmem_shared>> -> memref<10000x128xf32, #tpu.memory_space<vmem_shared>>
    %dma_wait3A_168 = tpu.memref_slice %arg13[%dma_wait3A_161] : memref<2x!tpu.dma_semaphore, #tpu.memory_space<semaphore_mem>> -> memref<1x!tpu.dma_semaphore, #tpu.memory_space<semaphore_mem>>
    %dma_wait3A_169 = tpu.memref_squeeze %dma_wait3A_168 : memref<1x!tpu.dma_semaphore, #tpu.memory_space<semaphore_mem>> -> memref<!tpu.dma_semaphore, #tpu.memory_space<semaphore_mem>>
    tpu.wait_indirect_dma semaphore(%dma_wait3A_169 : memref<!tpu.dma_semaphore, #tpu.memory_space<semaphore_mem>>) src(%arg10 : memref<125x128xf32, #tpu.memory_space<vmem>>) dst(%dma_wait3A_167 : memref<10000x128xf32, #tpu.memory_space<vmem_shared>>)
    "tpu.region"() ({
      %run_scoped3A = tpu.sem_alloc : memref<!tpu.dma_semaphore, #tpu.memory_space<semaphore_mem>>
      %dma_start3A_346 = arith.constant 0 : i32
      %dma_start3A_347 = arith.constant 0 : i32
      %dma_start3A_348 = tpu.memref_slice %arg7[%dma_start3A_346, %dma_start3A_347] : memref<44x125xi32, #tpu.memory_space<vmem>> -> memref<40x125xi32, #tpu.memory_space<vmem>>
      %dma_start3A_349 = arith.constant 40 : i32
      %dma_start3A_350 = arith.constant 0 : i32
      %dma_start3A_351 = tpu.memref_slice %arg3[%add3A, %dma_start3A_349, %dma_start3A_350] : memref<32x80x125xi32, #tpu.memory_space<hbm>> -> memref<1x40x125xi32, #tpu.memory_space<hbm>>
      %dma_start3A_352 = tpu.memref_squeeze %dma_start3A_351 : memref<1x40x125xi32, #tpu.memory_space<hbm>> -> memref<40x125xi32, #tpu.memory_space<hbm>>
      %dma_start3A_353 = arith.constant 0 : i32
      %dma_start3A_354 = arith.constant 0 : i32
      %dma_start3A_355 = tpu.memref_slice %arg7[%dma_start3A_353, %dma_start3A_354] : memref<44x125xi32, #tpu.memory_space<vmem>> -> memref<40x125xi32, #tpu.memory_space<vmem>>
      %dma_start3A_356 = arith.constant 40 : i32
      %dma_start3A_357 = arith.constant 0 : i32
      %dma_start3A_358 = tpu.memref_slice %arg3[%add3A, %dma_start3A_356, %dma_start3A_357] : memref<32x80x125xi32, #tpu.memory_space<hbm>> -> memref<1x40x125xi32, #tpu.memory_space<hbm>>
      %dma_start3A_359 = tpu.memref_squeeze %dma_start3A_358 : memref<1x40x125xi32, #tpu.memory_space<hbm>> -> memref<40x125xi32, #tpu.memory_space<hbm>>
      tpu.enqueue_dma source(%dma_start3A_359 : memref<40x125xi32, #tpu.memory_space<hbm>>) target(%dma_start3A_355 : memref<40x125xi32, #tpu.memory_space<vmem>>) target_semaphore(%run_scoped3A : memref<!tpu.dma_semaphore, #tpu.memory_space<semaphore_mem>>)
      %dma_wait3A_360 = arith.constant 0 : i32
      %dma_wait3A_361 = arith.constant 0 : i32
      %dma_wait3A_362 = tpu.memref_slice %arg7[%dma_wait3A_360, %dma_wait3A_361] : memref<44x125xi32, #tpu.memory_space<vmem>> -> memref<40x125xi32, #tpu.memory_space<vmem>>
      %dma_wait3A_363 = arith.constant 40 : i32
      %dma_wait3A_364 = arith.constant 0 : i32
      %dma_wait3A_365 = tpu.memref_slice %arg3[%add3A, %dma_wait3A_363, %dma_wait3A_364] : memref<32x80x125xi32, #tpu.memory_space<hbm>> -> memref<1x40x125xi32, #tpu.memory_space<hbm>>
      %dma_wait3A_366 = tpu.memref_squeeze %dma_wait3A_365 : memref<1x40x125xi32, #tpu.memory_space<hbm>> -> memref<40x125xi32, #tpu.memory_space<hbm>>
      %dma_wait3A_367 = arith.constant 0 : i32
      %dma_wait3A_368 = arith.constant 0 : i32
      %dma_wait3A_369 = tpu.memref_slice %arg7[%dma_wait3A_367, %dma_wait3A_368] : memref<44x125xi32, #tpu.memory_space<vmem>> -> memref<40x125xi32, #tpu.memory_space<vmem>>
      %dma_wait3A_370 = arith.constant 40 : i32
      %dma_wait3A_371 = arith.constant 0 : i32
      %dma_wait3A_372 = tpu.memref_slice %arg3[%add3A, %dma_wait3A_370, %dma_wait3A_371] : memref<32x80x125xi32, #tpu.memory_space<hbm>> -> memref<1x40x125xi32, #tpu.memory_space<hbm>>
      %dma_wait3A_373 = tpu.memref_squeeze %dma_wait3A_372 : memref<1x40x125xi32, #tpu.memory_space<hbm>> -> memref<40x125xi32, #tpu.memory_space<hbm>>
      tpu.wait_dma2 semaphore(%run_scoped3A : memref<!tpu.dma_semaphore, #tpu.memory_space<semaphore_mem>>) src(%dma_wait3A_373 : memref<40x125xi32, #tpu.memory_space<hbm>>) dst(%dma_wait3A_369 : memref<40x125xi32, #tpu.memory_space<vmem>>)
      tpu.yield
    }) : () -> ()
    "tpu.region"() ({
      %run_scoped3A = tpu.sem_alloc : memref<!tpu.dma_semaphore, #tpu.memory_space<semaphore_mem>>
      %dma_start3A_346 = arith.constant 0 : i32
      %dma_start3A_347 = arith.constant 0 : i32
      %dma_start3A_348 = tpu.memref_slice %arg8[%dma_start3A_346, %dma_start3A_347] : memref<44x125xi32, #tpu.memory_space<vmem>> -> memref<40x125xi32, #tpu.memory_space<vmem>>
      %dma_start3A_349 = arith.constant 40 : i32
      %dma_start3A_350 = arith.constant 0 : i32
      %dma_start3A_351 = tpu.memref_slice %arg4[%add3A, %dma_start3A_349, %dma_start3A_350] : memref<32x80x125xi32, #tpu.memory_space<hbm>> -> memref<1x40x125xi32, #tpu.memory_space<hbm>>
      %dma_start3A_352 = tpu.memref_squeeze %dma_start3A_351 : memref<1x40x125xi32, #tpu.memory_space<hbm>> -> memref<40x125xi32, #tpu.memory_space<hbm>>
      %dma_start3A_353 = arith.constant 0 : i32
      %dma_start3A_354 = arith.constant 0 : i32
      %dma_start3A_355 = tpu.memref_slice %arg8[%dma_start3A_353, %dma_start3A_354] : memref<44x125xi32, #tpu.memory_space<vmem>> -> memref<40x125xi32, #tpu.memory_space<vmem>>
      %dma_start3A_356 = arith.constant 40 : i32
      %dma_start3A_357 = arith.constant 0 : i32
      %dma_start3A_358 = tpu.memref_slice %arg4[%add3A, %dma_start3A_356, %dma_start3A_357] : memref<32x80x125xi32, #tpu.memory_space<hbm>> -> memref<1x40x125xi32, #tpu.memory_space<hbm>>
      %dma_start3A_359 = tpu.memref_squeeze %dma_start3A_358 : memref<1x40x125xi32, #tpu.memory_space<hbm>> -> memref<40x125xi32, #tpu.memory_space<hbm>>
      tpu.enqueue_dma source(%dma_start3A_359 : memref<40x125xi32, #tpu.memory_space<hbm>>) target(%dma_start3A_355 : memref<40x125xi32, #tpu.memory_space<vmem>>) target_semaphore(%run_scoped3A : memref<!tpu.dma_semaphore, #tpu.memory_space<semaphore_mem>>)
      %dma_wait3A_360 = arith.constant 0 : i32
      %dma_wait3A_361 = arith.constant 0 : i32
      %dma_wait3A_362 = tpu.memref_slice %arg8[%dma_wait3A_360, %dma_wait3A_361] : memref<44x125xi32, #tpu.memory_space<vmem>> -> memref<40x125xi32, #tpu.memory_space<vmem>>
      %dma_wait3A_363 = arith.constant 40 : i32
      %dma_wait3A_364 = arith.constant 0 : i32
      %dma_wait3A_365 = tpu.memref_slice %arg4[%add3A, %dma_wait3A_363, %dma_wait3A_364] : memref<32x80x125xi32, #tpu.memory_space<hbm>> -> memref<1x40x125xi32, #tpu.memory_space<hbm>>
      %dma_wait3A_366 = tpu.memref_squeeze %dma_wait3A_365 : memref<1x40x125xi32, #tpu.memory_space<hbm>> -> memref<40x125xi32, #tpu.memory_space<hbm>>
      %dma_wait3A_367 = arith.constant 0 : i32
      %dma_wait3A_368 = arith.constant 0 : i32
      %dma_wait3A_369 = tpu.memref_slice %arg8[%dma_wait3A_367, %dma_wait3A_368] : memref<44x125xi32, #tpu.memory_space<vmem>> -> memref<40x125xi32, #tpu.memory_space<vmem>>
      %dma_wait3A_370 = arith.constant 40 : i32
      %dma_wait3A_371 = arith.constant 0 : i32
      %dma_wait3A_372 = tpu.memref_slice %arg4[%add3A, %dma_wait3A_370, %dma_wait3A_371] : memref<32x80x125xi32, #tpu.memory_space<hbm>> -> memref<1x40x125xi32, #tpu.memory_space<hbm>>
      %dma_wait3A_373 = tpu.memref_squeeze %dma_wait3A_372 : memref<1x40x125xi32, #tpu.memory_space<hbm>> -> memref<40x125xi32, #tpu.memory_space<hbm>>
      tpu.wait_dma2 semaphore(%run_scoped3A : memref<!tpu.dma_semaphore, #tpu.memory_space<semaphore_mem>>) src(%dma_wait3A_373 : memref<40x125xi32, #tpu.memory_space<hbm>>) dst(%dma_wait3A_369 : memref<40x125xi32, #tpu.memory_space<vmem>>)
      tpu.yield
    }) : () -> ()
    %dma_start3A_170 = arith.constant 0 : i32
    %dma_start3A_171 = arith.constant 0 : i32
    %dma_start3A_172 = arith.constant 0 : i32
    %dma_start3A_173 = tpu.memref_slice %arg7[%dma_start3A_170, %dma_start3A_172] : memref<44x125xi32, #tpu.memory_space<vmem>> -> memref<1x125xi32, #tpu.memory_space<vmem>>
    %dma_start3A_174 = tpu.memref_squeeze %dma_start3A_173 : memref<1x125xi32, #tpu.memory_space<vmem>> -> memref<125xi32, #tpu.memory_space<vmem>>
    %dma_start3A_175 = arith.constant 0 : i32
    %dma_start3A_176 = arith.constant 0 : i32
    %dma_start3A_177 = tpu.memref_slice %arg2[%dma_start3A_175, %dma_start3A_176] : memref<10000x128xf32, #tpu.memory_space<hbm>> -> memref<10000x128xf32, #tpu.memory_space<hbm>>
    %dma_start3A_178 = tpu.memref_slice %arg12[%dma_start3A_171] : memref<2x!tpu.dma_semaphore, #tpu.memory_space<semaphore_mem>> -> memref<1x!tpu.dma_semaphore, #tpu.memory_space<semaphore_mem>>
    %dma_start3A_179 = tpu.memref_squeeze %dma_start3A_178 : memref<1x!tpu.dma_semaphore, #tpu.memory_space<semaphore_mem>> -> memref<!tpu.dma_semaphore, #tpu.memory_space<semaphore_mem>>
    tpu.enqueue_indirect_dma source(%dma_start3A_177 : memref<10000x128xf32, #tpu.memory_space<hbm>>) target(%arg9 : memref<125x128xf32, #tpu.memory_space<vmem>>) offsets(%dma_start3A_174 : memref<125xi32, #tpu.memory_space<vmem>>) semaphore(%dma_start3A_179 : memref<!tpu.dma_semaphore, #tpu.memory_space<semaphore_mem>>)
    %dma_start3A_180 = arith.constant 1 : i32
    %dma_start3A_181 = arith.constant 1 : i32
    %dma_start3A_182 = arith.constant 0 : i32
    %dma_start3A_183 = tpu.memref_slice %arg7[%dma_start3A_180, %dma_start3A_182] : memref<44x125xi32, #tpu.memory_space<vmem>> -> memref<1x125xi32, #tpu.memory_space<vmem>>
    %dma_start3A_184 = tpu.memref_squeeze %dma_start3A_183 : memref<1x125xi32, #tpu.memory_space<vmem>> -> memref<125xi32, #tpu.memory_space<vmem>>
    %dma_start3A_185 = arith.constant 0 : i32
    %dma_start3A_186 = arith.constant 0 : i32
    %dma_start3A_187 = tpu.memref_slice %arg2[%dma_start3A_185, %dma_start3A_186] : memref<10000x128xf32, #tpu.memory_space<hbm>> -> memref<10000x128xf32, #tpu.memory_space<hbm>>
    %dma_start3A_188 = tpu.memref_slice %arg12[%dma_start3A_181] : memref<2x!tpu.dma_semaphore, #tpu.memory_space<semaphore_mem>> -> memref<1x!tpu.dma_semaphore, #tpu.memory_space<semaphore_mem>>
    %dma_start3A_189 = tpu.memref_squeeze %dma_start3A_188 : memref<1x!tpu.dma_semaphore, #tpu.memory_space<semaphore_mem>> -> memref<!tpu.dma_semaphore, #tpu.memory_space<semaphore_mem>>
    tpu.enqueue_indirect_dma source(%dma_start3A_187 : memref<10000x128xf32, #tpu.memory_space<hbm>>) target(%arg10 : memref<125x128xf32, #tpu.memory_space<vmem>>) offsets(%dma_start3A_184 : memref<125xi32, #tpu.memory_space<vmem>>) semaphore(%dma_start3A_189 : memref<!tpu.dma_semaphore, #tpu.memory_space<semaphore_mem>>)
    %dma_wait3A_190 = arith.constant 0 : i32
    %dma_wait3A_191 = arith.constant 0 : i32
    %dma_wait3A_192 = arith.constant 0 : i32
    %dma_wait3A_193 = tpu.memref_slice %arg7[%dma_wait3A_190, %dma_wait3A_192] : memref<44x125xi32, #tpu.memory_space<vmem>> -> memref<1x125xi32, #tpu.memory_space<vmem>>
    %dma_wait3A_194 = tpu.memref_squeeze %dma_wait3A_193 : memref<1x125xi32, #tpu.memory_space<vmem>> -> memref<125xi32, #tpu.memory_space<vmem>>
    %dma_wait3A_195 = arith.constant 0 : i32
    %dma_wait3A_196 = arith.constant 0 : i32
    %dma_wait3A_197 = tpu.memref_slice %arg2[%dma_wait3A_195, %dma_wait3A_196] : memref<10000x128xf32, #tpu.memory_space<hbm>> -> memref<10000x128xf32, #tpu.memory_space<hbm>>
    %dma_wait3A_198 = tpu.memref_slice %arg12[%dma_wait3A_191] : memref<2x!tpu.dma_semaphore, #tpu.memory_space<semaphore_mem>> -> memref<1x!tpu.dma_semaphore, #tpu.memory_space<semaphore_mem>>
    %dma_wait3A_199 = tpu.memref_squeeze %dma_wait3A_198 : memref<1x!tpu.dma_semaphore, #tpu.memory_space<semaphore_mem>> -> memref<!tpu.dma_semaphore, #tpu.memory_space<semaphore_mem>>
    tpu.wait_indirect_dma semaphore(%dma_wait3A_199 : memref<!tpu.dma_semaphore, #tpu.memory_space<semaphore_mem>>) src(%dma_wait3A_197 : memref<10000x128xf32, #tpu.memory_space<hbm>>) dst(%arg9 : memref<125x128xf32, #tpu.memory_space<vmem>>)
    %dma_start3A_200 = arith.constant 0 : i32
    %dma_start3A_201 = arith.constant 0 : i32
    %dma_start3A_202 = arith.constant 0 : i32
    %dma_start3A_203 = tpu.memref_slice %arg8[%dma_start3A_200, %dma_start3A_202] : memref<44x125xi32, #tpu.memory_space<vmem>> -> memref<1x125xi32, #tpu.memory_space<vmem>>
    %dma_start3A_204 = tpu.memref_squeeze %dma_start3A_203 : memref<1x125xi32, #tpu.memory_space<vmem>> -> memref<125xi32, #tpu.memory_space<vmem>>
    %dma_start3A_205 = arith.constant 0 : i32
    %dma_start3A_206 = arith.constant 0 : i32
    %dma_start3A_207 = tpu.memref_slice %arg11[%dma_start3A_205, %dma_start3A_206] : memref<10000x128xf32, #tpu.memory_space<vmem_shared>> -> memref<10000x128xf32, #tpu.memory_space<vmem_shared>>
    %dma_start3A_208 = tpu.memref_slice %arg13[%dma_start3A_201] : memref<2x!tpu.dma_semaphore, #tpu.memory_space<semaphore_mem>> -> memref<1x!tpu.dma_semaphore, #tpu.memory_space<semaphore_mem>>
    %dma_start3A_209 = tpu.memref_squeeze %dma_start3A_208 : memref<1x!tpu.dma_semaphore, #tpu.memory_space<semaphore_mem>> -> memref<!tpu.dma_semaphore, #tpu.memory_space<semaphore_mem>>
    tpu.enqueue_indirect_dma source(%arg9 : memref<125x128xf32, #tpu.memory_space<vmem>>) target(%dma_start3A_207 : memref<10000x128xf32, #tpu.memory_space<vmem_shared>>) offsets(%dma_start3A_204 : memref<125xi32, #tpu.memory_space<vmem>>) semaphore(%dma_start3A_209 : memref<!tpu.dma_semaphore, #tpu.memory_space<semaphore_mem>>) {add = true}
    %dma_wait3A_210 = arith.constant 0 : i32
    %dma_wait3A_211 = arith.constant 0 : i32
    %dma_wait3A_212 = arith.constant 0 : i32
    %dma_wait3A_213 = tpu.memref_slice %arg8[%dma_wait3A_210, %dma_wait3A_212] : memref<44x125xi32, #tpu.memory_space<vmem>> -> memref<1x125xi32, #tpu.memory_space<vmem>>
    %dma_wait3A_214 = tpu.memref_squeeze %dma_wait3A_213 : memref<1x125xi32, #tpu.memory_space<vmem>> -> memref<125xi32, #tpu.memory_space<vmem>>
    %dma_wait3A_215 = arith.constant 0 : i32
    %dma_wait3A_216 = arith.constant 0 : i32
    %dma_wait3A_217 = tpu.memref_slice %arg11[%dma_wait3A_215, %dma_wait3A_216] : memref<10000x128xf32, #tpu.memory_space<vmem_shared>> -> memref<10000x128xf32, #tpu.memory_space<vmem_shared>>
    %dma_wait3A_218 = tpu.memref_slice %arg13[%dma_wait3A_211] : memref<2x!tpu.dma_semaphore, #tpu.memory_space<semaphore_mem>> -> memref<1x!tpu.dma_semaphore, #tpu.memory_space<semaphore_mem>>
    %dma_wait3A_219 = tpu.memref_squeeze %dma_wait3A_218 : memref<1x!tpu.dma_semaphore, #tpu.memory_space<semaphore_mem>> -> memref<!tpu.dma_semaphore, #tpu.memory_space<semaphore_mem>>
    tpu.wait_indirect_dma semaphore(%dma_wait3A_219 : memref<!tpu.dma_semaphore, #tpu.memory_space<semaphore_mem>>) src(%arg9 : memref<125x128xf32, #tpu.memory_space<vmem>>) dst(%dma_wait3A_217 : memref<10000x128xf32, #tpu.memory_space<vmem_shared>>)
    %dma_start3A_220 = arith.constant 2 : i32
    %dma_start3A_221 = arith.constant 0 : i32
    %dma_start3A_222 = arith.constant 0 : i32
    %dma_start3A_223 = tpu.memref_slice %arg7[%dma_start3A_220, %dma_start3A_222] : memref<44x125xi32, #tpu.memory_space<vmem>> -> memref<1x125xi32, #tpu.memory_space<vmem>>
    %dma_start3A_224 = tpu.memref_squeeze %dma_start3A_223 : memref<1x125xi32, #tpu.memory_space<vmem>> -> memref<125xi32, #tpu.memory_space<vmem>>
    %dma_start3A_225 = arith.constant 0 : i32
    %dma_start3A_226 = arith.constant 0 : i32
    %dma_start3A_227 = tpu.memref_slice %arg2[%dma_start3A_225, %dma_start3A_226] : memref<10000x128xf32, #tpu.memory_space<hbm>> -> memref<10000x128xf32, #tpu.memory_space<hbm>>
    %dma_start3A_228 = tpu.memref_slice %arg12[%dma_start3A_221] : memref<2x!tpu.dma_semaphore, #tpu.memory_space<semaphore_mem>> -> memref<1x!tpu.dma_semaphore, #tpu.memory_space<semaphore_mem>>
    %dma_start3A_229 = tpu.memref_squeeze %dma_start3A_228 : memref<1x!tpu.dma_semaphore, #tpu.memory_space<semaphore_mem>> -> memref<!tpu.dma_semaphore, #tpu.memory_space<semaphore_mem>>
    tpu.enqueue_indirect_dma source(%dma_start3A_227 : memref<10000x128xf32, #tpu.memory_space<hbm>>) target(%arg9 : memref<125x128xf32, #tpu.memory_space<vmem>>) offsets(%dma_start3A_224 : memref<125xi32, #tpu.memory_space<vmem>>) semaphore(%dma_start3A_229 : memref<!tpu.dma_semaphore, #tpu.memory_space<semaphore_mem>>)
    %dma_wait3A_230 = arith.constant 1 : i32
    %dma_wait3A_231 = arith.constant 1 : i32
    %dma_wait3A_232 = arith.constant 0 : i32
    %dma_wait3A_233 = tpu.memref_slice %arg7[%dma_wait3A_230, %dma_wait3A_232] : memref<44x125xi32, #tpu.memory_space<vmem>> -> memref<1x125xi32, #tpu.memory_space<vmem>>
    %dma_wait3A_234 = tpu.memref_squeeze %dma_wait3A_233 : memref<1x125xi32, #tpu.memory_space<vmem>> -> memref<125xi32, #tpu.memory_space<vmem>>
    %dma_wait3A_235 = arith.constant 0 : i32
    %dma_wait3A_236 = arith.constant 0 : i32
    %dma_wait3A_237 = tpu.memref_slice %arg2[%dma_wait3A_235, %dma_wait3A_236] : memref<10000x128xf32, #tpu.memory_space<hbm>> -> memref<10000x128xf32, #tpu.memory_space<hbm>>
    %dma_wait3A_238 = tpu.memref_slice %arg12[%dma_wait3A_231] : memref<2x!tpu.dma_semaphore, #tpu.memory_space<semaphore_mem>> -> memref<1x!tpu.dma_semaphore, #tpu.memory_space<semaphore_mem>>
    %dma_wait3A_239 = tpu.memref_squeeze %dma_wait3A_238 : memref<1x!tpu.dma_semaphore, #tpu.memory_space<semaphore_mem>> -> memref<!tpu.dma_semaphore, #tpu.memory_space<semaphore_mem>>
    tpu.wait_indirect_dma semaphore(%dma_wait3A_239 : memref<!tpu.dma_semaphore, #tpu.memory_space<semaphore_mem>>) src(%dma_wait3A_237 : memref<10000x128xf32, #tpu.memory_space<hbm>>) dst(%arg10 : memref<125x128xf32, #tpu.memory_space<vmem>>)
    %dma_start3A_240 = arith.constant 1 : i32
    %dma_start3A_241 = arith.constant 1 : i32
    %dma_start3A_242 = arith.constant 0 : i32
    %dma_start3A_243 = tpu.memref_slice %arg8[%dma_start3A_240, %dma_start3A_242] : memref<44x125xi32, #tpu.memory_space<vmem>> -> memref<1x125xi32, #tpu.memory_space<vmem>>
    %dma_start3A_244 = tpu.memref_squeeze %dma_start3A_243 : memref<1x125xi32, #tpu.memory_space<vmem>> -> memref<125xi32, #tpu.memory_space<vmem>>
    %dma_start3A_245 = arith.constant 0 : i32
    %dma_start3A_246 = arith.constant 0 : i32
    %dma_start3A_247 = tpu.memref_slice %arg11[%dma_start3A_245, %dma_start3A_246] : memref<10000x128xf32, #tpu.memory_space<vmem_shared>> -> memref<10000x128xf32, #tpu.memory_space<vmem_shared>>
    %dma_start3A_248 = tpu.memref_slice %arg13[%dma_start3A_241] : memref<2x!tpu.dma_semaphore, #tpu.memory_space<semaphore_mem>> -> memref<1x!tpu.dma_semaphore, #tpu.memory_space<semaphore_mem>>
    %dma_start3A_249 = tpu.memref_squeeze %dma_start3A_248 : memref<1x!tpu.dma_semaphore, #tpu.memory_space<semaphore_mem>> -> memref<!tpu.dma_semaphore, #tpu.memory_space<semaphore_mem>>
    tpu.enqueue_indirect_dma source(%arg10 : memref<125x128xf32, #tpu.memory_space<vmem>>) target(%dma_start3A_247 : memref<10000x128xf32, #tpu.memory_space<vmem_shared>>) offsets(%dma_start3A_244 : memref<125xi32, #tpu.memory_space<vmem>>) semaphore(%dma_start3A_249 : memref<!tpu.dma_semaphore, #tpu.memory_space<semaphore_mem>>) {add = true}
    %scan3A_250 = arith.constant 0 : i32
    %scan3A_251 = arith.constant 0 : i32
    %scan3A_252 = arith.constant 18 : i32
    %scan3A_253 = arith.addi %scan3A_251, %scan3A_252 : i32
    %scan3A_254 = arith.constant 1 : i32
    scf.for %scan3A_346 = %scan3A_251 to %scan3A_253 step %scan3A_254  : i32 {
      %mul3A_347 = arith.constant 2 : i32
      %mul3A_348 = arith.muli %mul3A_347, %scan3A_346 : i32
      %add3A_349 = arith.constant 2 : i32
      %add3A_350 = arith.addi %mul3A_348, %add3A_349 : i32
      %add3A_351 = arith.constant 0 : i32
      %add3A_352 = arith.addi %add3A_350, %add3A_351 : i32
      %sub3A = arith.constant 1 : i32
      %sub3A_353 = arith.subi %add3A_352, %sub3A : i32
      %dma_wait3A_354 = arith.constant 1 : i32
      %dma_wait3A_355 = arith.constant 0 : i32
      %dma_wait3A_356 = tpu.memref_slice %arg8[%sub3A_353, %dma_wait3A_355] : memref<44x125xi32, #tpu.memory_space<vmem>> -> memref<1x125xi32, #tpu.memory_space<vmem>>
      %dma_wait3A_357 = tpu.memref_squeeze %dma_wait3A_356 : memref<1x125xi32, #tpu.memory_space<vmem>> -> memref<125xi32, #tpu.memory_space<vmem>>
      %dma_wait3A_358 = arith.constant 0 : i32
      %dma_wait3A_359 = arith.constant 0 : i32
      %dma_wait3A_360 = tpu.memref_slice %arg11[%dma_wait3A_358, %dma_wait3A_359] : memref<10000x128xf32, #tpu.memory_space<vmem_shared>> -> memref<10000x128xf32, #tpu.memory_space<vmem_shared>>
      %dma_wait3A_361 = tpu.memref_slice %arg13[%dma_wait3A_354] : memref<2x!tpu.dma_semaphore, #tpu.memory_space<semaphore_mem>> -> memref<1x!tpu.dma_semaphore, #tpu.memory_space<semaphore_mem>>
      %dma_wait3A_362 = tpu.memref_squeeze %dma_wait3A_361 : memref<1x!tpu.dma_semaphore, #tpu.memory_space<semaphore_mem>> -> memref<!tpu.dma_semaphore, #tpu.memory_space<semaphore_mem>>
      tpu.wait_indirect_dma semaphore(%dma_wait3A_362 : memref<!tpu.dma_semaphore, #tpu.memory_space<semaphore_mem>>) src(%arg10 : memref<125x128xf32, #tpu.memory_space<vmem>>) dst(%dma_wait3A_360 : memref<10000x128xf32, #tpu.memory_space<vmem_shared>>)
      %add3A_363 = arith.constant 1 : i32
      %add3A_364 = arith.addi %add3A_352, %add3A_363 : i32
      %dma_start3A_365 = arith.constant 1 : i32
      %dma_start3A_366 = arith.constant 0 : i32
      %dma_start3A_367 = tpu.memref_slice %arg7[%add3A_364, %dma_start3A_366] : memref<44x125xi32, #tpu.memory_space<vmem>> -> memref<1x125xi32, #tpu.memory_space<vmem>>
      %dma_start3A_368 = tpu.memref_squeeze %dma_start3A_367 : memref<1x125xi32, #tpu.memory_space<vmem>> -> memref<125xi32, #tpu.memory_space<vmem>>
      %dma_start3A_369 = arith.constant 0 : i32
      %dma_start3A_370 = arith.constant 0 : i32
      %dma_start3A_371 = tpu.memref_slice %arg2[%dma_start3A_369, %dma_start3A_370] : memref<10000x128xf32, #tpu.memory_space<hbm>> -> memref<10000x128xf32, #tpu.memory_space<hbm>>
      %dma_start3A_372 = tpu.memref_slice %arg12[%dma_start3A_365] : memref<2x!tpu.dma_semaphore, #tpu.memory_space<semaphore_mem>> -> memref<1x!tpu.dma_semaphore, #tpu.memory_space<semaphore_mem>>
      %dma_start3A_373 = tpu.memref_squeeze %dma_start3A_372 : memref<1x!tpu.dma_semaphore, #tpu.memory_space<semaphore_mem>> -> memref<!tpu.dma_semaphore, #tpu.memory_space<semaphore_mem>>
      tpu.enqueue_indirect_dma source(%dma_start3A_371 : memref<10000x128xf32, #tpu.memory_space<hbm>>) target(%arg10 : memref<125x128xf32, #tpu.memory_space<vmem>>) offsets(%dma_start3A_368 : memref<125xi32, #tpu.memory_space<vmem>>) semaphore(%dma_start3A_373 : memref<!tpu.dma_semaphore, #tpu.memory_space<semaphore_mem>>)
      %dma_wait3A_374 = arith.constant 0 : i32
      %dma_wait3A_375 = arith.constant 0 : i32
      %dma_wait3A_376 = tpu.memref_slice %arg7[%add3A_352, %dma_wait3A_375] : memref<44x125xi32, #tpu.memory_space<vmem>> -> memref<1x125xi32, #tpu.memory_space<vmem>>
      %dma_wait3A_377 = tpu.memref_squeeze %dma_wait3A_376 : memref<1x125xi32, #tpu.memory_space<vmem>> -> memref<125xi32, #tpu.memory_space<vmem>>
      %dma_wait3A_378 = arith.constant 0 : i32
      %dma_wait3A_379 = arith.constant 0 : i32
      %dma_wait3A_380 = tpu.memref_slice %arg2[%dma_wait3A_378, %dma_wait3A_379] : memref<10000x128xf32, #tpu.memory_space<hbm>> -> memref<10000x128xf32, #tpu.memory_space<hbm>>
      %dma_wait3A_381 = tpu.memref_slice %arg12[%dma_wait3A_374] : memref<2x!tpu.dma_semaphore, #tpu.memory_space<semaphore_mem>> -> memref<1x!tpu.dma_semaphore, #tpu.memory_space<semaphore_mem>>
      %dma_wait3A_382 = tpu.memref_squeeze %dma_wait3A_381 : memref<1x!tpu.dma_semaphore, #tpu.memory_space<semaphore_mem>> -> memref<!tpu.dma_semaphore, #tpu.memory_space<semaphore_mem>>
      tpu.wait_indirect_dma semaphore(%dma_wait3A_382 : memref<!tpu.dma_semaphore, #tpu.memory_space<semaphore_mem>>) src(%dma_wait3A_380 : memref<10000x128xf32, #tpu.memory_space<hbm>>) dst(%arg9 : memref<125x128xf32, #tpu.memory_space<vmem>>)
      %dma_start3A_383 = arith.constant 0 : i32
      %dma_start3A_384 = arith.constant 0 : i32
      %dma_start3A_385 = tpu.memref_slice %arg8[%add3A_352, %dma_start3A_384] : memref<44x125xi32, #tpu.memory_space<vmem>> -> memref<1x125xi32, #tpu.memory_space<vmem>>
      %dma_start3A_386 = tpu.memref_squeeze %dma_start3A_385 : memref<1x125xi32, #tpu.memory_space<vmem>> -> memref<125xi32, #tpu.memory_space<vmem>>
      %dma_start3A_387 = arith.constant 0 : i32
      %dma_start3A_388 = arith.constant 0 : i32
      %dma_start3A_389 = tpu.memref_slice %arg11[%dma_start3A_387, %dma_start3A_388] : memref<10000x128xf32, #tpu.memory_space<vmem_shared>> -> memref<10000x128xf32, #tpu.memory_space<vmem_shared>>
      %dma_start3A_390 = tpu.memref_slice %arg13[%dma_start3A_383] : memref<2x!tpu.dma_semaphore, #tpu.memory_space<semaphore_mem>> -> memref<1x!tpu.dma_semaphore, #tpu.memory_space<semaphore_mem>>
      %dma_start3A_391 = tpu.memref_squeeze %dma_start3A_390 : memref<1x!tpu.dma_semaphore, #tpu.memory_space<semaphore_mem>> -> memref<!tpu.dma_semaphore, #tpu.memory_space<semaphore_mem>>
      tpu.enqueue_indirect_dma source(%arg9 : memref<125x128xf32, #tpu.memory_space<vmem>>) target(%dma_start3A_389 : memref<10000x128xf32, #tpu.memory_space<vmem_shared>>) offsets(%dma_start3A_386 : memref<125xi32, #tpu.memory_space<vmem>>) semaphore(%dma_start3A_391 : memref<!tpu.dma_semaphore, #tpu.memory_space<semaphore_mem>>) {add = true}
      %mul3A_392 = arith.constant 2 : i32
      %mul3A_393 = arith.muli %mul3A_392, %scan3A_346 : i32
      %add3A_394 = arith.constant 2 : i32
      %add3A_395 = arith.addi %mul3A_393, %add3A_394 : i32
      %add3A_396 = arith.constant 1 : i32
      %add3A_397 = arith.addi %add3A_395, %add3A_396 : i32
      %sub3A_398 = arith.constant 1 : i32
      %sub3A_399 = arith.subi %add3A_397, %sub3A_398 : i32
      %dma_wait3A_400 = arith.constant 0 : i32
      %dma_wait3A_401 = arith.constant 0 : i32
      %dma_wait3A_402 = tpu.memref_slice %arg8[%sub3A_399, %dma_wait3A_401] : memref<44x125xi32, #tpu.memory_space<vmem>> -> memref<1x125xi32, #tpu.memory_space<vmem>>
      %dma_wait3A_403 = tpu.memref_squeeze %dma_wait3A_402 : memref<1x125xi32, #tpu.memory_space<vmem>> -> memref<125xi32, #tpu.memory_space<vmem>>
      %dma_wait3A_404 = arith.constant 0 : i32
      %dma_wait3A_405 = arith.constant 0 : i32
      %dma_wait3A_406 = tpu.memref_slice %arg11[%dma_wait3A_404, %dma_wait3A_405] : memref<10000x128xf32, #tpu.memory_space<vmem_shared>> -> memref<10000x128xf32, #tpu.memory_space<vmem_shared>>
      %dma_wait3A_407 = tpu.memref_slice %arg13[%dma_wait3A_400] : memref<2x!tpu.dma_semaphore, #tpu.memory_space<semaphore_mem>> -> memref<1x!tpu.dma_semaphore, #tpu.memory_space<semaphore_mem>>
      %dma_wait3A_408 = tpu.memref_squeeze %dma_wait3A_407 : memref<1x!tpu.dma_semaphore, #tpu.memory_space<semaphore_mem>> -> memref<!tpu.dma_semaphore, #tpu.memory_space<semaphore_mem>>
      tpu.wait_indirect_dma semaphore(%dma_wait3A_408 : memref<!tpu.dma_semaphore, #tpu.memory_space<semaphore_mem>>) src(%arg9 : memref<125x128xf32, #tpu.memory_space<vmem>>) dst(%dma_wait3A_406 : memref<10000x128xf32, #tpu.memory_space<vmem_shared>>)
      %add3A_409 = arith.constant 1 : i32
      %add3A_410 = arith.addi %add3A_397, %add3A_409 : i32
      %dma_start3A_411 = arith.constant 0 : i32
      %dma_start3A_412 = arith.constant 0 : i32
      %dma_start3A_413 = tpu.memref_slice %arg7[%add3A_410, %dma_start3A_412] : memref<44x125xi32, #tpu.memory_space<vmem>> -> memref<1x125xi32, #tpu.memory_space<vmem>>
      %dma_start3A_414 = tpu.memref_squeeze %dma_start3A_413 : memref<1x125xi32, #tpu.memory_space<vmem>> -> memref<125xi32, #tpu.memory_space<vmem>>
      %dma_start3A_415 = arith.constant 0 : i32
      %dma_start3A_416 = arith.constant 0 : i32
      %dma_start3A_417 = tpu.memref_slice %arg2[%dma_start3A_415, %dma_start3A_416] : memref<10000x128xf32, #tpu.memory_space<hbm>> -> memref<10000x128xf32, #tpu.memory_space<hbm>>
      %dma_start3A_418 = tpu.memref_slice %arg12[%dma_start3A_411] : memref<2x!tpu.dma_semaphore, #tpu.memory_space<semaphore_mem>> -> memref<1x!tpu.dma_semaphore, #tpu.memory_space<semaphore_mem>>
      %dma_start3A_419 = tpu.memref_squeeze %dma_start3A_418 : memref<1x!tpu.dma_semaphore, #tpu.memory_space<semaphore_mem>> -> memref<!tpu.dma_semaphore, #tpu.memory_space<semaphore_mem>>
      tpu.enqueue_indirect_dma source(%dma_start3A_417 : memref<10000x128xf32, #tpu.memory_space<hbm>>) target(%arg9 : memref<125x128xf32, #tpu.memory_space<vmem>>) offsets(%dma_start3A_414 : memref<125xi32, #tpu.memory_space<vmem>>) semaphore(%dma_start3A_419 : memref<!tpu.dma_semaphore, #tpu.memory_space<semaphore_mem>>)
      %dma_wait3A_420 = arith.constant 1 : i32
      %dma_wait3A_421 = arith.constant 0 : i32
      %dma_wait3A_422 = tpu.memref_slice %arg7[%add3A_397, %dma_wait3A_421] : memref<44x125xi32, #tpu.memory_space<vmem>> -> memref<1x125xi32, #tpu.memory_space<vmem>>
      %dma_wait3A_423 = tpu.memref_squeeze %dma_wait3A_422 : memref<1x125xi32, #tpu.memory_space<vmem>> -> memref<125xi32, #tpu.memory_space<vmem>>
      %dma_wait3A_424 = arith.constant 0 : i32
      %dma_wait3A_425 = arith.constant 0 : i32
      %dma_wait3A_426 = tpu.memref_slice %arg2[%dma_wait3A_424, %dma_wait3A_425] : memref<10000x128xf32, #tpu.memory_space<hbm>> -> memref<10000x128xf32, #tpu.memory_space<hbm>>
      %dma_wait3A_427 = tpu.memref_slice %arg12[%dma_wait3A_420] : memref<2x!tpu.dma_semaphore, #tpu.memory_space<semaphore_mem>> -> memref<1x!tpu.dma_semaphore, #tpu.memory_space<semaphore_mem>>
      %dma_wait3A_428 = tpu.memref_squeeze %dma_wait3A_427 : memref<1x!tpu.dma_semaphore, #tpu.memory_space<semaphore_mem>> -> memref<!tpu.dma_semaphore, #tpu.memory_space<semaphore_mem>>
      tpu.wait_indirect_dma semaphore(%dma_wait3A_428 : memref<!tpu.dma_semaphore, #tpu.memory_space<semaphore_mem>>) src(%dma_wait3A_426 : memref<10000x128xf32, #tpu.memory_space<hbm>>) dst(%arg10 : memref<125x128xf32, #tpu.memory_space<vmem>>)
      %dma_start3A_429 = arith.constant 1 : i32
      %dma_start3A_430 = arith.constant 0 : i32
      %dma_start3A_431 = tpu.memref_slice %arg8[%add3A_397, %dma_start3A_430] : memref<44x125xi32, #tpu.memory_space<vmem>> -> memref<1x125xi32, #tpu.memory_space<vmem>>
      %dma_start3A_432 = tpu.memref_squeeze %dma_start3A_431 : memref<1x125xi32, #tpu.memory_space<vmem>> -> memref<125xi32, #tpu.memory_space<vmem>>
      %dma_start3A_433 = arith.constant 0 : i32
      %dma_start3A_434 = arith.constant 0 : i32
      %dma_start3A_435 = tpu.memref_slice %arg11[%dma_start3A_433, %dma_start3A_434] : memref<10000x128xf32, #tpu.memory_space<vmem_shared>> -> memref<10000x128xf32, #tpu.memory_space<vmem_shared>>
      %dma_start3A_436 = tpu.memref_slice %arg13[%dma_start3A_429] : memref<2x!tpu.dma_semaphore, #tpu.memory_space<semaphore_mem>> -> memref<1x!tpu.dma_semaphore, #tpu.memory_space<semaphore_mem>>
      %dma_start3A_437 = tpu.memref_squeeze %dma_start3A_436 : memref<1x!tpu.dma_semaphore, #tpu.memory_space<semaphore_mem>> -> memref<!tpu.dma_semaphore, #tpu.memory_space<semaphore_mem>>
      tpu.enqueue_indirect_dma source(%arg10 : memref<125x128xf32, #tpu.memory_space<vmem>>) target(%dma_start3A_435 : memref<10000x128xf32, #tpu.memory_space<vmem_shared>>) offsets(%dma_start3A_432 : memref<125xi32, #tpu.memory_space<vmem>>) semaphore(%dma_start3A_437 : memref<!tpu.dma_semaphore, #tpu.memory_space<semaphore_mem>>) {add = true}
    }
    %scan3A_255 = arith.constant 18 : i32
    %dma_wait3A_256 = arith.constant 37 : i32
    %dma_wait3A_257 = arith.constant 1 : i32
    %dma_wait3A_258 = arith.constant 0 : i32
    %dma_wait3A_259 = tpu.memref_slice %arg8[%dma_wait3A_256, %dma_wait3A_258] : memref<44x125xi32, #tpu.memory_space<vmem>> -> memref<1x125xi32, #tpu.memory_space<vmem>>
    %dma_wait3A_260 = tpu.memref_squeeze %dma_wait3A_259 : memref<1x125xi32, #tpu.memory_space<vmem>> -> memref<125xi32, #tpu.memory_space<vmem>>
    %dma_wait3A_261 = arith.constant 0 : i32
    %dma_wait3A_262 = arith.constant 0 : i32
    %dma_wait3A_263 = tpu.memref_slice %arg11[%dma_wait3A_261, %dma_wait3A_262] : memref<10000x128xf32, #tpu.memory_space<vmem_shared>> -> memref<10000x128xf32, #tpu.memory_space<vmem_shared>>
    %dma_wait3A_264 = tpu.memref_slice %arg13[%dma_wait3A_257] : memref<2x!tpu.dma_semaphore, #tpu.memory_space<semaphore_mem>> -> memref<1x!tpu.dma_semaphore, #tpu.memory_space<semaphore_mem>>
    %dma_wait3A_265 = tpu.memref_squeeze %dma_wait3A_264 : memref<1x!tpu.dma_semaphore, #tpu.memory_space<semaphore_mem>> -> memref<!tpu.dma_semaphore, #tpu.memory_space<semaphore_mem>>
    tpu.wait_indirect_dma semaphore(%dma_wait3A_265 : memref<!tpu.dma_semaphore, #tpu.memory_space<semaphore_mem>>) src(%arg10 : memref<125x128xf32, #tpu.memory_space<vmem>>) dst(%dma_wait3A_263 : memref<10000x128xf32, #tpu.memory_space<vmem_shared>>)
    %dma_start3A_266 = arith.constant 39 : i32
    %dma_start3A_267 = arith.constant 1 : i32
    %dma_start3A_268 = arith.constant 0 : i32
    %dma_start3A_269 = tpu.memref_slice %arg7[%dma_start3A_266, %dma_start3A_268] : memref<44x125xi32, #tpu.memory_space<vmem>> -> memref<1x125xi32, #tpu.memory_space<vmem>>
    %dma_start3A_270 = tpu.memref_squeeze %dma_start3A_269 : memref<1x125xi32, #tpu.memory_space<vmem>> -> memref<125xi32, #tpu.memory_space<vmem>>
    %dma_start3A_271 = arith.constant 0 : i32
    %dma_start3A_272 = arith.constant 0 : i32
    %dma_start3A_273 = tpu.memref_slice %arg2[%dma_start3A_271, %dma_start3A_272] : memref<10000x128xf32, #tpu.memory_space<hbm>> -> memref<10000x128xf32, #tpu.memory_space<hbm>>
    %dma_start3A_274 = tpu.memref_slice %arg12[%dma_start3A_267] : memref<2x!tpu.dma_semaphore, #tpu.memory_space<semaphore_mem>> -> memref<1x!tpu.dma_semaphore, #tpu.memory_space<semaphore_mem>>
    %dma_start3A_275 = tpu.memref_squeeze %dma_start3A_274 : memref<1x!tpu.dma_semaphore, #tpu.memory_space<semaphore_mem>> -> memref<!tpu.dma_semaphore, #tpu.memory_space<semaphore_mem>>
    tpu.enqueue_indirect_dma source(%dma_start3A_273 : memref<10000x128xf32, #tpu.memory_space<hbm>>) target(%arg10 : memref<125x128xf32, #tpu.memory_space<vmem>>) offsets(%dma_start3A_270 : memref<125xi32, #tpu.memory_space<vmem>>) semaphore(%dma_start3A_275 : memref<!tpu.dma_semaphore, #tpu.memory_space<semaphore_mem>>)
    %dma_wait3A_276 = arith.constant 38 : i32
    %dma_wait3A_277 = arith.constant 0 : i32
    %dma_wait3A_278 = arith.constant 0 : i32
    %dma_wait3A_279 = tpu.memref_slice %arg7[%dma_wait3A_276, %dma_wait3A_278] : memref<44x125xi32, #tpu.memory_space<vmem>> -> memref<1x125xi32, #tpu.memory_space<vmem>>
    %dma_wait3A_280 = tpu.memref_squeeze %dma_wait3A_279 : memref<1x125xi32, #tpu.memory_space<vmem>> -> memref<125xi32, #tpu.memory_space<vmem>>
    %dma_wait3A_281 = arith.constant 0 : i32
    %dma_wait3A_282 = arith.constant 0 : i32
    %dma_wait3A_283 = tpu.memref_slice %arg2[%dma_wait3A_281, %dma_wait3A_282] : memref<10000x128xf32, #tpu.memory_space<hbm>> -> memref<10000x128xf32, #tpu.memory_space<hbm>>
    %dma_wait3A_284 = tpu.memref_slice %arg12[%dma_wait3A_277] : memref<2x!tpu.dma_semaphore, #tpu.memory_space<semaphore_mem>> -> memref<1x!tpu.dma_semaphore, #tpu.memory_space<semaphore_mem>>
    %dma_wait3A_285 = tpu.memref_squeeze %dma_wait3A_284 : memref<1x!tpu.dma_semaphore, #tpu.memory_space<semaphore_mem>> -> memref<!tpu.dma_semaphore, #tpu.memory_space<semaphore_mem>>
    tpu.wait_indirect_dma semaphore(%dma_wait3A_285 : memref<!tpu.dma_semaphore, #tpu.memory_space<semaphore_mem>>) src(%dma_wait3A_283 : memref<10000x128xf32, #tpu.memory_space<hbm>>) dst(%arg9 : memref<125x128xf32, #tpu.memory_space<vmem>>)
    %dma_start3A_286 = arith.constant 38 : i32
    %dma_start3A_287 = arith.constant 0 : i32
    %dma_start3A_288 = arith.constant 0 : i32
    %dma_start3A_289 = tpu.memref_slice %arg8[%dma_start3A_286, %dma_start3A_288] : memref<44x125xi32, #tpu.memory_space<vmem>> -> memref<1x125xi32, #tpu.memory_space<vmem>>
    %dma_start3A_290 = tpu.memref_squeeze %dma_start3A_289 : memref<1x125xi32, #tpu.memory_space<vmem>> -> memref<125xi32, #tpu.memory_space<vmem>>
    %dma_start3A_291 = arith.constant 0 : i32
    %dma_start3A_292 = arith.constant 0 : i32
    %dma_start3A_293 = tpu.memref_slice %arg11[%dma_start3A_291, %dma_start3A_292] : memref<10000x128xf32, #tpu.memory_space<vmem_shared>> -> memref<10000x128xf32, #tpu.memory_space<vmem_shared>>
    %dma_start3A_294 = tpu.memref_slice %arg13[%dma_start3A_287] : memref<2x!tpu.dma_semaphore, #tpu.memory_space<semaphore_mem>> -> memref<1x!tpu.dma_semaphore, #tpu.memory_space<semaphore_mem>>
    %dma_start3A_295 = tpu.memref_squeeze %dma_start3A_294 : memref<1x!tpu.dma_semaphore, #tpu.memory_space<semaphore_mem>> -> memref<!tpu.dma_semaphore, #tpu.memory_space<semaphore_mem>>
    tpu.enqueue_indirect_dma source(%arg9 : memref<125x128xf32, #tpu.memory_space<vmem>>) target(%dma_start3A_293 : memref<10000x128xf32, #tpu.memory_space<vmem_shared>>) offsets(%dma_start3A_290 : memref<125xi32, #tpu.memory_space<vmem>>) semaphore(%dma_start3A_295 : memref<!tpu.dma_semaphore, #tpu.memory_space<semaphore_mem>>) {add = true}
    %dma_wait3A_296 = arith.constant 39 : i32
    %dma_wait3A_297 = arith.constant 1 : i32
    %dma_wait3A_298 = arith.constant 0 : i32
    %dma_wait3A_299 = tpu.memref_slice %arg7[%dma_wait3A_296, %dma_wait3A_298] : memref<44x125xi32, #tpu.memory_space<vmem>> -> memref<1x125xi32, #tpu.memory_space<vmem>>
    %dma_wait3A_300 = tpu.memref_squeeze %dma_wait3A_299 : memref<1x125xi32, #tpu.memory_space<vmem>> -> memref<125xi32, #tpu.memory_space<vmem>>
    %dma_wait3A_301 = arith.constant 0 : i32
    %dma_wait3A_302 = arith.constant 0 : i32
    %dma_wait3A_303 = tpu.memref_slice %arg2[%dma_wait3A_301, %dma_wait3A_302] : memref<10000x128xf32, #tpu.memory_space<hbm>> -> memref<10000x128xf32, #tpu.memory_space<hbm>>
    %dma_wait3A_304 = tpu.memref_slice %arg12[%dma_wait3A_297] : memref<2x!tpu.dma_semaphore, #tpu.memory_space<semaphore_mem>> -> memref<1x!tpu.dma_semaphore, #tpu.memory_space<semaphore_mem>>
    %dma_wait3A_305 = tpu.memref_squeeze %dma_wait3A_304 : memref<1x!tpu.dma_semaphore, #tpu.memory_space<semaphore_mem>> -> memref<!tpu.dma_semaphore, #tpu.memory_space<semaphore_mem>>
    tpu.wait_indirect_dma semaphore(%dma_wait3A_305 : memref<!tpu.dma_semaphore, #tpu.memory_space<semaphore_mem>>) src(%dma_wait3A_303 : memref<10000x128xf32, #tpu.memory_space<hbm>>) dst(%arg10 : memref<125x128xf32, #tpu.memory_space<vmem>>)
    %dma_start3A_306 = arith.constant 39 : i32
    %dma_start3A_307 = arith.constant 1 : i32
    %dma_start3A_308 = arith.constant 0 : i32
    %dma_start3A_309 = tpu.memref_slice %arg8[%dma_start3A_306, %dma_start3A_308] : memref<44x125xi32, #tpu.memory_space<vmem>> -> memref<1x125xi32, #tpu.memory_space<vmem>>
    %dma_start3A_310 = tpu.memref_squeeze %dma_start3A_309 : memref<1x125xi32, #tpu.memory_space<vmem>> -> memref<125xi32, #tpu.memory_space<vmem>>
    %dma_start3A_311 = arith.constant 0 : i32
    %dma_start3A_312 = arith.constant 0 : i32
    %dma_start3A_313 = tpu.memref_slice %arg11[%dma_start3A_311, %dma_start3A_312] : memref<10000x128xf32, #tpu.memory_space<vmem_shared>> -> memref<10000x128xf32, #tpu.memory_space<vmem_shared>>
    %dma_start3A_314 = tpu.memref_slice %arg13[%dma_start3A_307] : memref<2x!tpu.dma_semaphore, #tpu.memory_space<semaphore_mem>> -> memref<1x!tpu.dma_semaphore, #tpu.memory_space<semaphore_mem>>
    %dma_start3A_315 = tpu.memref_squeeze %dma_start3A_314 : memref<1x!tpu.dma_semaphore, #tpu.memory_space<semaphore_mem>> -> memref<!tpu.dma_semaphore, #tpu.memory_space<semaphore_mem>>
    tpu.enqueue_indirect_dma source(%arg10 : memref<125x128xf32, #tpu.memory_space<vmem>>) target(%dma_start3A_313 : memref<10000x128xf32, #tpu.memory_space<vmem_shared>>) offsets(%dma_start3A_310 : memref<125xi32, #tpu.memory_space<vmem>>) semaphore(%dma_start3A_315 : memref<!tpu.dma_semaphore, #tpu.memory_space<semaphore_mem>>) {add = true}
    %dma_wait3A_316 = arith.constant 38 : i32
    %dma_wait3A_317 = arith.constant 0 : i32
    %dma_wait3A_318 = arith.constant 0 : i32
    %dma_wait3A_319 = tpu.memref_slice %arg8[%dma_wait3A_316, %dma_wait3A_318] : memref<44x125xi32, #tpu.memory_space<vmem>> -> memref<1x125xi32, #tpu.memory_space<vmem>>
    %dma_wait3A_320 = tpu.memref_squeeze %dma_wait3A_319 : memref<1x125xi32, #tpu.memory_space<vmem>> -> memref<125xi32, #tpu.memory_space<vmem>>
    %dma_wait3A_321 = arith.constant 0 : i32
    %dma_wait3A_322 = arith.constant 0 : i32
    %dma_wait3A_323 = tpu.memref_slice %arg11[%dma_wait3A_321, %dma_wait3A_322] : memref<10000x128xf32, #tpu.memory_space<vmem_shared>> -> memref<10000x128xf32, #tpu.memory_space<vmem_shared>>
    %dma_wait3A_324 = tpu.memref_slice %arg13[%dma_wait3A_317] : memref<2x!tpu.dma_semaphore, #tpu.memory_space<semaphore_mem>> -> memref<1x!tpu.dma_semaphore, #tpu.memory_space<semaphore_mem>>
    %dma_wait3A_325 = tpu.memref_squeeze %dma_wait3A_324 : memref<1x!tpu.dma_semaphore, #tpu.memory_space<semaphore_mem>> -> memref<!tpu.dma_semaphore, #tpu.memory_space<semaphore_mem>>
    tpu.wait_indirect_dma semaphore(%dma_wait3A_325 : memref<!tpu.dma_semaphore, #tpu.memory_space<semaphore_mem>>) src(%arg9 : memref<125x128xf32, #tpu.memory_space<vmem>>) dst(%dma_wait3A_323 : memref<10000x128xf32, #tpu.memory_space<vmem_shared>>)
    %dma_wait3A_326 = arith.constant 39 : i32
    %dma_wait3A_327 = arith.constant 1 : i32
    %dma_wait3A_328 = arith.constant 0 : i32
    %dma_wait3A_329 = tpu.memref_slice %arg8[%dma_wait3A_326, %dma_wait3A_328] : memref<44x125xi32, #tpu.memory_space<vmem>> -> memref<1x125xi32, #tpu.memory_space<vmem>>
    %dma_wait3A_330 = tpu.memref_squeeze %dma_wait3A_329 : memref<1x125xi32, #tpu.memory_space<vmem>> -> memref<125xi32, #tpu.memory_space<vmem>>
    %dma_wait3A_331 = arith.constant 0 : i32
    %dma_wait3A_332 = arith.constant 0 : i32
    %dma_wait3A_333 = tpu.memref_slice %arg11[%dma_wait3A_331, %dma_wait3A_332] : memref<10000x128xf32, #tpu.memory_space<vmem_shared>> -> memref<10000x128xf32, #tpu.memory_space<vmem_shared>>
    %dma_wait3A_334 = tpu.memref_slice %arg13[%dma_wait3A_327] : memref<2x!tpu.dma_semaphore, #tpu.memory_space<semaphore_mem>> -> memref<1x!tpu.dma_semaphore, #tpu.memory_space<semaphore_mem>>
    %dma_wait3A_335 = tpu.memref_squeeze %dma_wait3A_334 : memref<1x!tpu.dma_semaphore, #tpu.memory_space<semaphore_mem>> -> memref<!tpu.dma_semaphore, #tpu.memory_space<semaphore_mem>>
    tpu.wait_indirect_dma semaphore(%dma_wait3A_335 : memref<!tpu.dma_semaphore, #tpu.memory_space<semaphore_mem>>) src(%arg10 : memref<125x128xf32, #tpu.memory_space<vmem>>) dst(%dma_wait3A_333 : memref<10000x128xf32, #tpu.memory_space<vmem_shared>>)
    %barrier3A_336 = arith.constant 0 : index
    tpu.barrier barrier_id(%barrier3A_336)
    %mul3A_337 = arith.constant 624 : i32
    %mul3A_338 = arith.muli %arg1, %mul3A_337 : i32
    %mul3A_339 = arith.constant 624 : i32
    %mul3A_340 = arith.muli %arg1, %mul3A_339 : i32
    "tpu.region"() ({
      %run_scoped3A = tpu.sem_alloc : memref<!tpu.dma_semaphore, #tpu.memory_space<semaphore_mem>>
      %dma_start3A_346 = arith.constant 0 : i32
      %dma_start3A_347 = tpu.memref_slice %arg6[%arg0, %mul3A_340, %dma_start3A_346] : memref<2x10000x128xf32, #tpu.memory_space<hbm>> -> memref<1x624x128xf32, #tpu.memory_space<hbm>>
      %dma_start3A_348 = tpu.memref_squeeze %dma_start3A_347 : memref<1x624x128xf32, #tpu.memory_space<hbm>> -> memref<624x128xf32, #tpu.memory_space<hbm>>
      %dma_start3A_349 = arith.constant 0 : i32
      %dma_start3A_350 = tpu.memref_slice %arg11[%mul3A_338, %dma_start3A_349] : memref<10000x128xf32, #tpu.memory_space<vmem_shared>> -> memref<624x128xf32, #tpu.memory_space<vmem_shared>>
      tpu.enqueue_dma source(%dma_start3A_350 : memref<624x128xf32, #tpu.memory_space<vmem_shared>>) target(%dma_start3A_348 : memref<624x128xf32, #tpu.memory_space<hbm>>) target_semaphore(%run_scoped3A : memref<!tpu.dma_semaphore, #tpu.memory_space<semaphore_mem>>)
      %dma_wait3A_351 = arith.constant 0 : i32
      %dma_wait3A_352 = tpu.memref_slice %arg6[%arg0, %mul3A_340, %dma_wait3A_351] : memref<2x10000x128xf32, #tpu.memory_space<hbm>> -> memref<1x624x128xf32, #tpu.memory_space<hbm>>
      %dma_wait3A_353 = tpu.memref_squeeze %dma_wait3A_352 : memref<1x624x128xf32, #tpu.memory_space<hbm>> -> memref<624x128xf32, #tpu.memory_space<hbm>>
      %dma_wait3A_354 = arith.constant 0 : i32
      %dma_wait3A_355 = tpu.memref_slice %arg11[%mul3A_338, %dma_wait3A_354] : memref<10000x128xf32, #tpu.memory_space<vmem_shared>> -> memref<624x128xf32, #tpu.memory_space<vmem_shared>>
      tpu.wait_dma2 semaphore(%run_scoped3A : memref<!tpu.dma_semaphore, #tpu.memory_space<semaphore_mem>>) src(%dma_wait3A_355 : memref<624x128xf32, #tpu.memory_space<vmem_shared>>) dst(%dma_wait3A_353 : memref<624x128xf32, #tpu.memory_space<hbm>>)
      tpu.yield
    }) : () -> ()
    %eq3A_341 = arith.constant 15 : i32
    %eq3A_342 = arith.cmpi eq, %arg1, %eq3A_341 : i32
    %convert_element_type3A_343 = arith.extui %eq3A_342 : i1 to i32
    %cond3A_344 = arith.constant 0 : i32
    %cond3A_345 = arith.cmpi ne, %convert_element_type3A_343, %cond3A_344 : i32
    scf.if %cond3A_345 {
      "tpu.region"() ({
        %run_scoped3A = tpu.sem_alloc : memref<!tpu.dma_semaphore, #tpu.memory_space<semaphore_mem>>
        %dma_start3A_346 = arith.constant 9984 : i32
        %dma_start3A_347 = arith.constant 0 : i32
        %dma_start3A_348 = tpu.memref_slice %arg6[%arg0, %dma_start3A_346, %dma_start3A_347] : memref<2x10000x128xf32, #tpu.memory_space<hbm>> -> memref<1x16x128xf32, #tpu.memory_space<hbm>>
        %dma_start3A_349 = tpu.memref_squeeze %dma_start3A_348 : memref<1x16x128xf32, #tpu.memory_space<hbm>> -> memref<16x128xf32, #tpu.memory_space<hbm>>
        %dma_start3A_350 = arith.constant 9984 : i32
        %dma_start3A_351 = arith.constant 0 : i32
        %dma_start3A_352 = tpu.memref_slice %arg11[%dma_start3A_350, %dma_start3A_351] : memref<10000x128xf32, #tpu.memory_space<vmem_shared>> -> memref<16x128xf32, #tpu.memory_space<vmem_shared>>
        tpu.enqueue_dma source(%dma_start3A_352 : memref<16x128xf32, #tpu.memory_space<vmem_shared>>) target(%dma_start3A_349 : memref<16x128xf32, #tpu.memory_space<hbm>>) target_semaphore(%run_scoped3A : memref<!tpu.dma_semaphore, #tpu.memory_space<semaphore_mem>>)
        %dma_wait3A_353 = arith.constant 9984 : i32
        %dma_wait3A_354 = arith.constant 0 : i32
        %dma_wait3A_355 = tpu.memref_slice %arg6[%arg0, %dma_wait3A_353, %dma_wait3A_354] : memref<2x10000x128xf32, #tpu.memory_space<hbm>> -> memref<1x16x128xf32, #tpu.memory_space<hbm>>
        %dma_wait3A_356 = tpu.memref_squeeze %dma_wait3A_355 : memref<1x16x128xf32, #tpu.memory_space<hbm>> -> memref<16x128xf32, #tpu.memory_space<hbm>>
        %dma_wait3A_357 = arith.constant 9984 : i32
        %dma_wait3A_358 = arith.constant 0 : i32
        %dma_wait3A_359 = tpu.memref_slice %arg11[%dma_wait3A_357, %dma_wait3A_358] : memref<10000x128xf32, #tpu.memory_space<vmem_shared>> -> memref<16x128xf32, #tpu.memory_space<vmem_shared>>
        tpu.wait_dma2 semaphore(%run_scoped3A : memref<!tpu.dma_semaphore, #tpu.memory_space<semaphore_mem>>) src(%dma_wait3A_359 : memref<16x128xf32, #tpu.memory_space<vmem_shared>>) dst(%dma_wait3A_356 : memref<16x128xf32, #tpu.memory_space<hbm>>)
        tpu.yield
      }) : () -> ()
    } else {
    }
    return
  }
}

module attributes {stable_mosaic.version = 14 : i64} {
  func.func @body(%arg0: i32, %arg1: memref<2000x128xf32, #tpu.memory_space<vmem>>, %arg2: memref<2x2000x128xf32, #tpu.memory_space<vmem>>, %arg3: memref<128x128xf32, #tpu.memory_space<vmem>>, %arg4: memref<128x128xf32, #tpu.memory_space<vmem>>, %arg5: memref<1x128xf32, #tpu.memory_space<vmem>>, %arg6: memref<2000x128xf32, #tpu.memory_space<vmem>>) attributes {dimension_semantics = [#tpu.dimension_semantics<arbitrary>], iteration_bounds = array<i64: 5>, scalar_prefetch = 0 : i64, scratch_operands = 0 : i64, tpu.core_type = #tpu.core_type<tc>, window_params = [{transform_indices = @transform_0, window_bounds = array<i64: 2000, 128>}, {transform_indices = @transform_1, window_bounds = array<i64: 2, 2000, 128>}, {pipeline_mode = #tpu.pipeline_mode<synchronous>, transform_indices = @transform_2, window_bounds = array<i64: 128, 128>}, {pipeline_mode = #tpu.pipeline_mode<synchronous>, transform_indices = @transform_3, window_bounds = array<i64: 128, 128>}, {pipeline_mode = #tpu.pipeline_mode<synchronous>, transform_indices = @transform_4, window_bounds = array<i64: 1, 128>}, {transform_indices = @transform_5, window_bounds = array<i64: 2000, 128>}]} {
    %get3A = arith.constant 0 : index
    %get3A_0 = arith.constant 0 : index
    %get3A_1 = arith.constant 0 : index
    %get3A_2 = vector.load %arg2[%get3A, %get3A_0, %get3A_1] : memref<2x2000x128xf32, #tpu.memory_space<vmem>>, vector<1x2000x128xf32>
    %get3A_3 = vector.shape_cast %get3A_2 : vector<1x2000x128xf32> to vector<2000x128xf32>
    %get3A_4 = arith.constant 1 : index
    %get3A_5 = arith.constant 0 : index
    %get3A_6 = arith.constant 0 : index
    %get3A_7 = vector.load %arg2[%get3A_4, %get3A_5, %get3A_6] : memref<2x2000x128xf32, #tpu.memory_space<vmem>>, vector<1x2000x128xf32>
    %get3A_8 = vector.shape_cast %get3A_7 : vector<1x2000x128xf32> to vector<2000x128xf32>
    %add3A = arith.addf %get3A_3, %get3A_8 : vector<2000x128xf32>
    %get3A_9 = arith.constant 0 : index
    %get3A_10 = arith.constant 0 : index
    %get3A_11 = vector.load %arg1[%get3A_9, %get3A_10] : memref<2000x128xf32, #tpu.memory_space<vmem>>, vector<2000x128xf32>
    %get3A_12 = arith.constant 0 : index
    %get3A_13 = arith.constant 0 : index
    %get3A_14 = vector.load %arg3[%get3A_12, %get3A_13] : memref<128x128xf32, #tpu.memory_space<vmem>>, vector<128x128xf32>
    %dot_general3A = arith.constant dense<0.000000e+00> : vector<2000x128xf32>
    %dot_general3A_15 = tpu.matmul %get3A_11, %get3A_14, %dot_general3A {dimension_numbers = #tpu.dot_dimension_numbers<[1], [0], [0], [1], [0, 0, 1, 1], [], []>, transpose_lhs_hint = false} : vector<2000x128xf32>, vector<128x128xf32>, vector<2000x128xf32> -> vector<2000x128xf32>
    %get3A_16 = arith.constant 0 : index
    %get3A_17 = arith.constant 0 : index
    %get3A_18 = vector.load %arg4[%get3A_16, %get3A_17] : memref<128x128xf32, #tpu.memory_space<vmem>>, vector<128x128xf32>
    %dot_general3A_19 = arith.constant dense<0.000000e+00> : vector<2000x128xf32>
    %dot_general3A_20 = tpu.matmul %add3A, %get3A_18, %dot_general3A_19 {dimension_numbers = #tpu.dot_dimension_numbers<[1], [0], [0], [1], [0, 0, 1, 1], [], []>, transpose_lhs_hint = false} : vector<2000x128xf32>, vector<128x128xf32>, vector<2000x128xf32> -> vector<2000x128xf32>
    %add3A_21 = arith.addf %dot_general3A_15, %dot_general3A_20 : vector<2000x128xf32>
    %get3A_22 = arith.constant 0 : index
    %get3A_23 = arith.constant 0 : index
    %get3A_24 = vector.load %arg5[%get3A_22, %get3A_23] : memref<1x128xf32, #tpu.memory_space<vmem>>, vector<1x128xf32>
    %add3A_25 = vector.broadcast %get3A_24 : vector<1x128xf32> to vector<2000x128xf32>
    %add3A_26 = arith.addf %add3A_21, %add3A_25 : vector<2000x128xf32>
    %max3A = arith.constant 0.000000e+00 : f32
    %max3A_27 = vector.broadcast %max3A : f32 to vector<2000x128xf32>
    %max3A_28 = arith.maximumf %add3A_26, %max3A_27 : vector<2000x128xf32>
    %swap3A = arith.constant 0 : index
    %swap3A_29 = arith.constant 0 : index
    %swap3A_30 = vector.load %arg6[%swap3A, %swap3A_29] : memref<2000x128xf32, #tpu.memory_space<vmem>>, vector<2000x128xf32>
    tpu.vector_store %arg6[%swap3A, %swap3A_29], %max3A_28 {strides = array<i32>} : memref<2000x128xf32, #tpu.memory_space<vmem>>, vector<2000x128xf32>,
    return
  }
  func.func @transform_0(%arg0: i32) -> (i32, i32) {
    %c0_i32 = arith.constant 0 : i32
    %c0_i32_0 = arith.constant 0 : i32
    return %arg0, %c0_i32 : i32, i32
  }
  func.func @transform_1(%arg0: i32) -> (i32, i32, i32) {
    %c0_i32 = arith.constant 0 : i32
    %c0_i32_0 = arith.constant 0 : i32
    %c0_i32_1 = arith.constant 0 : i32
    return %c0_i32, %arg0, %c0_i32_0 : i32, i32, i32
  }
  func.func @transform_2(%arg0: i32) -> (i32, i32) {
    %c0_i32 = arith.constant 0 : i32
    %c0_i32_0 = arith.constant 0 : i32
    %c0_i32_1 = arith.constant 0 : i32
    return %c0_i32, %c0_i32_0 : i32, i32
  }
  func.func @transform_3(%arg0: i32) -> (i32, i32) {
    %c0_i32 = arith.constant 0 : i32
    %c0_i32_0 = arith.constant 0 : i32
    %c0_i32_1 = arith.constant 0 : i32
    return %c0_i32, %c0_i32_0 : i32, i32
  }
  func.func @transform_4(%arg0: i32) -> (i32, i32) {
    %c0_i32 = arith.constant 0 : i32
    %c0_i32_0 = arith.constant 0 : i32
    %c0_i32_1 = arith.constant 0 : i32
    return %c0_i32, %c0_i32_0 : i32, i32
  }
  func.func @transform_5(%arg0: i32) -> (i32, i32) {
    %c0_i32 = arith.constant 0 : i32
    %c0_i32_0 = arith.constant 0 : i32
    return %arg0, %c0_i32 : i32, i32
  }
}

module attributes {stable_mosaic.version = 14 : i64} {
  func.func @body(%arg0: i32, %arg1: memref<2000x128xf32, #tpu.memory_space<vmem>>, %arg2: memref<2x2000x128xf32, #tpu.memory_space<vmem>>, %arg3: memref<128x128xf32, #tpu.memory_space<vmem>>, %arg4: memref<128x128xf32, #tpu.memory_space<vmem>>, %arg5: memref<1x128xf32, #tpu.memory_space<vmem>>, %arg6: memref<2000x128xf32, #tpu.memory_space<vmem>>) attributes {dimension_semantics = [#tpu.dimension_semantics<arbitrary>], iteration_bounds = array<i64: 5>, scalar_prefetch = 0 : i64, scratch_operands = 0 : i64, tpu.core_type = #tpu.core_type<tc>, window_params = [{transform_indices = @transform_0, window_bounds = array<i64: 2000, 128>}, {transform_indices = @transform_1, window_bounds = array<i64: 2, 2000, 128>}, {pipeline_mode = #tpu.pipeline_mode<synchronous>, transform_indices = @transform_2, window_bounds = array<i64: 128, 128>}, {pipeline_mode = #tpu.pipeline_mode<synchronous>, transform_indices = @transform_3, window_bounds = array<i64: 128, 128>}, {pipeline_mode = #tpu.pipeline_mode<synchronous>, transform_indices = @transform_4, window_bounds = array<i64: 1, 128>}, {transform_indices = @transform_5, window_bounds = array<i64: 2000, 128>}]} {
    %get3A = arith.constant 0 : index
    %get3A_0 = arith.constant 0 : index
    %get3A_1 = arith.constant 0 : index
    %get3A_2 = vector.load %arg2[%get3A, %get3A_0, %get3A_1] : memref<2x2000x128xf32, #tpu.memory_space<vmem>>, vector<1x2000x128xf32>
    %get3A_3 = vector.shape_cast %get3A_2 : vector<1x2000x128xf32> to vector<2000x128xf32>
    %get3A_4 = arith.constant 1 : index
    %get3A_5 = arith.constant 0 : index
    %get3A_6 = arith.constant 0 : index
    %get3A_7 = vector.load %arg2[%get3A_4, %get3A_5, %get3A_6] : memref<2x2000x128xf32, #tpu.memory_space<vmem>>, vector<1x2000x128xf32>
    %get3A_8 = vector.shape_cast %get3A_7 : vector<1x2000x128xf32> to vector<2000x128xf32>
    %add3A = arith.addf %get3A_3, %get3A_8 : vector<2000x128xf32>
    %get3A_9 = arith.constant 0 : index
    %get3A_10 = arith.constant 0 : index
    %get3A_11 = vector.load %arg1[%get3A_9, %get3A_10] : memref<2000x128xf32, #tpu.memory_space<vmem>>, vector<2000x128xf32>
    %get3A_12 = arith.constant 0 : index
    %get3A_13 = arith.constant 0 : index
    %get3A_14 = vector.load %arg3[%get3A_12, %get3A_13] : memref<128x128xf32, #tpu.memory_space<vmem>>, vector<128x128xf32>
    %dot_general3A = arith.constant dense<0.000000e+00> : vector<2000x128xf32>
    %dot_general3A_15 = tpu.matmul %get3A_11, %get3A_14, %dot_general3A {dimension_numbers = #tpu.dot_dimension_numbers<[1], [0], [0], [1], [0, 0, 1, 1], [], []>, transpose_lhs_hint = false} : vector<2000x128xf32>, vector<128x128xf32>, vector<2000x128xf32> -> vector<2000x128xf32>
    %get3A_16 = arith.constant 0 : index
    %get3A_17 = arith.constant 0 : index
    %get3A_18 = vector.load %arg4[%get3A_16, %get3A_17] : memref<128x128xf32, #tpu.memory_space<vmem>>, vector<128x128xf32>
    %dot_general3A_19 = arith.constant dense<0.000000e+00> : vector<2000x128xf32>
    %dot_general3A_20 = tpu.matmul %add3A, %get3A_18, %dot_general3A_19 {dimension_numbers = #tpu.dot_dimension_numbers<[1], [0], [0], [1], [0, 0, 1, 1], [], []>, transpose_lhs_hint = false} : vector<2000x128xf32>, vector<128x128xf32>, vector<2000x128xf32> -> vector<2000x128xf32>
    %add3A_21 = arith.addf %dot_general3A_15, %dot_general3A_20 : vector<2000x128xf32>
    %get3A_22 = arith.constant 0 : index
    %get3A_23 = arith.constant 0 : index
    %get3A_24 = vector.load %arg5[%get3A_22, %get3A_23] : memref<1x128xf32, #tpu.memory_space<vmem>>, vector<1x128xf32>
    %add3A_25 = vector.broadcast %get3A_24 : vector<1x128xf32> to vector<2000x128xf32>
    %add3A_26 = arith.addf %add3A_21, %add3A_25 : vector<2000x128xf32>
    %swap3A = arith.constant 0 : index
    %swap3A_27 = arith.constant 0 : index
    %swap3A_28 = vector.load %arg6[%swap3A, %swap3A_27] : memref<2000x128xf32, #tpu.memory_space<vmem>>, vector<2000x128xf32>
    tpu.vector_store %arg6[%swap3A, %swap3A_27], %add3A_26 {strides = array<i32>} : memref<2000x128xf32, #tpu.memory_space<vmem>>, vector<2000x128xf32>,
    return
  }
  func.func @transform_0(%arg0: i32) -> (i32, i32) {
    %c0_i32 = arith.constant 0 : i32
    %c0_i32_0 = arith.constant 0 : i32
    return %arg0, %c0_i32 : i32, i32
  }
  func.func @transform_1(%arg0: i32) -> (i32, i32, i32) {
    %c0_i32 = arith.constant 0 : i32
    %c0_i32_0 = arith.constant 0 : i32
    %c0_i32_1 = arith.constant 0 : i32
    return %c0_i32, %arg0, %c0_i32_0 : i32, i32, i32
  }
  func.func @transform_2(%arg0: i32) -> (i32, i32) {
    %c0_i32 = arith.constant 0 : i32
    %c0_i32_0 = arith.constant 0 : i32
    %c0_i32_1 = arith.constant 0 : i32
    return %c0_i32, %c0_i32_0 : i32, i32
  }
  func.func @transform_3(%arg0: i32) -> (i32, i32) {
    %c0_i32 = arith.constant 0 : i32
    %c0_i32_0 = arith.constant 0 : i32
    %c0_i32_1 = arith.constant 0 : i32
    return %c0_i32, %c0_i32_0 : i32, i32
  }
  func.func @transform_4(%arg0: i32) -> (i32, i32) {
    %c0_i32 = arith.constant 0 : i32
    %c0_i32_0 = arith.constant 0 : i32
    %c0_i32_1 = arith.constant 0 : i32
    return %c0_i32, %c0_i32_0 : i32, i32
  }
  func.func @transform_5(%arg0: i32) -> (i32, i32) {
    %c0_i32 = arith.constant 0 : i32
    %c0_i32_0 = arith.constant 0 : i32
    return %arg0, %c0_i32 : i32, i32
  }
}

</mosaic_0001>

<sc_bundles>
// kernel: kernel.6.cloned.1.call-start
scs
__scs_entry_jumppad:
0x0: {  	(pc) =	sbr.rel $0x88, $3  }
0x1: {  	(tag) =	ssettag $0x0;
	lr =	simm.s32 $0x1  }
0x2: {  	[smem:$0x3F99] =	sst lr;
	_ =	strace $0xD0000000  }
0x3: {  	_ = 	snop  }
0x4: {  	_ = 	snop  }
0x5: {  	_ = 	snop  }
0x6: {  	_ = 	snop  }
0x7: {  	_ = 	snop  }
__scs_overlays_trampoline_lowered:
0x8: {  	[smem:$0x3FA8] =	sst s0  }
0x9: {  	[smem:$0x3FA9] =	sst s1  }
0xa: {  	[smem:$0x3FAA] =	sst s2  }
0xb: {  	[smem:$0x3FAB] =	sst s3  }
0xc: {  	[smem:$0x3FAC] =	sst s4  }
0xd: {  	[smem:$0x3FAD] =	sst s5  }
0xe: {  	[smem:$0x3FAE] =	sst s6  }
0xf: {  	[smem:$0x3FAF] =	sst s7  }
0x10: {  	[smem:$0x3FB0] =	sst s8  }
0x11: {  	[smem:$0x3FB1] =	sst s9;
	s0 =	simm.s32 @!p0 $0x0  }
0x12: {  	s1 =	sld [smem:$0x3F97];
	s0 =	simm.s32 @p0 $0x1  }
0x13: {  	[smem:$0x3FB2] =	sst s0;
	s0 =	simm.s32 @!p1 $0x0  }
0x14: {  	s2 =	sld [smem:$0x3F96];
	s0 =	simm.s32 @p1 $0x1  }
0x15: {  	[smem:$0x3FB3] =	sst s0;
	s0 =	simm.s32 @!p2 $0x0  }
0x16: {  	s3 =	sld [smem:$0x3FDB];
	s0 =	simm.s32 @p2 $0x1  }
0x17: {  	s4 =	simm.s32 $0x1BF5;
	[smem:$0x3FB5] =	sst s0  }
0x18: {  	s0 =	sld [smem:$0x3F98];
	_ =	swait.ge [sflag:s4], $0x0  }
0x19: {  	s7 =	sld [smem:$0x3F99]  }
0x1a: {  	s8 =	sadd.s32 $0xFFFFE003, lr  }
0x1b: {  	s9 =	sadd.s32 $0xFFFFFEF7, lr;
	s5 =	simm.s32 $0xFFFFFFFF;
	p2 =	slt.u32 s8, $0xFFFFF086  }
0x1c: {  	p1 =	slt.u32 s9, $0xF7A;
	s5 =	simm.s32 @!p2 $0x0  }
0x1d: {  	s5 =	simm.s32 @p1 $0x1;
	p0 =	seq.s32 s7, s2  }
0x1e: {  	s7 =	smul.u32 @!p0 $0xF7A, s2;
	p2 =	seq.s32 @!p0 s5, $0x0  }
0x1f: {  	s9 =	smul.u32 $0xF7A, s1;
	s8 =	simm.s32 @!p0 $0x1BF5;
	p2 =	por !p2, p0  }
0x20: {  	[sflag:s8] =	ssyncset.s32 @!p0 $0xFFFFF086;
	s6 =	sadd.s32 @!p0 s3, s7;
	s7 =	simm.s32 @!p0 $0x108  }
0x21: {  	s3 =	sadd.s32 s3, s9;
	s6 =	sadd.s32 @!p0 $0x88, s6;
	s7 =	simm.s32 @p2 $0x1082  }
0x22: {  	[simem:s7], [sflag:s8] =	dma.local @!p0 [hbm:s6], $0xF7A  }
0x23: {  	s9 =	sor.u32 $0xD0000000, s2;
	s6 =	simm.s32 $0x108;
	_ =	swait.ge @!p0 [sflag:s8], $0x0  }
0x24: {  	s3 =	sadd.s32 $0x88, s3;
	s6 =	simm.s32 @!p1 $0x1082;
	[sflag:s4] =	ssyncset.s32 $0xFFFFF086  }
0x25: {  	[simem:s6], [sflag:s4] =	dma.local [hbm:s3], $0xF7A  }
0x26: {  	[smem:$0x3F99] =	sst s1;
	(tag) =	ssettag s2;
	_ =	strace s9  }
0x27: {  	s1 =	sld [smem:$0x3FA9]  }
0x28: {  	s2 =	sld [smem:$0x3FAA]  }
0x29: {  	s4 =	sld [smem:$0x3FAC]  }
0x2a: {  	p0 =	seq.s32 s5, $0x0;
	s5 =	sld [smem:$0x3FAD]  }
0x2b: {  	s6 =	sld [smem:$0x3FAE]  }
0x2c: {  	s7 =	sld [smem:$0x3FAF]  }
0x2d: {  	s3 =	simm.s32 $0x108;
	s8 =	sld [smem:$0x3FB0]  }
0x2e: {  	s3 =	simm.s32 @!p0 $0x1082;
	s9 =	sld [smem:$0x3FB1]  }
0x2f: {  	lr =	sadd.s32 s0, s3;
	s0 =	sld [smem:$0x3FA8]  }
0x30: {  	s3 =	sld [smem:$0x3FAB]  }
0x31: {  	[smem:$0x3FB4] =	sst s10  }
0x32: {  	s10 =	sld [smem:$0x3FB2];
	_ =	sdelay $0x3  }
0x33: {  	p0 =	seq.s32 s10, $0x1;
	s10 =	sld [smem:$0x3FB4];
	_ =	sdelay $0x3  }
0x34: {  	[smem:$0x3FB4] =	sst s10  }
0x35: {  	s10 =	sld [smem:$0x3FB3];
	_ =	sdelay $0x3  }
0x36: {  	p1 =	seq.s32 s10, $0x1;
	s10 =	sld [smem:$0x3FB4];
	_ =	sdelay $0x3  }
0x37: {  	[smem:$0x3FB4] =	sst s10  }
0x38: {  	s10 =	sld [smem:$0x3FB5]  }
0x39: {  	_ = 	snop;
	(pc) =	sbr.ind lr, $3  }
0x3a: {  	_ = 	snop  }
0x3b: {  	_ = 	snop  }
0x3c: {  	p2 =	seq.s32 s10, $0x1;
	s10 =	sld [smem:$0x3FB4]  }
0x3d: {  	_ =	shalt  }
0x3e: {  	_ =	shalt  }
0x3f: {  	_ =	shalt  }
0x40: {  	_ =	shalt  }
0x41: {  	_ =	shalt  }
0x42: {  	_ =	shalt  }
0x43: {  	_ =	shalt  }
0x44: {  	_ =	shalt  }
0x45: {  	_ =	shalt  }
0x46: {  	_ =	shalt  }
0x47: {  	_ =	shalt  }
0x48: {  	_ =	shalt  }
0x49: {  	_ =	shalt  }
0x4a: {  	_ =	shalt  }
0x4b: {  	_ =	shalt  }
0x4c: {  	_ =	shalt  }
0x4d: {  	_ =	shalt  }
0x4e: {  	_ =	shalt  }
0x4f: {  	_ =	shalt  }
0x50: {  	_ =	shalt  }
0x51: {  	_ =	shalt  }
0x52: {  	_ =	shalt  }
0x53: {  	_ =	shalt  }
0x54: {  	_ =	shalt  }
0x55: {  	_ =	shalt  }
0x56: {  	_ =	shalt  }
0x57: {  	_ =	shalt  }
0x58: {  	_ =	shalt  }
0x59: {  	_ =	shalt  }
0x5a: {  	_ =	shalt  }
0x5b: {  	_ =	shalt  }
0x5c: {  	_ =	shalt  }
0x5d: {  	_ =	shalt  }
0x5e: {  	_ =	shalt  }
0x5f: {  	_ =	shalt  }
0x60: {  	_ =	shalt  }
0x61: {  	_ =	shalt  }
0x62: {  	_ =	shalt  }
0x63: {  	_ =	shalt  }
0x64: {  	_ =	shalt  }
0x65: {  	_ =	shalt  }
0x66: {  	_ =	shalt  }
0x67: {  	_ =	shalt  }
0x68: {  	_ =	shalt  }
0x69: {  	_ =	shalt  }
0x6a: {  	_ =	shalt  }
0x6b: {  	_ =	shalt  }
0x6c: {  	_ =	shalt  }
0x6d: {  	_ =	shalt  }
0x6e: {  	_ =	shalt  }
0x6f: {  	_ =	shalt  }
0x70: {  	_ =	shalt  }
0x71: {  	_ =	shalt  }
0x72: {  	_ =	shalt  }
0x73: {  	_ =	shalt  }
0x74: {  	_ =	shalt  }
0x75: {  	_ =	shalt  }
0x76: {  	_ =	shalt  }
0x77: {  	_ =	shalt  }
0x78: {  	_ =	shalt  }
0x79: {  	_ =	shalt  }
0x7a: {  	_ =	shalt  }
0x7b: {  	_ =	shalt  }
0x7c: {  	_ =	shalt  }
0x7d: {  	_ =	shalt  }
0x7e: {  	_ =	shalt  }
0x7f: {  	_ =	shalt  }
0x80: {  	_ =	shalt  }
0x81: {  	_ =	shalt  }
0x82: {  	_ =	shalt  }
0x83: {  	_ =	shalt  }
0x84: {  	_ =	shalt  }
0x85: {  	_ =	shalt  }
0x86: {  	_ =	shalt  }
0x87: {  	_ =	shalt  }
.Lfunc_end0:
.L_simem_size_0:
called_computation_lowered:
.L_overlay_start_0:
0x88: {  	s2 =	sld [smem:$0x3FD9]  }
0x89: {  	s3 =	sld [smem:$0x3FFE];
	_ =	sdelay $0x1  }
0x8a: {  	s1 =	srdreg.scid  }
0x8b: {  	s0 =	sand.u32 $0x1, s1  }
0x8c: {  	s17 =	sshll.u32 s0, $0xA;
	s2 =	sadd.s32 s3, s2  }
0x8d: {  	s2 =	sadd.s32 s2, s17  }
0x8e: {  	[smem:$0x3FC0] =	sst s2  }
0x8f: {  	_ = 	snop  }
0x90: {  	s2 =	sld [smem:$0x3FC9]  }
0x91: {  	s18 =	sld [smem:$0x3FD0];
	(tm) =	ssettm $0x1  }
0x92: {  	s4 =	sld [smem:$0x3FFB];
	_ =	sdelay $0x3  }
0x93: {  	_ =	strace s4  }
0x94: {  	s4 =	sld [smem:$0x3FFC];
	_ =	sdelay $0x3  }
0x95: {  	_ =	strace s4  }
0x96: {  	s4 =	sld [smem:$0x3FFD];
	_ =	sdelay $0x3  }
0x97: {  	_ =	strace s4  }
0x98: {  	_ =	strace $0x8FFFFFFF  }
0x99: {  	s19 =	sld [smem:$0x3FDB];
	_ =	sdelay $0x1  }
0x9a: {  	s5 =	simm.s32 $_scs_section_size  }
0x9b: {  	s6 =	simm.s32 $_size__tile_overlayer_lowered;
	s7 =	simm.s32 $_tile_overlayer_lowered  }
0x9c: {  	s22 =	simm.s32 $0x1BFF;
	s21 =	sshll.u32 s7, $0x1;
	s4 =	sadd.s32 s5, s19  }
0x9d: {  	s8 =	simm.s32 $0x0;
	s20 =	sshll.u32 s6, $0x1;
	s6 =	sadd.s32 s21, s4  }
0x9e: {  	[timem:s8], [sflag:s22] =	dma.local [hbm:s6], s20  }
0x9f: {  	_ =	swait.ge [sflag:s22], s20  }
0xa0: {  	s5 =	ssub.s32 $0x0, s20;
	[sflag:s22] =	ssyncset.done $0x0  }
0xa1: {  	[sflag:s22] =	ssyncadd.s32 s5;
	_ =	sdelay $0x1  }
0xa2: {  	s23 =	simm.s32 $0x1B8B  }
0xa3: {  	_ =	swait.ge [sflag:s23], $0x1  }
0xa4: {  	[sflag:s23] =	ssyncset.done $0x0  }
0xa5: {  	s25 =	simm.s32 $0x1B8E;
	s24 =	sld [smem:$0x3FFE];
	[sflag:s23] =	ssyncadd.s32 $0xFFFFFFFF  }
0xa6: {  	s26 =	simm.s32 $execute0_lowered;
	[smem:$0x3FD2] =	sst s25  }
0xa7: {  	s6 =	sshll.u32 s26, $0x1;
	_ =	strace $0x80000046;
	[dreg:$0x1] =	wrdreg $0xFFFFFFFF  }
0xa8: {  	s28 =	simm.s32 $_size_execute0_lowered;
	s4 =	sadd.s32 s4, s6;
	[dreg:$0x0] =	wrdreg $0x0  }
0xa9: {  	s6 =	sshll.u32 s28, $0x1;
	[dreg:$0x2] =	wrdreg s4  }
0xaa: {  	[dreg:$0x3] =	wrdreg s6  }
0xab: {  	[dreg:$0x4] =	wrdreg $0xC0  }
0xac: {  	_ =	task [dreg:s8], $0x5FFFF  }
0xad: {  	[dreg:$0x1] =	wrdreg $0xFFFFFFFF  }
0xae: {  	[dreg:$0x0] =	wrdreg $0x60  }
0xaf: {  	[dreg:$0x2] =	wrdreg s2  }
0xb0: {  	[dreg:$0x3] =	wrdreg s24  }
0xb1: {  	[dreg:$0x4] =	wrdreg s18  }
0xb2: {  	[dreg:$0x5] =	wrdreg $0xB0000  }
0xb3: {  	[dreg:$0x6] =	wrdreg $0x9  }
0xb4: {  	_ =	task.clear_ibuf [dreg:s8], $0x7FFFF;
	_ =	strace $0x90000046  }
0xb5: {  	s29 =	simm.s32 $0x9;
	_ =	strace $0x80000048  }
0xb6: {  	_ =	swait.ge [sflag:s29], $0x1  }
0xb7: {  	[sflag:s29] =	ssyncadd.s32 $0xFFFFFFFF  }
0xb8: {  	_ =	strace $0x90000048  }
0xb9: {  	_ =	sfence  }
0xba: {  	s30 =	sld [smem:$0x0];
	_ =	sdelay $0x2  }
0xbb: {  	s31 =	sshll.u32 s1, $0xD;
	s1 =	sshrl.u32 s1, $0x2  }
0xbc: {  	s3 =	sand.u32 $0x4000, s31;
	s1 =	sadd.s32 s1, s30  }
0xbd: {  	s0 =	sor.u32 s3, s0;
	s1 =	sshll.u32 s1, $0x11  }
0xbe: {  	s0 =	sor.u32 s1, s0  }
0xbf: {  	s0 =	sadd.s32 $0x8F2B, s0  }
0xc0: {  	[sflag:s0] =	ssyncadd.remote.s32 $0x1  }
0xc1: {  	_ =	sfence.sel $0xFFFF  }
0xc2: {  	[dreg:$0x0] =	wrdreg $0xFFFFFFFF;
	(pc) =	sbr.abs _section_cstart, $3  }
0xc3: {  	[dreg:$0x1] =	wrdreg $0xFFFFFFFF  }
0xc4: {  	_ =	task.clear_ibuf [dreg:s8], $0x2FFFF;
	_ =	strace $0x9FFFFFFF  }
0xc5: {  	(tm) =	ssettm $0x7FFFFFFF  }
tec
execute0_lowered:
.L_overlay_start_1:
0x0: {  	(tag) =	ssettag $0x1  }
0x1: {  	s1 =	rddreg [dreg:$0x0]  }
0x2: {  	s0 =	rddreg [dreg:$0x1]  }
0x3: {  	s4 =	rddreg [dreg:$0x2]  }
0x4: {  	s2 =	rddreg [dreg:$0x3];
	s3 =	simm.s32 $0x0  }
0x5: {  	s5 =	srdreg.scid;
	s16 =	stileid.u32;
	s18 =	simm.s32 $0x1800  }
0x6: {  	s19 =	simm.s32 $0x7D;
	s28 =	simm.s32 $0x1880;
	s29 =	simm.s32 $0x4  }
0x7: {  	s30 =	simm.s32 $0x1380;
	s31 =	simm.s32 $0x2B00;
	[smem:$0x7FF] =	sst s3  }
0x8: {  	s7 =	sadd.s32 $0xBC00, s0;
	s5 =	sand.u32 $0x1, s5;
	s8 =	smul.u32 $0x4E000, s16  }
0x9: {  	s11 =	sadd.s32 $0x1C00, s0;
	s10 =	sshll.u32 s16, $0x1;
	s12 =	smul.u32 $0x13800, s16  }
0xa: {  	s0 =	sadd.s32 $0x15C00, s0;
	s23 =	sshll.u32 s16, $0x6;
	s17 =	sadd.s32 $0x138000, s2  }
0xb: {  	p0 =	sne.s32 s16, $0xF;
	s16 =	simm.s32 $0x5;
	_ =	strace $0x80000047  }
0xc: {  	s6 =	ssub.s32 $0x2, s5;
	s20 =	sor.u32 s5, s10;
	s5 =	smul.u32 $0x138800, s5  }
0xd: {  	s17 =	sshrl.u32 @!p0 s17, $0x3;
	s9 =	sshrl.u32 s6, $0x1;
	s8 =	sshrl.u32 s8, $0x2  }
0xe: {  	s21 =	sshrl.u32 s12, $0x3;
	s10 =	smul.u32 $0x2800, s20;
	s20 =	simm.s32 $0x3000  }
0xf: {  	s14 =	ssub.s32 s6, s9;
	s15 =	sadd.s32 s8, s2;
	s22 =	sadd.s32 s4, s21  }
0x10: {  	s6 =	sor.u32 $0x1C05, s23;
	s4 =	sadd.s32 $0x27000, s4;
	s12 =	sadd.s32 s12, s5  }
0x11: {  	s5 =	sshrl.u32 s5, $0x3;
	s21 =	simm.s32 $0x80;
	[dreg:$0x5] =	wrdreg s22  }
0x12: {  	s23 =	simm.s32 $0x1;
	s10 =	sshrl.u32 s10, $0x3;
	[dreg:$0x6] =	wrdreg s4  }
0x13: {  	s26 =	sshrl.u32 s12, $0x3;
	s14 =	smax.u32 s14, $0x1;
	s15 =	sshrl.u32 s15, $0x3  }
0x14: {  	s22 =	simm.s32 $0x7000;
	s4 =	simm.s32 $0x0;
	s24 =	sadd.s32 s7, s10  }
0x15: {  	s9 =	sadd.s32 s11, s10;
	s25 =	sadd.s32 $0x280, s10;
	s12 =	sadd.s32 s0, s26  }
0x16: {  	s0 =	sadd.s32 s0, s5;
	s26 =	simm.s32 $0x2;
	[dreg:$0x7] =	wrdreg s24  }
0x17: {  	s10 =	sadd.s32 s7, s25;
	s11 =	sadd.s32 s11, s25;
	s13 =	sadd.s32 $0x27000, s0  }
0x18: {  	s24 =	simm.s32 $0x3;
	s25 =	simm.s32 $0x100;
	s0 =	simm.s32 $0x2B80  }
.LBB2_1:
0x19: {  	s5 =	rddreg [dreg:$0x5]  }
0x1a: {  	[spmem:s15], [sflag:s6] =	dma.local [hbm:s5], $0x2700  }
0x1b: {  	_ =	swait.ge [sflag:s16], $0x2700  }
0x1c: {  	[sflag:s16] =	ssyncset.done $0x0  }
0x1d: {  	s5 =	rddreg [dreg:$0x6];
	[sflag:s16] =	ssyncadd.s32 $0xFFFFD900  }
0x1e: {  	[spmem:s17], [sflag:s6] =	dma.local @!p0 [hbm:s5], $0x100  }
0x1f: {  	s5 =	simm.s32 @!p0 $0x5  }
0x20: {  	_ =	swait.ge @!p0 [sflag:s5], $0x100  }
0x21: {  	[sflag:s5] =	ssyncset.done @!p0 $0x0  }
0x22: {  	[sflag:s5] =	ssyncadd.s32 @!p0 $0xFFFFFF00  }
0x23: {  	[bflag:$0x0] =	sbarrier.arrive $0xFFFF  }
0x24: {  	s7 =	rddreg [dreg:$0x7]  }
0x25: {  	[tilespmem:s3], [sflag:$0x5] =	stream.linear.gather [hbm4b:s7+s3], $0x1400, $0x38;
	[tilespmem:$0x1E880] =	vst v63  }
0x26: {  	_ =	swait.ge [sflag:s16], $0x1400  }
0x27: {  	[sflag:s16] =	ssyncset.done $0x0  }
0x28: {  	[sflag:s16] =	ssyncadd.s32 $0xFFFFEC00  }
0x29: {  	[tilespmem:s18], [sflag:$0x5] =	stream.linear.gather [hbm4b:s9+s3], $0x1400, $0x38;
	[tilespmem:$0x1E880] =	vst v63  }
0x2a: {  	_ =	swait.ge [sflag:s16], $0x1400  }
0x2b: {  	[sflag:s16] =	ssyncset.done $0x0  }
0x2c: {  	[sflag:s16] =	ssyncadd.s32 $0xFFFFEC00  }
0x2d: {  	[tilespmem:s20], [sflag:$0x1] =	stream.indirect.gather [hbm4b:s1+s19], $0x80, s3, s19, $0xb8;
	[tilespmem:$0x1E880] =	vst v63  }
0x2e: {  	_ = 	snop  }
0x2f: {  	[tilespmem:s22], [sflag:$0x2] =	stream.indirect.gather [hbm4b:s1+s19], $0x80, s21, s19, $0xb8;
	[tilespmem:$0x1E880] =	vst v63  }
0x30: {  	_ =	swait.ge [sflag:s23], $0x3E80  }
0x31: {  	[sflag:s23] =	ssyncset.done $0x0  }
0x32: {  	[sflag:s23] =	ssyncadd.s32 $0xFFFFC180  }
0x33: {  	[spmem:s2] =	stream.indirect.scatter.add.f32 [tilespmem:s20], [sflag:$0x3], $0x80, s18, s19, $0xb8;
	[tilespmem:$0x1E880] =	vst v63  }
0x34: {  	_ =	swait.ge [sflag:s24], $0x3E80  }
0x35: {  	[sflag:s24] =	ssyncset.done $0x0  }
0x36: {  	[sflag:s24] =	ssyncadd.s32 $0xFFFFC180  }
0x37: {  	[tilespmem:s20], [sflag:$0x1] =	stream.indirect.gather [hbm4b:s1+s19], $0x80, s25, s19, $0xb8;
	[tilespmem:$0x1E880] =	vst v63  }
0x38: {  	_ =	swait.ge [sflag:s26], $0x3E80  }
0x39: {  	[sflag:s26] =	ssyncset.done $0x0  }
0x3a: {  	[sflag:s26] =	ssyncadd.s32 $0xFFFFC180  }
0x3b: {  	[spmem:s2] =	stream.indirect.scatter.add.f32 [tilespmem:s22], [sflag:$0x4], $0x80, s28, s19, $0xb8;
	[tilespmem:$0x1E880] =	vst v63  }
0x3c: {  	_ =	swait.ge [sflag:s29], $0x3E80  }
0x3d: {  	[sflag:s29] =	ssyncset.done $0x0  }
0x3e: {  	s8 =	simm.s32 $0x180;
	[sflag:s29] =	ssyncadd.s32 $0xFFFFC180  }
0x3f: {  	[tilespmem:s22], [sflag:$0x2] =	stream.indirect.gather [hbm4b:s1+s19], $0x80, s8, s19, $0xb8;
	[tilespmem:$0x1E880] =	vst v63  }
0x40: {  	_ =	swait.ge [sflag:s23], $0x3E80  }
0x41: {  	[sflag:s23] =	ssyncset.done $0x0  }
0x42: {  	s7 =	simm.s32 $0x1900;
	[sflag:s23] =	ssyncadd.s32 $0xFFFFC180  }
0x43: {  	[spmem:s2] =	stream.indirect.scatter.add.f32 [tilespmem:s20], [sflag:$0x3], $0x80, s7, s19, $0xb8;
	[tilespmem:$0x1E880] =	vst v63  }
0x44: {  	_ =	swait.ge [sflag:s24], $0x3E80  }
0x45: {  	[sflag:s24] =	ssyncset.done $0x0  }
0x46: {  	s8 =	simm.s32 $0x200;
	[sflag:s24] =	ssyncadd.s32 $0xFFFFC180  }
0x47: {  	[tilespmem:s20], [sflag:$0x1] =	stream.indirect.gather [hbm4b:s1+s19], $0x80, s8, s19, $0xb8;
	[tilespmem:$0x1E880] =	vst v63  }
0x48: {  	_ =	swait.ge [sflag:s26], $0x3E80  }
0x49: {  	[sflag:s26] =	ssyncset.done $0x0  }
0x4a: {  	s5 =	simm.s32 $0xFFFFBC00;
	s7 =	simm.s32 $0x1980;
	[sflag:s26] =	ssyncadd.s32 $0xFFFFC180  }
.LBB2_2:
0x4b: {  	[spmem:s2] =	stream.indirect.scatter.add.f32 [tilespmem:s22], [sflag:$0x4], $0x80, s7, s19, $0xb8;
	[tilespmem:$0x1E880] =	vst v63  }
0x4c: {  	s7 =	smov.u32 s5  }
0x4d: {  	p1 =	sne.s32 s5, $0xFFFFFC00;
	s5 =	sadd.s32 $0x400, s5;
	_ =	swait.ge [sflag:s29], $0x3E80  }
0x4e: {  	s7 =	sshra.s32 s7, $0x2;
	[sflag:s29] =	ssyncset.done $0x0  }
0x4f: {  	s8 =	sadd.s32 $0x1380, s7;
	[sflag:s29] =	ssyncadd.s32 $0xFFFFC180  }
0x50: {  	[tilespmem:s22], [sflag:$0x2] =	stream.indirect.gather [hbm4b:s1+s19], $0x80, s8, s19, $0xb8;
	[tilespmem:$0x1E880] =	vst v63  }
0x51: {  	_ =	swait.ge [sflag:s23], $0x3E80  }
0x52: {  	[sflag:s23] =	ssyncset.done $0x0  }
0x53: {  	s8 =	sadd.s32 $0x2B00, s7;
	[sflag:s23] =	ssyncadd.s32 $0xFFFFC180  }
0x54: {  	[spmem:s2] =	stream.indirect.scatter.add.f32 [tilespmem:s20], [sflag:$0x3], $0x80, s8, s19, $0xb8;
	[tilespmem:$0x1E880] =	vst v63  }
0x55: {  	_ =	swait.ge [sflag:s24], $0x3E80  }
0x56: {  	[sflag:s24] =	ssyncset.done $0x0  }
.Ltmp0:
0x57: {  	s8 =	sadd.s32 $0x1400, s7;
	[sflag:s24] =	ssyncadd.s32 $0xFFFFC180;
	(pc) =	sbr.rel @p1 .LBB2_2-.Ltmp0, $4  }
0x58: {  	[tilespmem:s20], [sflag:$0x1] =	stream.indirect.gather [hbm4b:s1+s19], $0x80, s8, s19, $0xb8;
	[tilespmem:$0x1E880] =	vst v63  }
0x59: {  	_ =	swait.ge [sflag:s26], $0x3E80  }
0x5a: {  	[sflag:s26] =	ssyncset.done $0x0  }
0x5b: {  	s7 =	sadd.s32 $0x2B80, s7;
	[sflag:s26] =	ssyncadd.s32 $0xFFFFC180  }
0x5c: {  	[spmem:s2] =	stream.indirect.scatter.add.f32 [tilespmem:s22], [sflag:$0x4], $0x80, s7, s19, $0xb8;
	[tilespmem:$0x1E880] =	vst v63  }
0x5d: {  	_ =	swait.ge [sflag:s29], $0x3E80  }
0x5e: {  	[sflag:s29] =	ssyncset.done $0x0  }
0x5f: {  	[sflag:s29] =	ssyncadd.s32 $0xFFFFC180  }
0x60: {  	[tilespmem:s22], [sflag:$0x2] =	stream.indirect.gather [hbm4b:s1+s19], $0x80, s30, s19, $0xb8;
	[tilespmem:$0x1E880] =	vst v63  }
0x61: {  	_ =	swait.ge [sflag:s23], $0x3E80  }
0x62: {  	[sflag:s23] =	ssyncset.done $0x0  }
0x63: {  	[sflag:s23] =	ssyncadd.s32 $0xFFFFC180  }
0x64: {  	[spmem:s2] =	stream.indirect.scatter.add.f32 [tilespmem:s20], [sflag:$0x3], $0x80, s31, s19, $0xb8;
	[tilespmem:$0x1E880] =	vst v63  }
0x65: {  	_ =	swait.ge [sflag:s26], $0x3E80  }
0x66: {  	[sflag:s26] =	ssyncset.done $0x0  }
0x67: {  	[sflag:s26] =	ssyncadd.s32 $0xFFFFC180  }
0x68: {  	[spmem:s2] =	stream.indirect.scatter.add.f32 [tilespmem:s22], [sflag:$0x4], $0x80, s0, s19, $0xb8;
	[tilespmem:$0x1E880] =	vst v63  }
0x69: {  	_ =	swait.ge [sflag:s24], $0x3E80  }
0x6a: {  	[sflag:s24] =	ssyncset.done $0x0  }
0x6b: {  	[sflag:s24] =	ssyncadd.s32 $0xFFFFC180  }
0x6c: {  	_ =	swait.ge [sflag:s29], $0x3E80  }
0x6d: {  	[sflag:s29] =	ssyncset.done $0x0  }
0x6e: {  	[sflag:s29] =	ssyncadd.s32 $0xFFFFC180  }
0x6f: {  	[tilespmem:s3], [sflag:$0x5] =	stream.linear.gather [hbm4b:s10+s3], $0x1400, $0x38;
	[tilespmem:$0x1E880] =	vst v63  }
0x70: {  	_ =	swait.ge [sflag:s16], $0x1400  }
0x71: {  	[sflag:s16] =	ssyncset.done $0x0  }
0x72: {  	[sflag:s16] =	ssyncadd.s32 $0xFFFFEC00  }
0x73: {  	[tilespmem:s18], [sflag:$0x5] =	stream.linear.gather [hbm4b:s11+s3], $0x1400, $0x38;
	[tilespmem:$0x1E880] =	vst v63  }
0x74: {  	_ =	swait.ge [sflag:s16], $0x1400  }
0x75: {  	[sflag:s16] =	ssyncset.done $0x0  }
0x76: {  	[sflag:s16] =	ssyncadd.s32 $0xFFFFEC00  }
0x77: {  	[tilespmem:s20], [sflag:$0x1] =	stream.indirect.gather [hbm4b:s1+s19], $0x80, s3, s19, $0xb8;
	[tilespmem:$0x1E880] =	vst v63  }
0x78: {  	_ = 	snop  }
0x79: {  	[tilespmem:s22], [sflag:$0x2] =	stream.indirect.gather [hbm4b:s1+s19], $0x80, s21, s19, $0xb8;
	[tilespmem:$0x1E880] =	vst v63  }
0x7a: {  	_ =	swait.ge [sflag:s23], $0x3E80  }
0x7b: {  	[sflag:s23] =	ssyncset.done $0x0  }
0x7c: {  	[sflag:s23] =	ssyncadd.s32 $0xFFFFC180  }
0x7d: {  	[spmem:s2] =	stream.indirect.scatter.add.f32 [tilespmem:s20], [sflag:$0x3], $0x80, s18, s19, $0xb8;
	[tilespmem:$0x1E880] =	vst v63  }
0x7e: {  	_ =	swait.ge [sflag:s24], $0x3E80  }
0x7f: {  	[sflag:s24] =	ssyncset.done $0x0  }
0x80: {  	[sflag:s24] =	ssyncadd.s32 $0xFFFFC180  }
0x81: {  	[tilespmem:s20], [sflag:$0x1] =	stream.indirect.gather [hbm4b:s1+s19], $0x80, s25, s19, $0xb8;
	[tilespmem:$0x1E880] =	vst v63  }
0x82: {  	_ =	swait.ge [sflag:s26], $0x3E80  }
0x83: {  	[sflag:s26] =	ssyncset.done $0x0  }
0x84: {  	[sflag:s26] =	ssyncadd.s32 $0xFFFFC180  }
0x85: {  	[spmem:s2] =	stream.indirect.scatter.add.f32 [tilespmem:s22], [sflag:$0x4], $0x80, s28, s19, $0xb8;
	[tilespmem:$0x1E880] =	vst v63  }
0x86: {  	_ =	swait.ge [sflag:s29], $0x3E80  }
0x87: {  	[sflag:s29] =	ssyncset.done $0x0  }
0x88: {  	s5 =	simm.s32 $0x180;
	[sflag:s29] =	ssyncadd.s32 $0xFFFFC180  }
0x89: {  	[tilespmem:s22], [sflag:$0x2] =	stream.indirect.gather [hbm4b:s1+s19], $0x80, s5, s19, $0xb8;
	[tilespmem:$0x1E880] =	vst v63  }
0x8a: {  	_ =	swait.ge [sflag:s23], $0x3E80  }
0x8b: {  	[sflag:s23] =	ssyncset.done $0x0  }
0x8c: {  	s7 =	simm.s32 $0x1900;
	[sflag:s23] =	ssyncadd.s32 $0xFFFFC180  }
0x8d: {  	[spmem:s2] =	stream.indirect.scatter.add.f32 [tilespmem:s20], [sflag:$0x3], $0x80, s7, s19, $0xb8;
	[tilespmem:$0x1E880] =	vst v63  }
0x8e: {  	_ =	swait.ge [sflag:s24], $0x3E80  }
0x8f: {  	[sflag:s24] =	ssyncset.done $0x0  }
0x90: {  	s8 =	simm.s32 $0x200;
	[sflag:s24] =	ssyncadd.s32 $0xFFFFC180  }
0x91: {  	[tilespmem:s20], [sflag:$0x1] =	stream.indirect.gather [hbm4b:s1+s19], $0x80, s8, s19, $0xb8;
	[tilespmem:$0x1E880] =	vst v63  }
0x92: {  	_ =	swait.ge [sflag:s26], $0x3E80  }
0x93: {  	[sflag:s26] =	ssyncset.done $0x0  }
0x94: {  	s5 =	simm.s32 $0xFFFFBC00;
	s7 =	simm.s32 $0x1980;
	[sflag:s26] =	ssyncadd.s32 $0xFFFFC180  }
.LBB2_4:
0x95: {  	[spmem:s2] =	stream.indirect.scatter.add.f32 [tilespmem:s22], [sflag:$0x4], $0x80, s7, s19, $0xb8;
	[tilespmem:$0x1E880] =	vst v63  }
0x96: {  	s7 =	smov.u32 s5  }
0x97: {  	p1 =	sne.s32 s5, $0xFFFFFC00;
	s5 =	sadd.s32 $0x400, s5;
	_ =	swait.ge [sflag:s29], $0x3E80  }
0x98: {  	s7 =	sshra.s32 s7, $0x2;
	[sflag:s29] =	ssyncset.done $0x0  }
0x99: {  	s8 =	sadd.s32 $0x1380, s7;
	[sflag:s29] =	ssyncadd.s32 $0xFFFFC180  }
0x9a: {  	[tilespmem:s22], [sflag:$0x2] =	stream.indirect.gather [hbm4b:s1+s19], $0x80, s8, s19, $0xb8;
	[tilespmem:$0x1E880] =	vst v63  }
0x9b: {  	_ =	swait.ge [sflag:s23], $0x3E80  }
0x9c: {  	[sflag:s23] =	ssyncset.done $0x0  }
0x9d: {  	s8 =	sadd.s32 $0x2B00, s7;
	[sflag:s23] =	ssyncadd.s32 $0xFFFFC180  }
0x9e: {  	[spmem:s2] =	stream.indirect.scatter.add.f32 [tilespmem:s20], [sflag:$0x3], $0x80, s8, s19, $0xb8;
	[tilespmem:$0x1E880] =	vst v63  }
0x9f: {  	_ =	swait.ge [sflag:s24], $0x3E80  }
0xa0: {  	[sflag:s24] =	ssyncset.done $0x0  }
.Ltmp1:
0xa1: {  	s8 =	sadd.s32 $0x1400, s7;
	[sflag:s24] =	ssyncadd.s32 $0xFFFFC180;
	(pc) =	sbr.rel @p1 .LBB2_4-.Ltmp1, $4  }
0xa2: {  	[tilespmem:s20], [sflag:$0x1] =	stream.indirect.gather [hbm4b:s1+s19], $0x80, s8, s19, $0xb8;
	[tilespmem:$0x1E880] =	vst v63  }
0xa3: {  	_ =	swait.ge [sflag:s26], $0x3E80  }
0xa4: {  	[sflag:s26] =	ssyncset.done $0x0  }
0xa5: {  	s7 =	sadd.s32 $0x2B80, s7;
	[sflag:s26] =	ssyncadd.s32 $0xFFFFC180  }
0xa6: {  	[spmem:s2] =	stream.indirect.scatter.add.f32 [tilespmem:s22], [sflag:$0x4], $0x80, s7, s19, $0xb8;
	[tilespmem:$0x1E880] =	vst v63  }
0xa7: {  	_ =	swait.ge [sflag:s29], $0x3E80  }
0xa8: {  	[sflag:s29] =	ssyncset.done $0x0  }
0xa9: {  	[sflag:s29] =	ssyncadd.s32 $0xFFFFC180  }
0xaa: {  	[tilespmem:s22], [sflag:$0x2] =	stream.indirect.gather [hbm4b:s1+s19], $0x80, s30, s19, $0xb8;
	[tilespmem:$0x1E880] =	vst v63  }
0xab: {  	_ =	swait.ge [sflag:s23], $0x3E80  }
0xac: {  	[sflag:s23] =	ssyncset.done $0x0  }
0xad: {  	[sflag:s23] =	ssyncadd.s32 $0xFFFFC180  }
0xae: {  	[spmem:s2] =	stream.indirect.scatter.add.f32 [tilespmem:s20], [sflag:$0x3], $0x80, s31, s19, $0xb8;
	[tilespmem:$0x1E880] =	vst v63  }
0xaf: {  	_ =	swait.ge [sflag:s26], $0x3E80  }
0xb0: {  	[sflag:s26] =	ssyncset.done $0x0  }
0xb1: {  	[sflag:s26] =	ssyncadd.s32 $0xFFFFC180  }
0xb2: {  	[spmem:s2] =	stream.indirect.scatter.add.f32 [tilespmem:s22], [sflag:$0x4], $0x80, s0, s19, $0xb8;
	[tilespmem:$0x1E880] =	vst v63  }
0xb3: {  	_ =	swait.ge [sflag:s24], $0x3E80  }
0xb4: {  	[sflag:s24] =	ssyncset.done $0x0  }
0xb5: {  	[sflag:s24] =	ssyncadd.s32 $0xFFFFC180  }
0xb6: {  	_ =	swait.ge [sflag:s29], $0x3E80  }
0xb7: {  	[sflag:s29] =	ssyncset.done $0x0  }
0xb8: {  	[sflag:s29] =	ssyncadd.s32 $0xFFFFC180  }
0xb9: {  	[bflag:$0x0] =	sbarrier.arrive $0xFFFF  }
0xba: {  	[hbm:s12], [sflag:s6] =	dma.local [spmem:s15], $0x2700  }
0xbb: {  	s4 =	sadd.s32 $0x1, s4;
	_ =	swait.ge [sflag:s16], $0x2700  }
0xbc: {  	p1 =	sne.s32 s4, s14;
	[sflag:s16] =	ssyncset.done $0x0  }
.Ltmp2:
0xbd: {  	s5 =	simm.s32 @!p0 $0x5;
	[sflag:s16] =	ssyncadd.s32 $0xFFFFD900;
	(pc) =	sbr.rel @p1 .LBB2_1-.Ltmp2, $4  }
0xbe: {  	[hbm:s13], [sflag:s6] =	dma.local @!p0 [spmem:s17], $0x100  }
0xbf: {  	_ =	swait.ge @!p0 [sflag:s5], $0x100  }
0xc0: {  	[sflag:s5] =	ssyncset.done @!p0 $0x0  }
0xc1: {  	[sflag:s5] =	ssyncadd.s32 @!p0 $0xFFFFFF00  }
0xc2: {  	_ =	sfence.sel $0x180000  }
0xc3: {  	[bflag:$0x0] =	sbarrier.arrive $0xFFFF  }
0xc4: {  	_ =	strace $0x90000047  }
0xc5: {  	s0 =	stileid.u32;
	[bflag:$0x2] =	sbarrier.arrive $0xFFFF  }
0xc6: {  	p0 =	sne.s32 s0, $0x0;
	s0 =	rddreg [dreg:$0x4]  }
0xc7: {  	s0 =	sadd.s32 @!p0 $0x100000, s0  }
0xc8: {  	[sflag:s0] =	ssyncadd.tile.s32 @!p0 $0x1;
	_ =	shalt  }
.Lfunc_end2:
_tile_overlayer_lowered:
.L_overlay_start_2:
0xc9: {  	(tag) =	ssettag $0x2  }
0xca: {  	s0 =	rddreg [dreg:$0x0];
	s2 =	stileid.u32  }
0xcb: {  	s1 =	rddreg [dreg:$0x1];
	p0 =	sne.s32 s2, $0x0  }
0xcc: {  	s3 =	rddreg [dreg:$0x2];
	[bflag:$0x3] =	sbarrier.arrive $0xFFFF;
	s2 =	simm.s32 @!p0 $0x1C05  }
0xcd: {  	[timem:s3], [sflag:s2] =	dma.local @!p0 [hbm:s0], s1  }
0xce: {  	s0 =	simm.s32 @!p0 $0x5  }
0xcf: {  	_ =	swait.ge @!p0 [sflag:s0], s1  }
0xd0: {  	s1 =	ssub.s32 @!p0 $0x0, s1;
	[sflag:s0] =	ssyncset.done @!p0 $0x0  }
0xd1: {  	[sflag:s0] =	ssyncadd.s32 @!p0 s1  }
0xd2: {  	[bflag:$0x3] =	sbarrier.arrive $0xFFFF  }
0xd3: {  	_ =	shalt  }

// kernel: kernel.9.cloned.1.call-start
scs
__scs_entry_jumppad:
0x0: {  	(pc) =	sbr.rel $0x88, $3  }
0x1: {  	(tag) =	ssettag $0x0;
	lr =	simm.s32 $0x1  }
0x2: {  	[smem:$0x3F99] =	sst lr;
	_ =	strace $0xD0000000  }
0x3: {  	_ = 	snop  }
0x4: {  	_ = 	snop  }
0x5: {  	_ = 	snop  }
0x6: {  	_ = 	snop  }
0x7: {  	_ = 	snop  }
__scs_overlays_trampoline_lowered:
0x8: {  	[smem:$0x3FA8] =	sst s0  }
0x9: {  	[smem:$0x3FA9] =	sst s1  }
0xa: {  	[smem:$0x3FAA] =	sst s2  }
0xb: {  	[smem:$0x3FAB] =	sst s3  }
0xc: {  	[smem:$0x3FAC] =	sst s4  }
0xd: {  	[smem:$0x3FAD] =	sst s5  }
0xe: {  	[smem:$0x3FAE] =	sst s6  }
0xf: {  	[smem:$0x3FAF] =	sst s7  }
0x10: {  	[smem:$0x3FB0] =	sst s8  }
0x11: {  	[smem:$0x3FB1] =	sst s9;
	s0 =	simm.s32 @!p0 $0x0  }
0x12: {  	s1 =	sld [smem:$0x3F97];
	s0 =	simm.s32 @p0 $0x1  }
0x13: {  	[smem:$0x3FB2] =	sst s0;
	s0 =	simm.s32 @!p1 $0x0  }
0x14: {  	s2 =	sld [smem:$0x3F96];
	s0 =	simm.s32 @p1 $0x1  }
0x15: {  	[smem:$0x3FB3] =	sst s0;
	s0 =	simm.s32 @!p2 $0x0  }
0x16: {  	s3 =	sld [smem:$0x3FDB];
	s0 =	simm.s32 @p2 $0x1  }
0x17: {  	s4 =	simm.s32 $0x1BF5;
	[smem:$0x3FB5] =	sst s0  }
0x18: {  	s0 =	sld [smem:$0x3F98];
	_ =	swait.ge [sflag:s4], $0x0  }
0x19: {  	s7 =	sld [smem:$0x3F99]  }
0x1a: {  	s8 =	sadd.s32 $0xFFFFE003, lr  }
0x1b: {  	s9 =	sadd.s32 $0xFFFFFEF7, lr;
	s5 =	simm.s32 $0xFFFFFFFF;
	p2 =	slt.u32 s8, $0xFFFFF086  }
0x1c: {  	p1 =	slt.u32 s9, $0xF7A;
	s5 =	simm.s32 @!p2 $0x0  }
0x1d: {  	s5 =	simm.s32 @p1 $0x1;
	p0 =	seq.s32 s7, s2  }
0x1e: {  	s7 =	smul.u32 @!p0 $0xF7A, s2;
	p2 =	seq.s32 @!p0 s5, $0x0  }
0x1f: {  	s9 =	smul.u32 $0xF7A, s1;
	s8 =	simm.s32 @!p0 $0x1BF5;
	p2 =	por !p2, p0  }
0x20: {  	[sflag:s8] =	ssyncset.s32 @!p0 $0xFFFFF086;
	s6 =	sadd.s32 @!p0 s3, s7;
	s7 =	simm.s32 @!p0 $0x108  }
0x21: {  	s3 =	sadd.s32 s3, s9;
	s6 =	sadd.s32 @!p0 $0x88, s6;
	s7 =	simm.s32 @p2 $0x1082  }
0x22: {  	[simem:s7], [sflag:s8] =	dma.local @!p0 [hbm:s6], $0xF7A  }
0x23: {  	s9 =	sor.u32 $0xD0000000, s2;
	s6 =	simm.s32 $0x108;
	_ =	swait.ge @!p0 [sflag:s8], $0x0  }
0x24: {  	s3 =	sadd.s32 $0x88, s3;
	s6 =	simm.s32 @!p1 $0x1082;
	[sflag:s4] =	ssyncset.s32 $0xFFFFF086  }
0x25: {  	[simem:s6], [sflag:s4] =	dma.local [hbm:s3], $0xF7A  }
0x26: {  	[smem:$0x3F99] =	sst s1;
	(tag) =	ssettag s2;
	_ =	strace s9  }
0x27: {  	s1 =	sld [smem:$0x3FA9]  }
0x28: {  	s2 =	sld [smem:$0x3FAA]  }
0x29: {  	s4 =	sld [smem:$0x3FAC]  }
0x2a: {  	p0 =	seq.s32 s5, $0x0;
	s5 =	sld [smem:$0x3FAD]  }
0x2b: {  	s6 =	sld [smem:$0x3FAE]  }
0x2c: {  	s7 =	sld [smem:$0x3FAF]  }
0x2d: {  	s3 =	simm.s32 $0x108;
	s8 =	sld [smem:$0x3FB0]  }
0x2e: {  	s3 =	simm.s32 @!p0 $0x1082;
	s9 =	sld [smem:$0x3FB1]  }
0x2f: {  	lr =	sadd.s32 s0, s3;
	s0 =	sld [smem:$0x3FA8]  }
0x30: {  	s3 =	sld [smem:$0x3FAB]  }
0x31: {  	[smem:$0x3FB4] =	sst s10  }
0x32: {  	s10 =	sld [smem:$0x3FB2];
	_ =	sdelay $0x3  }
0x33: {  	p0 =	seq.s32 s10, $0x1;
	s10 =	sld [smem:$0x3FB4];
	_ =	sdelay $0x3  }
0x34: {  	[smem:$0x3FB4] =	sst s10  }
0x35: {  	s10 =	sld [smem:$0x3FB3];
	_ =	sdelay $0x3  }
0x36: {  	p1 =	seq.s32 s10, $0x1;
	s10 =	sld [smem:$0x3FB4];
	_ =	sdelay $0x3  }
0x37: {  	[smem:$0x3FB4] =	sst s10  }
0x38: {  	s10 =	sld [smem:$0x3FB5]  }
0x39: {  	_ = 	snop;
	(pc) =	sbr.ind lr, $3  }
0x3a: {  	_ = 	snop  }
0x3b: {  	_ = 	snop  }
0x3c: {  	p2 =	seq.s32 s10, $0x1;
	s10 =	sld [smem:$0x3FB4]  }
0x3d: {  	_ =	shalt  }
0x3e: {  	_ =	shalt  }
0x3f: {  	_ =	shalt  }
0x40: {  	_ =	shalt  }
0x41: {  	_ =	shalt  }
0x42: {  	_ =	shalt  }
0x43: {  	_ =	shalt  }
0x44: {  	_ =	shalt  }
0x45: {  	_ =	shalt  }
0x46: {  	_ =	shalt  }
0x47: {  	_ =	shalt  }
0x48: {  	_ =	shalt  }
0x49: {  	_ =	shalt  }
0x4a: {  	_ =	shalt  }
0x4b: {  	_ =	shalt  }
0x4c: {  	_ =	shalt  }
0x4d: {  	_ =	shalt  }
0x4e: {  	_ =	shalt  }
0x4f: {  	_ =	shalt  }
0x50: {  	_ =	shalt  }
0x51: {  	_ =	shalt  }
0x52: {  	_ =	shalt  }
0x53: {  	_ =	shalt  }
0x54: {  	_ =	shalt  }
0x55: {  	_ =	shalt  }
0x56: {  	_ =	shalt  }
0x57: {  	_ =	shalt  }
0x58: {  	_ =	shalt  }
0x59: {  	_ =	shalt  }
0x5a: {  	_ =	shalt  }
0x5b: {  	_ =	shalt  }
0x5c: {  	_ =	shalt  }
0x5d: {  	_ =	shalt  }
0x5e: {  	_ =	shalt  }
0x5f: {  	_ =	shalt  }
0x60: {  	_ =	shalt  }
0x61: {  	_ =	shalt  }
0x62: {  	_ =	shalt  }
0x63: {  	_ =	shalt  }
0x64: {  	_ =	shalt  }
0x65: {  	_ =	shalt  }
0x66: {  	_ =	shalt  }
0x67: {  	_ =	shalt  }
0x68: {  	_ =	shalt  }
0x69: {  	_ =	shalt  }
0x6a: {  	_ =	shalt  }
0x6b: {  	_ =	shalt  }
0x6c: {  	_ =	shalt  }
0x6d: {  	_ =	shalt  }
0x6e: {  	_ =	shalt  }
0x6f: {  	_ =	shalt  }
0x70: {  	_ =	shalt  }
0x71: {  	_ =	shalt  }
0x72: {  	_ =	shalt  }
0x73: {  	_ =	shalt  }
0x74: {  	_ =	shalt  }
0x75: {  	_ =	shalt  }
0x76: {  	_ =	shalt  }
0x77: {  	_ =	shalt  }
0x78: {  	_ =	shalt  }
0x79: {  	_ =	shalt  }
0x7a: {  	_ =	shalt  }
0x7b: {  	_ =	shalt  }
0x7c: {  	_ =	shalt  }
0x7d: {  	_ =	shalt  }
0x7e: {  	_ =	shalt  }
0x7f: {  	_ =	shalt  }
0x80: {  	_ =	shalt  }
0x81: {  	_ =	shalt  }
0x82: {  	_ =	shalt  }
0x83: {  	_ =	shalt  }
0x84: {  	_ =	shalt  }
0x85: {  	_ =	shalt  }
0x86: {  	_ =	shalt  }
0x87: {  	_ =	shalt  }
.Lfunc_end0:
.L_simem_size_0:
called_computation.1_lowered:
.L_overlay_start_0:
0x88: {  	s2 =	sld [smem:$0x3FD9]  }
0x89: {  	s3 =	sld [smem:$0x3FFE];
	_ =	sdelay $0x1  }
0x8a: {  	s1 =	srdreg.scid  }
0x8b: {  	s0 =	sand.u32 $0x1, s1  }
0x8c: {  	s17 =	sshll.u32 s0, $0xA;
	s2 =	sadd.s32 s3, s2  }
0x8d: {  	s2 =	sadd.s32 s2, s17  }
0x8e: {  	[smem:$0x3FC0] =	sst s2  }
0x8f: {  	_ = 	snop  }
0x90: {  	s2 =	sld [smem:$0x3FD0];
	(tm) =	ssettm $0x1  }
0x91: {  	s18 =	sld [smem:$0x3FFB];
	_ =	sdelay $0x3  }
0x92: {  	_ =	strace s18  }
0x93: {  	s3 =	sld [smem:$0x3FFC];
	_ =	sdelay $0x3  }
0x94: {  	_ =	strace s3  }
0x95: {  	s3 =	sld [smem:$0x3FFD];
	_ =	sdelay $0x3  }
0x96: {  	_ =	strace s3  }
0x97: {  	_ =	strace $0x8FFFFFFF  }
0x98: {  	s19 =	sld [smem:$0x3FDB];
	_ =	sdelay $0x1  }
0x99: {  	s4 =	simm.s32 $_scs_section_size  }
0x9a: {  	s5 =	simm.s32 $_size__tile_overlayer_lowered;
	s6 =	simm.s32 $_tile_overlayer_lowered  }
0x9b: {  	s22 =	simm.s32 $0x1BFF;
	s21 =	sshll.u32 s6, $0x1;
	s3 =	sadd.s32 s4, s19  }
0x9c: {  	s7 =	simm.s32 $0x0;
	s20 =	sshll.u32 s5, $0x1;
	s5 =	sadd.s32 s21, s3  }
0x9d: {  	[timem:s7], [sflag:s22] =	dma.local [hbm:s5], s20  }
0x9e: {  	_ =	swait.ge [sflag:s22], s20  }
0x9f: {  	s4 =	ssub.s32 $0x0, s20;
	[sflag:s22] =	ssyncset.done $0x0  }
0xa0: {  	[sflag:s22] =	ssyncadd.s32 s4;
	_ =	sdelay $0x1  }
0xa1: {  	s23 =	simm.s32 $0x1B8B  }
0xa2: {  	_ =	swait.ge [sflag:s23], $0x1  }
0xa3: {  	[sflag:s23] =	ssyncset.done $0x0  }
0xa4: {  	s25 =	simm.s32 $0x1B8E;
	s24 =	sld [smem:$0x3FFE];
	[sflag:s23] =	ssyncadd.s32 $0xFFFFFFFF  }
0xa5: {  	s26 =	simm.s32 $execute0_lowered;
	[smem:$0x3FD2] =	sst s25  }
0xa6: {  	s5 =	sshll.u32 s26, $0x1;
	_ =	strace $0x80000049;
	[dreg:$0x1] =	wrdreg $0xFFFFFFFF  }
0xa7: {  	s28 =	simm.s32 $_size_execute0_lowered;
	s3 =	sadd.s32 s3, s5;
	[dreg:$0x0] =	wrdreg $0x0  }
0xa8: {  	s5 =	sshll.u32 s28, $0x1;
	[dreg:$0x2] =	wrdreg s3  }
0xa9: {  	[dreg:$0x3] =	wrdreg s5  }
0xaa: {  	[dreg:$0x4] =	wrdreg $0xC0  }
0xab: {  	_ =	task [dreg:s7], $0x5FFFF  }
0xac: {  	[dreg:$0x1] =	wrdreg $0xFFFFFFFF  }
0xad: {  	[dreg:$0x0] =	wrdreg $0x60  }
0xae: {  	[dreg:$0x2] =	wrdreg s24  }
0xaf: {  	[dreg:$0x3] =	wrdreg s2  }
0xb0: {  	[dreg:$0x4] =	wrdreg $0xB0000  }
0xb1: {  	[dreg:$0x5] =	wrdreg $0x9  }
0xb2: {  	_ =	task.clear_ibuf [dreg:s7], $0x6FFFF;
	_ =	strace $0x90000049  }
0xb3: {  	s29 =	simm.s32 $0x9;
	_ =	strace $0x8000004B  }
0xb4: {  	_ =	swait.ge [sflag:s29], $0x1  }
0xb5: {  	[sflag:s29] =	ssyncadd.s32 $0xFFFFFFFF  }
0xb6: {  	_ =	strace $0x9000004B  }
0xb7: {  	_ =	sfence  }
0xb8: {  	s30 =	sld [smem:$0x0];
	_ =	sdelay $0x2  }
0xb9: {  	s31 =	sshll.u32 s1, $0xD;
	s1 =	sshrl.u32 s1, $0x2  }
0xba: {  	s3 =	sand.u32 $0x4000, s31;
	s1 =	sadd.s32 s1, s30  }
0xbb: {  	s0 =	sor.u32 s3, s0;
	s1 =	sshll.u32 s1, $0x11  }
0xbc: {  	s0 =	sor.u32 s1, s0  }
0xbd: {  	s0 =	sadd.s32 $0x8F2B, s0  }
0xbe: {  	[sflag:s0] =	ssyncadd.remote.s32 $0x1  }
0xbf: {  	_ =	sfence.sel $0xFFFF  }
0xc0: {  	[dreg:$0x0] =	wrdreg $0xFFFFFFFF;
	(pc) =	sbr.abs _section_cstart, $3  }
0xc1: {  	[dreg:$0x1] =	wrdreg $0xFFFFFFFF  }
0xc2: {  	_ =	task.clear_ibuf [dreg:s7], $0x2FFFF;
	_ =	strace $0x9FFFFFFF  }
0xc3: {  	(tm) =	ssettm $0x7FFFFFFF  }
tec
execute0_lowered:
.L_overlay_start_1:
0x0: {  	(tag) =	ssettag $0x1  }
0x1: {  	s0 =	rddreg [dreg:$0x0]  }
0x2: {  	s3 =	rddreg [dreg:$0x1]  }
0x3: {  	s1 =	rddreg [dreg:$0x2];
	s2 =	simm.s32 $0x0;
	s5 =	srdreg.scid  }
0x4: {  	s16 =	stileid.u32;
	s18 =	simm.s32 $0x1800;
	s19 =	simm.s32 $0x7D  }
0x5: {  	s28 =	simm.s32 $0x1880;
	s29 =	simm.s32 $0x4;
	s30 =	simm.s32 $0x1380  }
0x6: {  	s31 =	simm.s32 $0x2B00;
	[smem:$0x7FF] =	sst s2;
	s4 =	sadd.s32 $0x15C00, s0  }
0x7: {  	s7 =	sadd.s32 $0xBC00, s0;
	s5 =	sand.u32 $0x1, s5;
	s8 =	smul.u32 $0x4E000, s16  }
0x8: {  	s11 =	sadd.s32 $0x1C00, s0;
	s10 =	sshll.u32 s16, $0x1;
	s12 =	smul.u32 $0x13800, s16  }
0x9: {  	s0 =	sadd.s32 $0x3CE00, s0;
	s23 =	sshll.u32 s16, $0x6;
	s17 =	sadd.s32 $0x138000, s1  }
0xa: {  	p0 =	sne.s32 s16, $0xF;
	s16 =	simm.s32 $0x5;
	_ =	strace $0x8000004A  }
0xb: {  	s6 =	ssub.s32 $0x2, s5;
	s20 =	sor.u32 s5, s10;
	s5 =	smul.u32 $0x138800, s5  }
0xc: {  	s17 =	sshrl.u32 @!p0 s17, $0x3;
	s9 =	sshrl.u32 s6, $0x1;
	s8 =	sshrl.u32 s8, $0x2  }
0xd: {  	s21 =	sshrl.u32 s12, $0x3;
	s10 =	smul.u32 $0x2800, s20;
	s20 =	simm.s32 $0x3000  }
0xe: {  	s14 =	ssub.s32 s6, s9;
	s15 =	sadd.s32 s8, s1;
	s22 =	sadd.s32 s3, s21  }
0xf: {  	s6 =	sor.u32 $0x1C05, s23;
	s3 =	sadd.s32 $0x27000, s3;
	s12 =	sadd.s32 s12, s5  }
0x10: {  	s5 =	sshrl.u32 s5, $0x3;
	s21 =	simm.s32 $0x80;
	[dreg:$0x4] =	wrdreg s22  }
0x11: {  	s23 =	simm.s32 $0x1;
	s10 =	sshrl.u32 s10, $0x3;
	[dreg:$0x5] =	wrdreg s3  }
0x12: {  	s26 =	sshrl.u32 s12, $0x3;
	s14 =	smax.u32 s14, $0x1;
	s15 =	sshrl.u32 s15, $0x3  }
0x13: {  	s22 =	simm.s32 $0x7000;
	s3 =	simm.s32 $0x0;
	s24 =	sadd.s32 s7, s10  }
0x14: {  	s9 =	sadd.s32 s11, s10;
	s25 =	sadd.s32 $0x280, s10;
	s12 =	sadd.s32 s0, s26  }
0x15: {  	s0 =	sadd.s32 s0, s5;
	s26 =	simm.s32 $0x2;
	[dreg:$0x6] =	wrdreg s24  }
0x16: {  	s10 =	sadd.s32 s7, s25;
	s11 =	sadd.s32 s11, s25;
	s13 =	sadd.s32 $0x27000, s0  }
0x17: {  	s24 =	simm.s32 $0x3;
	s25 =	simm.s32 $0x100;
	s0 =	simm.s32 $0x2B80  }
.LBB2_1:
0x18: {  	s5 =	rddreg [dreg:$0x4]  }
0x19: {  	[spmem:s15], [sflag:s6] =	dma.local [hbm:s5], $0x2700  }
0x1a: {  	_ =	swait.ge [sflag:s16], $0x2700  }
0x1b: {  	[sflag:s16] =	ssyncset.done $0x0  }
0x1c: {  	s5 =	rddreg [dreg:$0x5];
	[sflag:s16] =	ssyncadd.s32 $0xFFFFD900  }
0x1d: {  	[spmem:s17], [sflag:s6] =	dma.local @!p0 [hbm:s5], $0x100  }
0x1e: {  	s5 =	simm.s32 @!p0 $0x5  }
0x1f: {  	_ =	swait.ge @!p0 [sflag:s5], $0x100  }
0x20: {  	[sflag:s5] =	ssyncset.done @!p0 $0x0  }
0x21: {  	[sflag:s5] =	ssyncadd.s32 @!p0 $0xFFFFFF00  }
0x22: {  	[bflag:$0x0] =	sbarrier.arrive $0xFFFF  }
0x23: {  	s7 =	rddreg [dreg:$0x6]  }
0x24: {  	[tilespmem:s2], [sflag:$0x5] =	stream.linear.gather [hbm4b:s7+s2], $0x1400, $0x38;
	[tilespmem:$0x1E880] =	vst v63  }
0x25: {  	_ =	swait.ge [sflag:s16], $0x1400  }
0x26: {  	[sflag:s16] =	ssyncset.done $0x0  }
0x27: {  	[sflag:s16] =	ssyncadd.s32 $0xFFFFEC00  }
0x28: {  	[tilespmem:s18], [sflag:$0x5] =	stream.linear.gather [hbm4b:s9+s2], $0x1400, $0x38;
	[tilespmem:$0x1E880] =	vst v63  }
0x29: {  	_ =	swait.ge [sflag:s16], $0x1400  }
0x2a: {  	[sflag:s16] =	ssyncset.done $0x0  }
0x2b: {  	[sflag:s16] =	ssyncadd.s32 $0xFFFFEC00  }
0x2c: {  	[tilespmem:s20], [sflag:$0x1] =	stream.indirect.gather [hbm4b:s4+s19], $0x80, s2, s19, $0xb8;
	[tilespmem:$0x1E880] =	vst v63  }
0x2d: {  	_ = 	snop  }
0x2e: {  	[tilespmem:s22], [sflag:$0x2] =	stream.indirect.gather [hbm4b:s4+s19], $0x80, s21, s19, $0xb8;
	[tilespmem:$0x1E880] =	vst v63  }
0x2f: {  	_ =	swait.ge [sflag:s23], $0x3E80  }
0x30: {  	[sflag:s23] =	ssyncset.done $0x0  }
0x31: {  	[sflag:s23] =	ssyncadd.s32 $0xFFFFC180  }
0x32: {  	[spmem:s1] =	stream.indirect.scatter.add.f32 [tilespmem:s20], [sflag:$0x3], $0x80, s18, s19, $0xb8;
	[tilespmem:$0x1E880] =	vst v63  }
0x33: {  	_ =	swait.ge [sflag:s24], $0x3E80  }
0x34: {  	[sflag:s24] =	ssyncset.done $0x0  }
0x35: {  	[sflag:s24] =	ssyncadd.s32 $0xFFFFC180  }
0x36: {  	[tilespmem:s20], [sflag:$0x1] =	stream.indirect.gather [hbm4b:s4+s19], $0x80, s25, s19, $0xb8;
	[tilespmem:$0x1E880] =	vst v63  }
0x37: {  	_ =	swait.ge [sflag:s26], $0x3E80  }
0x38: {  	[sflag:s26] =	ssyncset.done $0x0  }
0x39: {  	[sflag:s26] =	ssyncadd.s32 $0xFFFFC180  }
0x3a: {  	[spmem:s1] =	stream.indirect.scatter.add.f32 [tilespmem:s22], [sflag:$0x4], $0x80, s28, s19, $0xb8;
	[tilespmem:$0x1E880] =	vst v63  }
0x3b: {  	_ =	swait.ge [sflag:s29], $0x3E80  }
0x3c: {  	[sflag:s29] =	ssyncset.done $0x0  }
0x3d: {  	s8 =	simm.s32 $0x180;
	[sflag:s29] =	ssyncadd.s32 $0xFFFFC180  }
0x3e: {  	[tilespmem:s22], [sflag:$0x2] =	stream.indirect.gather [hbm4b:s4+s19], $0x80, s8, s19, $0xb8;
	[tilespmem:$0x1E880] =	vst v63  }
0x3f: {  	_ =	swait.ge [sflag:s23], $0x3E80  }
0x40: {  	[sflag:s23] =	ssyncset.done $0x0  }
0x41: {  	s7 =	simm.s32 $0x1900;
	[sflag:s23] =	ssyncadd.s32 $0xFFFFC180  }
0x42: {  	[spmem:s1] =	stream.indirect.scatter.add.f32 [tilespmem:s20], [sflag:$0x3], $0x80, s7, s19, $0xb8;
	[tilespmem:$0x1E880] =	vst v63  }
0x43: {  	_ =	swait.ge [sflag:s24], $0x3E80  }
0x44: {  	[sflag:s24] =	ssyncset.done $0x0  }
0x45: {  	s8 =	simm.s32 $0x200;
	[sflag:s24] =	ssyncadd.s32 $0xFFFFC180  }
0x46: {  	[tilespmem:s20], [sflag:$0x1] =	stream.indirect.gather [hbm4b:s4+s19], $0x80, s8, s19, $0xb8;
	[tilespmem:$0x1E880] =	vst v63  }
0x47: {  	_ =	swait.ge [sflag:s26], $0x3E80  }
0x48: {  	[sflag:s26] =	ssyncset.done $0x0  }
0x49: {  	s5 =	simm.s32 $0xFFFFBC00;
	s7 =	simm.s32 $0x1980;
	[sflag:s26] =	ssyncadd.s32 $0xFFFFC180  }
.LBB2_2:
0x4a: {  	[spmem:s1] =	stream.indirect.scatter.add.f32 [tilespmem:s22], [sflag:$0x4], $0x80, s7, s19, $0xb8;
	[tilespmem:$0x1E880] =	vst v63  }
0x4b: {  	s7 =	smov.u32 s5  }
0x4c: {  	p1 =	sne.s32 s5, $0xFFFFFC00;
	s5 =	sadd.s32 $0x400, s5;
	_ =	swait.ge [sflag:s29], $0x3E80  }
0x4d: {  	s7 =	sshra.s32 s7, $0x2;
	[sflag:s29] =	ssyncset.done $0x0  }
0x4e: {  	s8 =	sadd.s32 $0x1380, s7;
	[sflag:s29] =	ssyncadd.s32 $0xFFFFC180  }
0x4f: {  	[tilespmem:s22], [sflag:$0x2] =	stream.indirect.gather [hbm4b:s4+s19], $0x80, s8, s19, $0xb8;
	[tilespmem:$0x1E880] =	vst v63  }
0x50: {  	_ =	swait.ge [sflag:s23], $0x3E80  }
0x51: {  	[sflag:s23] =	ssyncset.done $0x0  }
0x52: {  	s8 =	sadd.s32 $0x2B00, s7;
	[sflag:s23] =	ssyncadd.s32 $0xFFFFC180  }
0x53: {  	[spmem:s1] =	stream.indirect.scatter.add.f32 [tilespmem:s20], [sflag:$0x3], $0x80, s8, s19, $0xb8;
	[tilespmem:$0x1E880] =	vst v63  }
0x54: {  	_ =	swait.ge [sflag:s24], $0x3E80  }
0x55: {  	[sflag:s24] =	ssyncset.done $0x0  }
.Ltmp0:
0x56: {  	s8 =	sadd.s32 $0x1400, s7;
	[sflag:s24] =	ssyncadd.s32 $0xFFFFC180;
	(pc) =	sbr.rel @p1 .LBB2_2-.Ltmp0, $4  }
0x57: {  	[tilespmem:s20], [sflag:$0x1] =	stream.indirect.gather [hbm4b:s4+s19], $0x80, s8, s19, $0xb8;
	[tilespmem:$0x1E880] =	vst v63  }
0x58: {  	_ =	swait.ge [sflag:s26], $0x3E80  }
0x59: {  	[sflag:s26] =	ssyncset.done $0x0  }
0x5a: {  	s7 =	sadd.s32 $0x2B80, s7;
	[sflag:s26] =	ssyncadd.s32 $0xFFFFC180  }
0x5b: {  	[spmem:s1] =	stream.indirect.scatter.add.f32 [tilespmem:s22], [sflag:$0x4], $0x80, s7, s19, $0xb8;
	[tilespmem:$0x1E880] =	vst v63  }
0x5c: {  	_ =	swait.ge [sflag:s29], $0x3E80  }
0x5d: {  	[sflag:s29] =	ssyncset.done $0x0  }
0x5e: {  	[sflag:s29] =	ssyncadd.s32 $0xFFFFC180  }
0x5f: {  	[tilespmem:s22], [sflag:$0x2] =	stream.indirect.gather [hbm4b:s4+s19], $0x80, s30, s19, $0xb8;
	[tilespmem:$0x1E880] =	vst v63  }
0x60: {  	_ =	swait.ge [sflag:s23], $0x3E80  }
0x61: {  	[sflag:s23] =	ssyncset.done $0x0  }
0x62: {  	[sflag:s23] =	ssyncadd.s32 $0xFFFFC180  }
0x63: {  	[spmem:s1] =	stream.indirect.scatter.add.f32 [tilespmem:s20], [sflag:$0x3], $0x80, s31, s19, $0xb8;
	[tilespmem:$0x1E880] =	vst v63  }
0x64: {  	_ =	swait.ge [sflag:s26], $0x3E80  }
0x65: {  	[sflag:s26] =	ssyncset.done $0x0  }
0x66: {  	[sflag:s26] =	ssyncadd.s32 $0xFFFFC180  }
0x67: {  	[spmem:s1] =	stream.indirect.scatter.add.f32 [tilespmem:s22], [sflag:$0x4], $0x80, s0, s19, $0xb8;
	[tilespmem:$0x1E880] =	vst v63  }
0x68: {  	_ =	swait.ge [sflag:s24], $0x3E80  }
0x69: {  	[sflag:s24] =	ssyncset.done $0x0  }
0x6a: {  	[sflag:s24] =	ssyncadd.s32 $0xFFFFC180  }
0x6b: {  	_ =	swait.ge [sflag:s29], $0x3E80  }
0x6c: {  	[sflag:s29] =	ssyncset.done $0x0  }
0x6d: {  	[sflag:s29] =	ssyncadd.s32 $0xFFFFC180  }
0x6e: {  	[tilespmem:s2], [sflag:$0x5] =	stream.linear.gather [hbm4b:s10+s2], $0x1400, $0x38;
	[tilespmem:$0x1E880] =	vst v63  }
0x6f: {  	_ =	swait.ge [sflag:s16], $0x1400  }
0x70: {  	[sflag:s16] =	ssyncset.done $0x0  }
0x71: {  	[sflag:s16] =	ssyncadd.s32 $0xFFFFEC00  }
0x72: {  	[tilespmem:s18], [sflag:$0x5] =	stream.linear.gather [hbm4b:s11+s2], $0x1400, $0x38;
	[tilespmem:$0x1E880] =	vst v63  }
0x73: {  	_ =	swait.ge [sflag:s16], $0x1400  }
0x74: {  	[sflag:s16] =	ssyncset.done $0x0  }
0x75: {  	[sflag:s16] =	ssyncadd.s32 $0xFFFFEC00  }
0x76: {  	[tilespmem:s20], [sflag:$0x1] =	stream.indirect.gather [hbm4b:s4+s19], $0x80, s2, s19, $0xb8;
	[tilespmem:$0x1E880] =	vst v63  }
0x77: {  	_ = 	snop  }
0x78: {  	[tilespmem:s22], [sflag:$0x2] =	stream.indirect.gather [hbm4b:s4+s19], $0x80, s21, s19, $0xb8;
	[tilespmem:$0x1E880] =	vst v63  }
0x79: {  	_ =	swait.ge [sflag:s23], $0x3E80  }
0x7a: {  	[sflag:s23] =	ssyncset.done $0x0  }
0x7b: {  	[sflag:s23] =	ssyncadd.s32 $0xFFFFC180  }
0x7c: {  	[spmem:s1] =	stream.indirect.scatter.add.f32 [tilespmem:s20], [sflag:$0x3], $0x80, s18, s19, $0xb8;
	[tilespmem:$0x1E880] =	vst v63  }
0x7d: {  	_ =	swait.ge [sflag:s24], $0x3E80  }
0x7e: {  	[sflag:s24] =	ssyncset.done $0x0  }
0x7f: {  	[sflag:s24] =	ssyncadd.s32 $0xFFFFC180  }
0x80: {  	[tilespmem:s20], [sflag:$0x1] =	stream.indirect.gather [hbm4b:s4+s19], $0x80, s25, s19, $0xb8;
	[tilespmem:$0x1E880] =	vst v63  }
0x81: {  	_ =	swait.ge [sflag:s26], $0x3E80  }
0x82: {  	[sflag:s26] =	ssyncset.done $0x0  }
0x83: {  	[sflag:s26] =	ssyncadd.s32 $0xFFFFC180  }
0x84: {  	[spmem:s1] =	stream.indirect.scatter.add.f32 [tilespmem:s22], [sflag:$0x4], $0x80, s28, s19, $0xb8;
	[tilespmem:$0x1E880] =	vst v63  }
0x85: {  	_ =	swait.ge [sflag:s29], $0x3E80  }
0x86: {  	[sflag:s29] =	ssyncset.done $0x0  }
0x87: {  	s5 =	simm.s32 $0x180;
	[sflag:s29] =	ssyncadd.s32 $0xFFFFC180  }
0x88: {  	[tilespmem:s22], [sflag:$0x2] =	stream.indirect.gather [hbm4b:s4+s19], $0x80, s5, s19, $0xb8;
	[tilespmem:$0x1E880] =	vst v63  }
0x89: {  	_ =	swait.ge [sflag:s23], $0x3E80  }
0x8a: {  	[sflag:s23] =	ssyncset.done $0x0  }
0x8b: {  	s7 =	simm.s32 $0x1900;
	[sflag:s23] =	ssyncadd.s32 $0xFFFFC180  }
0x8c: {  	[spmem:s1] =	stream.indirect.scatter.add.f32 [tilespmem:s20], [sflag:$0x3], $0x80, s7, s19, $0xb8;
	[tilespmem:$0x1E880] =	vst v63  }
0x8d: {  	_ =	swait.ge [sflag:s24], $0x3E80  }
0x8e: {  	[sflag:s24] =	ssyncset.done $0x0  }
0x8f: {  	s8 =	simm.s32 $0x200;
	[sflag:s24] =	ssyncadd.s32 $0xFFFFC180  }
0x90: {  	[tilespmem:s20], [sflag:$0x1] =	stream.indirect.gather [hbm4b:s4+s19], $0x80, s8, s19, $0xb8;
	[tilespmem:$0x1E880] =	vst v63  }
0x91: {  	_ =	swait.ge [sflag:s26], $0x3E80  }
0x92: {  	[sflag:s26] =	ssyncset.done $0x0  }
0x93: {  	s5 =	simm.s32 $0xFFFFBC00;
	s7 =	simm.s32 $0x1980;
	[sflag:s26] =	ssyncadd.s32 $0xFFFFC180  }
.LBB2_4:
0x94: {  	[spmem:s1] =	stream.indirect.scatter.add.f32 [tilespmem:s22], [sflag:$0x4], $0x80, s7, s19, $0xb8;
	[tilespmem:$0x1E880] =	vst v63  }
0x95: {  	s7 =	smov.u32 s5  }
0x96: {  	p1 =	sne.s32 s5, $0xFFFFFC00;
	s5 =	sadd.s32 $0x400, s5;
	_ =	swait.ge [sflag:s29], $0x3E80  }
0x97: {  	s7 =	sshra.s32 s7, $0x2;
	[sflag:s29] =	ssyncset.done $0x0  }
0x98: {  	s8 =	sadd.s32 $0x1380, s7;
	[sflag:s29] =	ssyncadd.s32 $0xFFFFC180  }
0x99: {  	[tilespmem:s22], [sflag:$0x2] =	stream.indirect.gather [hbm4b:s4+s19], $0x80, s8, s19, $0xb8;
	[tilespmem:$0x1E880] =	vst v63  }
0x9a: {  	_ =	swait.ge [sflag:s23], $0x3E80  }
0x9b: {  	[sflag:s23] =	ssyncset.done $0x0  }
0x9c: {  	s8 =	sadd.s32 $0x2B00, s7;
	[sflag:s23] =	ssyncadd.s32 $0xFFFFC180  }
0x9d: {  	[spmem:s1] =	stream.indirect.scatter.add.f32 [tilespmem:s20], [sflag:$0x3], $0x80, s8, s19, $0xb8;
	[tilespmem:$0x1E880] =	vst v63  }
0x9e: {  	_ =	swait.ge [sflag:s24], $0x3E80  }
0x9f: {  	[sflag:s24] =	ssyncset.done $0x0  }
.Ltmp1:
0xa0: {  	s8 =	sadd.s32 $0x1400, s7;
	[sflag:s24] =	ssyncadd.s32 $0xFFFFC180;
	(pc) =	sbr.rel @p1 .LBB2_4-.Ltmp1, $4  }
0xa1: {  	[tilespmem:s20], [sflag:$0x1] =	stream.indirect.gather [hbm4b:s4+s19], $0x80, s8, s19, $0xb8;
	[tilespmem:$0x1E880] =	vst v63  }
0xa2: {  	_ =	swait.ge [sflag:s26], $0x3E80  }
0xa3: {  	[sflag:s26] =	ssyncset.done $0x0  }
0xa4: {  	s7 =	sadd.s32 $0x2B80, s7;
	[sflag:s26] =	ssyncadd.s32 $0xFFFFC180  }
0xa5: {  	[spmem:s1] =	stream.indirect.scatter.add.f32 [tilespmem:s22], [sflag:$0x4], $0x80, s7, s19, $0xb8;
	[tilespmem:$0x1E880] =	vst v63  }
0xa6: {  	_ =	swait.ge [sflag:s29], $0x3E80  }
0xa7: {  	[sflag:s29] =	ssyncset.done $0x0  }
0xa8: {  	[sflag:s29] =	ssyncadd.s32 $0xFFFFC180  }
0xa9: {  	[tilespmem:s22], [sflag:$0x2] =	stream.indirect.gather [hbm4b:s4+s19], $0x80, s30, s19, $0xb8;
	[tilespmem:$0x1E880] =	vst v63  }
0xaa: {  	_ =	swait.ge [sflag:s23], $0x3E80  }
0xab: {  	[sflag:s23] =	ssyncset.done $0x0  }
0xac: {  	[sflag:s23] =	ssyncadd.s32 $0xFFFFC180  }
0xad: {  	[spmem:s1] =	stream.indirect.scatter.add.f32 [tilespmem:s20], [sflag:$0x3], $0x80, s31, s19, $0xb8;
	[tilespmem:$0x1E880] =	vst v63  }
0xae: {  	_ =	swait.ge [sflag:s26], $0x3E80  }
0xaf: {  	[sflag:s26] =	ssyncset.done $0x0  }
0xb0: {  	[sflag:s26] =	ssyncadd.s32 $0xFFFFC180  }
0xb1: {  	[spmem:s1] =	stream.indirect.scatter.add.f32 [tilespmem:s22], [sflag:$0x4], $0x80, s0, s19, $0xb8;
	[tilespmem:$0x1E880] =	vst v63  }
0xb2: {  	_ =	swait.ge [sflag:s24], $0x3E80  }
0xb3: {  	[sflag:s24] =	ssyncset.done $0x0  }
0xb4: {  	[sflag:s24] =	ssyncadd.s32 $0xFFFFC180  }
0xb5: {  	_ =	swait.ge [sflag:s29], $0x3E80  }
0xb6: {  	[sflag:s29] =	ssyncset.done $0x0  }
0xb7: {  	[sflag:s29] =	ssyncadd.s32 $0xFFFFC180  }
0xb8: {  	[bflag:$0x0] =	sbarrier.arrive $0xFFFF  }
0xb9: {  	[hbm:s12], [sflag:s6] =	dma.local [spmem:s15], $0x2700  }
0xba: {  	s3 =	sadd.s32 $0x1, s3;
	_ =	swait.ge [sflag:s16], $0x2700  }
0xbb: {  	p1 =	sne.s32 s3, s14;
	[sflag:s16] =	ssyncset.done $0x0  }
.Ltmp2:
0xbc: {  	s5 =	simm.s32 @!p0 $0x5;
	[sflag:s16] =	ssyncadd.s32 $0xFFFFD900;
	(pc) =	sbr.rel @p1 .LBB2_1-.Ltmp2, $4  }
0xbd: {  	[hbm:s13], [sflag:s6] =	dma.local @!p0 [spmem:s17], $0x100  }
0xbe: {  	_ =	swait.ge @!p0 [sflag:s5], $0x100  }
0xbf: {  	[sflag:s5] =	ssyncset.done @!p0 $0x0  }
0xc0: {  	[sflag:s5] =	ssyncadd.s32 @!p0 $0xFFFFFF00  }
0xc1: {  	_ =	sfence.sel $0x180000  }
0xc2: {  	[bflag:$0x0] =	sbarrier.arrive $0xFFFF  }
0xc3: {  	_ =	strace $0x9000004A  }
0xc4: {  	s0 =	stileid.u32;
	[bflag:$0x2] =	sbarrier.arrive $0xFFFF  }
0xc5: {  	p0 =	sne.s32 s0, $0x0;
	s0 =	rddreg [dreg:$0x3]  }
0xc6: {  	s0 =	sadd.s32 @!p0 $0x100000, s0  }
0xc7: {  	[sflag:s0] =	ssyncadd.tile.s32 @!p0 $0x1;
	_ =	shalt  }
.Lfunc_end2:
_tile_overlayer_lowered:
.L_overlay_start_2:
0xc8: {  	(tag) =	ssettag $0x2  }
0xc9: {  	s0 =	rddreg [dreg:$0x0];
	s2 =	stileid.u32  }
0xca: {  	s1 =	rddreg [dreg:$0x1];
	p0 =	sne.s32 s2, $0x0  }
0xcb: {  	s3 =	rddreg [dreg:$0x2];
	[bflag:$0x3] =	sbarrier.arrive $0xFFFF;
	s2 =	simm.s32 @!p0 $0x1C05  }
0xcc: {  	[timem:s3], [sflag:s2] =	dma.local @!p0 [hbm:s0], s1  }
0xcd: {  	s0 =	simm.s32 @!p0 $0x5  }
0xce: {  	_ =	swait.ge @!p0 [sflag:s0], s1  }
0xcf: {  	s1 =	ssub.s32 @!p0 $0x0, s1;
	[sflag:s0] =	ssyncset.done @!p0 $0x0  }
0xd0: {  	[sflag:s0] =	ssyncadd.s32 @!p0 s1  }
0xd1: {  	[bflag:$0x3] =	sbarrier.arrive $0xFFFF  }
0xd2: {  	_ =	shalt  }

</sc_bundles>
